<compile_context>
chip_gen: v7x
topology: tpu7x:2x2x1
jax: 0.10.2.dev20260603
libtpu: 0.0.44.dev20260713+nightly
codegen_flags: <defaults>
</compile_context>

<pallas_src>
import functools

import jax
import jax.numpy as jnp
from jax import lax
from jax.experimental import pallas as pl
from jax.experimental.pallas import tpu as pltpu
from jax.experimental.pallas import tpu_sc as plsc

_N = 10000
_E = 320000
_H = 128
_G = 64
_C = 10

_NC = 2
_NS = 16
_NW = _NC * _NS
_EPW = _E // _NW
_B = 80
_NCHUNK = _EPW // _B
_NP = 10240
_RPS = _NP // _NS
_K = 8

_mesh = plsc.VectorSubcoreMesh(core_axis_name="c", subcore_axis_name="s")


def _zero_fill(buf, rows, width):
    zero16 = jnp.zeros((16,), jnp.float32)

    def body(r, carry):
        for c in range(width // 16):
            buf[r, pl.ds(c * 16, 16)] = zero16
        return carry

    lax.fori_loop(0, rows, body, 0)


@functools.partial(
    pl.kernel,
    out_type=jax.ShapeDtypeStruct((_NC, _NP, 16), jnp.float32),
    mesh=_mesh,
    compiler_params=pltpu.CompilerParams(use_tc_tiling_on_sc=False),
    scratch_types=[
        pltpu.VMEM((_NCHUNK, 1, _B), jnp.int32),
        pltpu.VMEM((_B, 16), jnp.float32),
        pltpu.VMEM((_RPS, 16), jnp.float32),
        pltpu.VMEM_SHARED((_NP, 16), jnp.float32),
        pltpu.SemaphoreType.DMA,
        pltpu.SemaphoreType.DMA,
    ],
)
def _deg_kernel(dst3_hbm, out_hbm, didx3, ones_v, zbuf, hist, ssem, isem):
    cid = lax.axis_index("c")
    sid = lax.axis_index("s")
    wid = sid * _NC + cid
    idma = pltpu.async_copy(dst3_hbm.at[wid], didx3, isem)

    one16 = jnp.ones((16,), jnp.float32)

    def fill_ones(r, carry):
        ones_v[r, pl.ds(0, 16)] = one16
        return carry

    lax.fori_loop(0, _B, fill_ones, 0)
    _zero_fill(zbuf, _RPS, 16)
    pltpu.sync_copy(zbuf, hist.at[pl.ds(sid * _RPS, _RPS)])
    plsc.subcore_barrier()
    idma.wait()

    def fire(j):
        pltpu.async_copy(ones_v, hist.at[didx3.at[j, 0]], ssem, add=True)

    def drain():
        pltpu.make_async_copy(ones_v, hist.at[pl.ds(0, _B)], ssem).wait()

    for j in range(_K):
        fire(j)

    def body(j, carry):
        drain()
        fire(j + _K)
        return carry

    lax.fori_loop(0, _NCHUNK - _K, body, 0)
    for _ in range(_K):
        drain()
    plsc.subcore_barrier()
    pltpu.sync_copy(
        hist.at[pl.ds(sid * _RPS, _RPS)],
        out_hbm.at[cid, pl.ds(sid * _RPS, _RPS)],
    )


@functools.partial(
    pl.kernel,
    out_type=jax.ShapeDtypeStruct((_NC, _NP, _H), jnp.float32),
    mesh=_mesh,
    scratch_types=(
        [pltpu.VMEM((_EPW,), jnp.int32)]
        + [pltpu.VMEM((1, _B), jnp.int32) for _ in range(3)]
        + [pltpu.VMEM((_B, _H), jnp.float32) for _ in range(3)]
        + [pltpu.VMEM_SHARED((_NP, _H), jnp.float32)]
        + [pltpu.SemaphoreType.DMA] * 10
    ),
)
def _msg_kernel(src2_hbm, dst3_hbm, y_hbm, out_hbm,
                sidx_all, d0, d1, d2, r0, r1, r2, acc,
                gs0, gs1, gs2, ss0, ss1, ss2, ds0, ds1, ds2, isem):
    cid = lax.axis_index("c")
    sid = lax.axis_index("s")
    wid = sid * _NC + cid
    ia = pltpu.async_copy(src2_hbm.at[wid], sidx_all, isem)
    didx = [d0, d1, d2]
    rows = [r0, r1, r2]
    gsem = [gs0, gs1, gs2]
    ssem = [ss0, ss1, ss2]
    dsem = [ds0, ds1, ds2]

    _zero_fill(r0, _B, _H)
    for k in range(_RPS // _B):
        pltpu.sync_copy(r0, acc.at[pl.ds(sid * _RPS + k * _B, _B)])
    plsc.subcore_barrier()
    ia.wait()

    def fire_didx(j, b):
        pltpu.async_copy(dst3_hbm.at[wid, j], didx[b], dsem[b])

    def wait_didx(b):
        pltpu.make_async_copy(dst3_hbm.at[0, 0], didx[b], dsem[b]).wait()

    def fire_gather(j, b):
        pltpu.async_copy(y_hbm.at[sidx_all.at[pl.ds(j * _B, _B)]], rows[b], gsem[b])

    def wait_gather(b):
        pltpu.make_async_copy(y_hbm.at[pl.ds(0, _B)], rows[b], gsem[b]).wait()

    def fire_scatter(j, b):
        pltpu.async_copy(rows[b], acc.at[didx[b].at[0]], ssem[b], add=True)

    def wait_scatter(b):
        pltpu.make_async_copy(rows[b], acc.at[pl.ds(0, _B)], ssem[b]).wait()

    for j in range(3):
        fire_didx(j, j)
        fire_gather(j, j)

    wait_gather(0); wait_didx(0); fire_scatter(0, 0)
    wait_gather(1); wait_didx(1); fire_scatter(1, 1)
    wait_scatter(0); fire_didx(3, 0); fire_gather(3, 0)
    wait_gather(2); wait_didx(2); fire_scatter(2, 2)
    wait_scatter(1); fire_didx(4, 1); fire_gather(4, 1)

    def steady(j3, carry):
        for b in range(3):
            j = 3 + 3 * j3 + b
            wait_gather(b)
            wait_didx(b)
            fire_scatter(j, b)
            ps = (b + 2) % 3
            wait_scatter(ps)
            fire_didx(j + 2, ps)
            fire_gather(j + 2, ps)
        return carry

    lax.fori_loop(0, (_NCHUNK - 5) // 3, steady, 0)

    wait_gather(0); wait_didx(0); fire_scatter(_NCHUNK - 2, 0)
    wait_gather(1); wait_didx(1); fire_scatter(_NCHUNK - 1, 1)
    wait_scatter(2)
    wait_scatter(0)
    wait_scatter(1)

    plsc.subcore_barrier()
    pltpu.sync_copy(
        acc.at[pl.ds(sid * _RPS, _RPS)],
        out_hbm.at[cid, pl.ds(sid * _RPS, _RPS)],
    )


def _tc_prep_body(hist_ref, x_ref, w1_ref, y1_ref, dis_ref):
    deg = 1.0 + hist_ref[0, 0:_N, 0:1] + hist_ref[1, 0:_N, 0:1]
    dis = lax.rsqrt(deg)
    xw = jnp.dot(x_ref[...], w1_ref[...], preferred_element_type=jnp.float32,
                 precision=lax.Precision.DEFAULT)
    y1_ref[...] = dis * xw
    dis_ref[...] = dis


_tc_prep = pl.pallas_call(
    _tc_prep_body,
    out_shape=(
        jax.ShapeDtypeStruct((_N, _H), jnp.float32),
        jax.ShapeDtypeStruct((_N, 1), jnp.float32),
    ),
)


def _tc_mid_body(p_ref, y1_ref, dis_ref, b1_ref, w2_ref, y2_ref):
    dis = dis_ref[...]
    h1 = jnp.maximum(
        dis * (p_ref[0, 0:_N, :] + p_ref[1, 0:_N, :] + y1_ref[...]) + b1_ref[...],
        0.0)
    hw = jnp.dot(h1, w2_ref[...], preferred_element_type=jnp.float32,
                 precision=lax.Precision.DEFAULT)
    y2_ref[...] = dis * hw


_tc_mid = pl.pallas_call(
    _tc_mid_body,
    out_shape=jax.ShapeDtypeStruct((_N, _H), jnp.float32),
)


def _tc_final_body(p_ref, y2_ref, dis_ref, b2_ref, batch_ref, wfc_ref, bfc_ref,
                   out_ref):
    h2 = (dis_ref[...] * (p_ref[0, 0:_N, :] + p_ref[1, 0:_N, :] + y2_ref[...])
          + b2_ref[...])
    gids = lax.broadcasted_iota(jnp.int32, (_G, _N), 0)
    onehot = (batch_ref[...] == gids).astype(jnp.float32)
    sums = jnp.dot(onehot, h2, preferred_element_type=jnp.float32,
                   precision=lax.Precision.DEFAULT)
    counts = jnp.sum(onehot, axis=1, keepdims=True)
    pooled = sums / jnp.maximum(counts, 1.0)
    out_ref[...] = jnp.dot(pooled, wfc_ref[...], preferred_element_type=jnp.float32,
                           precision=lax.Precision.DEFAULT) + bfc_ref[...]


_tc_final = pl.pallas_call(
    _tc_final_body,
    out_shape=jax.ShapeDtypeStruct((_G, _C), jnp.float32),
)


@jax.jit
def kernel(x, edge_index, batch, W1, b1, W2, b2, Wfc, bfc):
    src2 = edge_index[0].reshape(_NW, _EPW)
    dst3 = edge_index[1].reshape(_NW, _NCHUNK, 1, _B)
    hist = _deg_kernel(dst3)
    y1, dis = _tc_prep(hist, x, W1)
    p1 = _msg_kernel(src2, dst3, y1)
    y2 = _tc_mid(p1, y1, dis, b1.reshape(1, _H), W2)
    p2 = _msg_kernel(src2, dst3, y2)
    return _tc_final(p2, y2, dis, b2.reshape(1, _H), batch.reshape(1, _N),
                     Wfc, bfc.reshape(1, _C))

# --- scband reference (transcript-rebuilt; emitter-appended) ---
"""Pipeline reference for scband-graph-convolutional-neural-network-43757126811863 (READ-ONLY COPY).

The authoritative reference and input builder live on the scoring server;
editing this copy changes nothing except your own understanding.
"""

import jax, jax.numpy as jnp
import numpy as np

N = 10000
E = 320000
F_IN = 128
H = 128
C = 10
G = 64


def setup_inputs(seed: int = 0) -> dict:
    key = jax.random.key(seed)
    ks = jax.random.split(key, 10)
    x = jax.random.normal(ks[0], (N, F_IN), dtype=jnp.float32)
    edge_index = jax.random.randint(ks[1], (2, E), 0, N, dtype=jnp.int32)
    batch = jnp.sort(jax.random.randint(ks[2], (N,), 0, G, dtype=jnp.int32))
    s1 = 1.0 / np.sqrt(F_IN)
    s2 = 1.0 / np.sqrt(H)
    W1 = jax.random.uniform(ks[3], (F_IN, H), dtype=jnp.float32, minval=-s1, maxval=s1)
    b1 = jnp.zeros((H,), dtype=jnp.float32)
    W2 = jax.random.uniform(ks[4], (H, H), dtype=jnp.float32, minval=-s2, maxval=s2)
    b2 = jnp.zeros((H,), dtype=jnp.float32)
    Wfc = jax.random.uniform(ks[5], (H, C), dtype=jnp.float32, minval=-s2, maxval=s2)
    bfc = jnp.zeros((C,), dtype=jnp.float32)
    return {"x": x, "edge_index": edge_index, "batch": batch,
            "W1": W1, "b1": b1, "W2": W2, "b2": b2, "Wfc": Wfc, "bfc": bfc}


def _gcn_conv(x, edge_index, W, b):
    # GCNConv: add self-loops, symmetric normalization D^{-1/2}(A+I)D^{-1/2} (x W) + b
    src = edge_index[0]
    dst = edge_index[1]
    loop = jnp.arange(N, dtype=src.dtype)
    src = jnp.concatenate([src, loop])
    dst = jnp.concatenate([dst, loop])
    deg = jax.ops.segment_sum(jnp.ones_like(dst, dtype=x.dtype), dst, num_segments=N)
    deg_inv_sqrt = jnp.where(deg > 0, jax.lax.rsqrt(jnp.maximum(deg, 1e-12)), 0.0)
    norm = deg_inv_sqrt[src] * deg_inv_sqrt[dst]
    xw = x @ W
    msgs = norm[:, None] * jnp.take(xw, src, axis=0)
    out = jax.ops.segment_sum(msgs, dst, num_segments=N)
    return out + b


def reference(x, edge_index, batch, W1, b1, W2, b2, Wfc, bfc):
    h = _gcn_conv(x, edge_index, W1, b1)
    h = jax.nn.relu(h)
    # dropout is identity in eval mode
    h = _gcn_conv(h, edge_index, W2, b2)
    # global mean pool over graphs
    sums = jax.ops.segment_sum(h, batch, num_segments=G)
    counts = jax.ops.segment_sum(jnp.ones((N,), dtype=h.dtype), batch, num_segments=G)
    pooled = sums / jnp.maximum(counts, 1.0)[:, None]
    return pooled @ Wfc + bfc

if __name__ == "__main__":
    import jax
    _d = setup_inputs()
    print(jax.jit(kernel)(*tuple(_d.values())))

</pallas_src>

<mosaic_0001>
#map = affine_map<(d0, d1) -> (0, 0)>
#map1 = affine_map<(d0, d1) -> (0, 0, 0, 0)>
#map2 = affine_map<(d0, d1) -> (0, 0, 0)>
module attributes {stable_mosaic.version = 14 : i64} {
  func.func @_msg_kernel(%arg0: i32, %arg1: i32, %arg2: memref<32x10000xi32, #tpu.memory_space<hbm>>, %arg3: memref<32x125x1x80xi32, #tpu.memory_space<hbm>>, %arg4: memref<10000x128xf32, #tpu.memory_space<hbm>>, %arg5: memref<2x10240x128xf32, #tpu.memory_space<hbm>>, %arg6: memref<10000xi32, #tpu.memory_space<vmem>>, %arg7: memref<1x80xi32, #tpu.memory_space<vmem>>, %arg8: memref<1x80xi32, #tpu.memory_space<vmem>>, %arg9: memref<1x80xi32, #tpu.memory_space<vmem>>, %arg10: memref<80x128xf32, #tpu.memory_space<vmem>>, %arg11: memref<80x128xf32, #tpu.memory_space<vmem>>, %arg12: memref<80x128xf32, #tpu.memory_space<vmem>>, %arg13: memref<10240x128xf32, #tpu.memory_space<vmem_shared>>, %arg14: memref<!tpu.dma_semaphore, #tpu.memory_space<semaphore_mem>>, %arg15: memref<!tpu.dma_semaphore, #tpu.memory_space<semaphore_mem>>, %arg16: memref<!tpu.dma_semaphore, #tpu.memory_space<semaphore_mem>>, %arg17: memref<!tpu.dma_semaphore, #tpu.memory_space<semaphore_mem>>, %arg18: memref<!tpu.dma_semaphore, #tpu.memory_space<semaphore_mem>>, %arg19: memref<!tpu.dma_semaphore, #tpu.memory_space<semaphore_mem>>, %arg20: memref<!tpu.dma_semaphore, #tpu.memory_space<semaphore_mem>>, %arg21: memref<!tpu.dma_semaphore, #tpu.memory_space<semaphore_mem>>, %arg22: memref<!tpu.dma_semaphore, #tpu.memory_space<semaphore_mem>>, %arg23: memref<!tpu.dma_semaphore, #tpu.memory_space<semaphore_mem>>) attributes {dimension_semantics = [#tpu.dimension_semantics<core_parallel>, #tpu.dimension_semantics<subcore_parallel>], iteration_bounds = array<i64: 2, 16>, scalar_prefetch = 0 : i64, scratch_operands = 18 : i64, tpu.core_type = #tpu.core_type<sc_vector_subcore>, window_params = [{transform_indices = #map}, {transform_indices = #map1}, {transform_indices = #map}, {transform_indices = #map2}]} {
    %mul3A = arith.constant 2 : i32
    %mul3A_0 = arith.muli %arg1, %mul3A : i32
    %add3A = arith.addi %mul3A_0, %arg0 : i32
    %dma_start3A = arith.constant 0 : i32
    %dma_start3A_1 = tpu.memref_slice %arg2[%add3A, %dma_start3A] : memref<32x10000xi32, #tpu.memory_space<hbm>> -> memref<1x10000xi32, #tpu.memory_space<hbm>>
    %dma_start3A_2 = tpu.memref_squeeze %dma_start3A_1 : memref<1x10000xi32, #tpu.memory_space<hbm>> -> memref<10000xi32, #tpu.memory_space<hbm>>
    %dma_start3A_3 = arith.constant 0 : i32
    %dma_start3A_4 = tpu.memref_slice %arg2[%add3A, %dma_start3A_3] : memref<32x10000xi32, #tpu.memory_space<hbm>> -> memref<1x10000xi32, #tpu.memory_space<hbm>>
    %dma_start3A_5 = tpu.memref_squeeze %dma_start3A_4 : memref<1x10000xi32, #tpu.memory_space<hbm>> -> memref<10000xi32, #tpu.memory_space<hbm>>
    tpu.enqueue_dma source(%dma_start3A_5 : memref<10000xi32, #tpu.memory_space<hbm>>) target(%arg6 : memref<10000xi32, #tpu.memory_space<vmem>>) target_semaphore(%arg23 : memref<!tpu.dma_semaphore, #tpu.memory_space<semaphore_mem>>)
    %broadcast_in_dim3A = arith.constant 0.000000e+00 : f32
    %broadcast_in_dim3A_6 = vector.broadcast %broadcast_in_dim3A : f32 to vector<16xf32>
    %scan3A = arith.constant 0 : i32
    %scan3A_7 = arith.constant 0 : i32
    %scan3A_8 = arith.constant 80 : i32
    %scan3A_9 = arith.addi %scan3A_7, %scan3A_8 : i32
    %scan3A_10 = arith.constant 1 : i32
    scf.for %scan3A_275 = %scan3A_7 to %scan3A_9 step %scan3A_10  : i32 {
      %swap3A = arith.index_cast %scan3A_275 : i32 to index
      %swap3A_276 = arith.constant 0 : index
      %swap3A_277 = tpu.vector_load %arg10[%swap3A, %swap3A_276] {strides = array<i32>} : memref<80x128xf32, #tpu.memory_space<vmem>>, vector<1x16xf32>,
      %swap3A_278 = vector.shape_cast %swap3A_277 : vector<1x16xf32> to vector<16xf32>
      %swap3A_279 = vector.shape_cast %broadcast_in_dim3A_6 : vector<16xf32> to vector<1x16xf32>
      tpu.vector_store %arg10[%swap3A, %swap3A_276], %swap3A_279 {strides = array<i32>} : memref<80x128xf32, #tpu.memory_space<vmem>>, vector<1x16xf32>,
      %swap3A_280 = arith.index_cast %scan3A_275 : i32 to index
      %swap3A_281 = arith.constant 16 : index
      %swap3A_282 = tpu.vector_load %arg10[%swap3A_280, %swap3A_281] {strides = array<i32>} : memref<80x128xf32, #tpu.memory_space<vmem>>, vector<1x16xf32>,
      %swap3A_283 = vector.shape_cast %swap3A_282 : vector<1x16xf32> to vector<16xf32>
      %swap3A_284 = vector.shape_cast %broadcast_in_dim3A_6 : vector<16xf32> to vector<1x16xf32>
      tpu.vector_store %arg10[%swap3A_280, %swap3A_281], %swap3A_284 {strides = array<i32>} : memref<80x128xf32, #tpu.memory_space<vmem>>, vector<1x16xf32>,
      %swap3A_285 = arith.index_cast %scan3A_275 : i32 to index
      %swap3A_286 = arith.constant 32 : index
      %swap3A_287 = tpu.vector_load %arg10[%swap3A_285, %swap3A_286] {strides = array<i32>} : memref<80x128xf32, #tpu.memory_space<vmem>>, vector<1x16xf32>,
      %swap3A_288 = vector.shape_cast %swap3A_287 : vector<1x16xf32> to vector<16xf32>
      %swap3A_289 = vector.shape_cast %broadcast_in_dim3A_6 : vector<16xf32> to vector<1x16xf32>
      tpu.vector_store %arg10[%swap3A_285, %swap3A_286], %swap3A_289 {strides = array<i32>} : memref<80x128xf32, #tpu.memory_space<vmem>>, vector<1x16xf32>,
      %swap3A_290 = arith.index_cast %scan3A_275 : i32 to index
      %swap3A_291 = arith.constant 48 : index
      %swap3A_292 = tpu.vector_load %arg10[%swap3A_290, %swap3A_291] {strides = array<i32>} : memref<80x128xf32, #tpu.memory_space<vmem>>, vector<1x16xf32>,
      %swap3A_293 = vector.shape_cast %swap3A_292 : vector<1x16xf32> to vector<16xf32>
      %swap3A_294 = vector.shape_cast %broadcast_in_dim3A_6 : vector<16xf32> to vector<1x16xf32>
      tpu.vector_store %arg10[%swap3A_290, %swap3A_291], %swap3A_294 {strides = array<i32>} : memref<80x128xf32, #tpu.memory_space<vmem>>, vector<1x16xf32>,
      %swap3A_295 = arith.index_cast %scan3A_275 : i32 to index
      %swap3A_296 = arith.constant 64 : index
      %swap3A_297 = tpu.vector_load %arg10[%swap3A_295, %swap3A_296] {strides = array<i32>} : memref<80x128xf32, #tpu.memory_space<vmem>>, vector<1x16xf32>,
      %swap3A_298 = vector.shape_cast %swap3A_297 : vector<1x16xf32> to vector<16xf32>
      %swap3A_299 = vector.shape_cast %broadcast_in_dim3A_6 : vector<16xf32> to vector<1x16xf32>
      tpu.vector_store %arg10[%swap3A_295, %swap3A_296], %swap3A_299 {strides = array<i32>} : memref<80x128xf32, #tpu.memory_space<vmem>>, vector<1x16xf32>,
      %swap3A_300 = arith.index_cast %scan3A_275 : i32 to index
      %swap3A_301 = arith.constant 80 : index
      %swap3A_302 = tpu.vector_load %arg10[%swap3A_300, %swap3A_301] {strides = array<i32>} : memref<80x128xf32, #tpu.memory_space<vmem>>, vector<1x16xf32>,
      %swap3A_303 = vector.shape_cast %swap3A_302 : vector<1x16xf32> to vector<16xf32>
      %swap3A_304 = vector.shape_cast %broadcast_in_dim3A_6 : vector<16xf32> to vector<1x16xf32>
      tpu.vector_store %arg10[%swap3A_300, %swap3A_301], %swap3A_304 {strides = array<i32>} : memref<80x128xf32, #tpu.memory_space<vmem>>, vector<1x16xf32>,
      %swap3A_305 = arith.index_cast %scan3A_275 : i32 to index
      %swap3A_306 = arith.constant 96 : index
      %swap3A_307 = tpu.vector_load %arg10[%swap3A_305, %swap3A_306] {strides = array<i32>} : memref<80x128xf32, #tpu.memory_space<vmem>>, vector<1x16xf32>,
      %swap3A_308 = vector.shape_cast %swap3A_307 : vector<1x16xf32> to vector<16xf32>
      %swap3A_309 = vector.shape_cast %broadcast_in_dim3A_6 : vector<16xf32> to vector<1x16xf32>
      tpu.vector_store %arg10[%swap3A_305, %swap3A_306], %swap3A_309 {strides = array<i32>} : memref<80x128xf32, #tpu.memory_space<vmem>>, vector<1x16xf32>,
      %swap3A_310 = arith.index_cast %scan3A_275 : i32 to index
      %swap3A_311 = arith.constant 112 : index
      %swap3A_312 = tpu.vector_load %arg10[%swap3A_310, %swap3A_311] {strides = array<i32>} : memref<80x128xf32, #tpu.memory_space<vmem>>, vector<1x16xf32>,
      %swap3A_313 = vector.shape_cast %swap3A_312 : vector<1x16xf32> to vector<16xf32>
      %swap3A_314 = vector.shape_cast %broadcast_in_dim3A_6 : vector<16xf32> to vector<1x16xf32>
      tpu.vector_store %arg10[%swap3A_310, %swap3A_311], %swap3A_314 {strides = array<i32>} : memref<80x128xf32, #tpu.memory_space<vmem>>, vector<1x16xf32>,
    }
    %scan3A_11 = arith.constant 80 : i32
    %mul3A_12 = arith.constant 640 : i32
    %mul3A_13 = arith.muli %arg1, %mul3A_12 : i32
    %add3A_14 = arith.constant 0 : i32
    %add3A_15 = arith.addi %mul3A_13, %add3A_14 : i32
    "tpu.region"() ({
      %run_scoped3A = tpu.sem_alloc : memref<!tpu.dma_semaphore, #tpu.memory_space<semaphore_mem>>
      %dma_start3A_275 = arith.constant 0 : i32
      %dma_start3A_276 = tpu.memref_slice %arg13[%add3A_15, %dma_start3A_275] : memref<10240x128xf32, #tpu.memory_space<vmem_shared>> -> memref<80x128xf32, #tpu.memory_space<vmem_shared>>
      %dma_start3A_277 = arith.constant 0 : i32
      %dma_start3A_278 = tpu.memref_slice %arg13[%add3A_15, %dma_start3A_277] : memref<10240x128xf32, #tpu.memory_space<vmem_shared>> -> memref<80x128xf32, #tpu.memory_space<vmem_shared>>
      tpu.enqueue_dma source(%arg10 : memref<80x128xf32, #tpu.memory_space<vmem>>) target(%dma_start3A_278 : memref<80x128xf32, #tpu.memory_space<vmem_shared>>) target_semaphore(%run_scoped3A : memref<!tpu.dma_semaphore, #tpu.memory_space<semaphore_mem>>)
      %dma_wait3A_279 = arith.constant 0 : i32
      %dma_wait3A_280 = tpu.memref_slice %arg13[%add3A_15, %dma_wait3A_279] : memref<10240x128xf32, #tpu.memory_space<vmem_shared>> -> memref<80x128xf32, #tpu.memory_space<vmem_shared>>
      %dma_wait3A_281 = arith.constant 0 : i32
      %dma_wait3A_282 = tpu.memref_slice %arg13[%add3A_15, %dma_wait3A_281] : memref<10240x128xf32, #tpu.memory_space<vmem_shared>> -> memref<80x128xf32, #tpu.memory_space<vmem_shared>>
      tpu.wait_dma2 semaphore(%run_scoped3A : memref<!tpu.dma_semaphore, #tpu.memory_space<semaphore_mem>>) src(%arg10 : memref<80x128xf32, #tpu.memory_space<vmem>>) dst(%dma_wait3A_282 : memref<80x128xf32, #tpu.memory_space<vmem_shared>>)
      tpu.yield
    }) : () -> ()
    %mul3A_16 = arith.constant 640 : i32
    %mul3A_17 = arith.muli %arg1, %mul3A_16 : i32
    %add3A_18 = arith.constant 80 : i32
    %add3A_19 = arith.addi %mul3A_17, %add3A_18 : i32
    "tpu.region"() ({
      %run_scoped3A = tpu.sem_alloc : memref<!tpu.dma_semaphore, #tpu.memory_space<semaphore_mem>>
      %dma_start3A_275 = arith.constant 0 : i32
      %dma_start3A_276 = tpu.memref_slice %arg13[%add3A_19, %dma_start3A_275] : memref<10240x128xf32, #tpu.memory_space<vmem_shared>> -> memref<80x128xf32, #tpu.memory_space<vmem_shared>>
      %dma_start3A_277 = arith.constant 0 : i32
      %dma_start3A_278 = tpu.memref_slice %arg13[%add3A_19, %dma_start3A_277] : memref<10240x128xf32, #tpu.memory_space<vmem_shared>> -> memref<80x128xf32, #tpu.memory_space<vmem_shared>>
      tpu.enqueue_dma source(%arg10 : memref<80x128xf32, #tpu.memory_space<vmem>>) target(%dma_start3A_278 : memref<80x128xf32, #tpu.memory_space<vmem_shared>>) target_semaphore(%run_scoped3A : memref<!tpu.dma_semaphore, #tpu.memory_space<semaphore_mem>>)
      %dma_wait3A_279 = arith.constant 0 : i32
      %dma_wait3A_280 = tpu.memref_slice %arg13[%add3A_19, %dma_wait3A_279] : memref<10240x128xf32, #tpu.memory_space<vmem_shared>> -> memref<80x128xf32, #tpu.memory_space<vmem_shared>>
      %dma_wait3A_281 = arith.constant 0 : i32
      %dma_wait3A_282 = tpu.memref_slice %arg13[%add3A_19, %dma_wait3A_281] : memref<10240x128xf32, #tpu.memory_space<vmem_shared>> -> memref<80x128xf32, #tpu.memory_space<vmem_shared>>
      tpu.wait_dma2 semaphore(%run_scoped3A : memref<!tpu.dma_semaphore, #tpu.memory_space<semaphore_mem>>) src(%arg10 : memref<80x128xf32, #tpu.memory_space<vmem>>) dst(%dma_wait3A_282 : memref<80x128xf32, #tpu.memory_space<vmem_shared>>)
      tpu.yield
    }) : () -> ()
    %mul3A_20 = arith.constant 640 : i32
    %mul3A_21 = arith.muli %arg1, %mul3A_20 : i32
    %add3A_22 = arith.constant 160 : i32
    %add3A_23 = arith.addi %mul3A_21, %add3A_22 : i32
    "tpu.region"() ({
      %run_scoped3A = tpu.sem_alloc : memref<!tpu.dma_semaphore, #tpu.memory_space<semaphore_mem>>
      %dma_start3A_275 = arith.constant 0 : i32
      %dma_start3A_276 = tpu.memref_slice %arg13[%add3A_23, %dma_start3A_275] : memref<10240x128xf32, #tpu.memory_space<vmem_shared>> -> memref<80x128xf32, #tpu.memory_space<vmem_shared>>
      %dma_start3A_277 = arith.constant 0 : i32
      %dma_start3A_278 = tpu.memref_slice %arg13[%add3A_23, %dma_start3A_277] : memref<10240x128xf32, #tpu.memory_space<vmem_shared>> -> memref<80x128xf32, #tpu.memory_space<vmem_shared>>
      tpu.enqueue_dma source(%arg10 : memref<80x128xf32, #tpu.memory_space<vmem>>) target(%dma_start3A_278 : memref<80x128xf32, #tpu.memory_space<vmem_shared>>) target_semaphore(%run_scoped3A : memref<!tpu.dma_semaphore, #tpu.memory_space<semaphore_mem>>)
      %dma_wait3A_279 = arith.constant 0 : i32
      %dma_wait3A_280 = tpu.memref_slice %arg13[%add3A_23, %dma_wait3A_279] : memref<10240x128xf32, #tpu.memory_space<vmem_shared>> -> memref<80x128xf32, #tpu.memory_space<vmem_shared>>
      %dma_wait3A_281 = arith.constant 0 : i32
      %dma_wait3A_282 = tpu.memref_slice %arg13[%add3A_23, %dma_wait3A_281] : memref<10240x128xf32, #tpu.memory_space<vmem_shared>> -> memref<80x128xf32, #tpu.memory_space<vmem_shared>>
      tpu.wait_dma2 semaphore(%run_scoped3A : memref<!tpu.dma_semaphore, #tpu.memory_space<semaphore_mem>>) src(%arg10 : memref<80x128xf32, #tpu.memory_space<vmem>>) dst(%dma_wait3A_282 : memref<80x128xf32, #tpu.memory_space<vmem_shared>>)
      tpu.yield
    }) : () -> ()
    %mul3A_24 = arith.constant 640 : i32
    %mul3A_25 = arith.muli %arg1, %mul3A_24 : i32
    %add3A_26 = arith.constant 240 : i32
    %add3A_27 = arith.addi %mul3A_25, %add3A_26 : i32
    "tpu.region"() ({
      %run_scoped3A = tpu.sem_alloc : memref<!tpu.dma_semaphore, #tpu.memory_space<semaphore_mem>>
      %dma_start3A_275 = arith.constant 0 : i32
      %dma_start3A_276 = tpu.memref_slice %arg13[%add3A_27, %dma_start3A_275] : memref<10240x128xf32, #tpu.memory_space<vmem_shared>> -> memref<80x128xf32, #tpu.memory_space<vmem_shared>>
      %dma_start3A_277 = arith.constant 0 : i32
      %dma_start3A_278 = tpu.memref_slice %arg13[%add3A_27, %dma_start3A_277] : memref<10240x128xf32, #tpu.memory_space<vmem_shared>> -> memref<80x128xf32, #tpu.memory_space<vmem_shared>>
      tpu.enqueue_dma source(%arg10 : memref<80x128xf32, #tpu.memory_space<vmem>>) target(%dma_start3A_278 : memref<80x128xf32, #tpu.memory_space<vmem_shared>>) target_semaphore(%run_scoped3A : memref<!tpu.dma_semaphore, #tpu.memory_space<semaphore_mem>>)
      %dma_wait3A_279 = arith.constant 0 : i32
      %dma_wait3A_280 = tpu.memref_slice %arg13[%add3A_27, %dma_wait3A_279] : memref<10240x128xf32, #tpu.memory_space<vmem_shared>> -> memref<80x128xf32, #tpu.memory_space<vmem_shared>>
      %dma_wait3A_281 = arith.constant 0 : i32
      %dma_wait3A_282 = tpu.memref_slice %arg13[%add3A_27, %dma_wait3A_281] : memref<10240x128xf32, #tpu.memory_space<vmem_shared>> -> memref<80x128xf32, #tpu.memory_space<vmem_shared>>
      tpu.wait_dma2 semaphore(%run_scoped3A : memref<!tpu.dma_semaphore, #tpu.memory_space<semaphore_mem>>) src(%arg10 : memref<80x128xf32, #tpu.memory_space<vmem>>) dst(%dma_wait3A_282 : memref<80x128xf32, #tpu.memory_space<vmem_shared>>)
      tpu.yield
    }) : () -> ()
    %mul3A_28 = arith.constant 640 : i32
    %mul3A_29 = arith.muli %arg1, %mul3A_28 : i32
    %add3A_30 = arith.constant 320 : i32
    %add3A_31 = arith.addi %mul3A_29, %add3A_30 : i32
    "tpu.region"() ({
      %run_scoped3A = tpu.sem_alloc : memref<!tpu.dma_semaphore, #tpu.memory_space<semaphore_mem>>
      %dma_start3A_275 = arith.constant 0 : i32
      %dma_start3A_276 = tpu.memref_slice %arg13[%add3A_31, %dma_start3A_275] : memref<10240x128xf32, #tpu.memory_space<vmem_shared>> -> memref<80x128xf32, #tpu.memory_space<vmem_shared>>
      %dma_start3A_277 = arith.constant 0 : i32
      %dma_start3A_278 = tpu.memref_slice %arg13[%add3A_31, %dma_start3A_277] : memref<10240x128xf32, #tpu.memory_space<vmem_shared>> -> memref<80x128xf32, #tpu.memory_space<vmem_shared>>
      tpu.enqueue_dma source(%arg10 : memref<80x128xf32, #tpu.memory_space<vmem>>) target(%dma_start3A_278 : memref<80x128xf32, #tpu.memory_space<vmem_shared>>) target_semaphore(%run_scoped3A : memref<!tpu.dma_semaphore, #tpu.memory_space<semaphore_mem>>)
      %dma_wait3A_279 = arith.constant 0 : i32
      %dma_wait3A_280 = tpu.memref_slice %arg13[%add3A_31, %dma_wait3A_279] : memref<10240x128xf32, #tpu.memory_space<vmem_shared>> -> memref<80x128xf32, #tpu.memory_space<vmem_shared>>
      %dma_wait3A_281 = arith.constant 0 : i32
      %dma_wait3A_282 = tpu.memref_slice %arg13[%add3A_31, %dma_wait3A_281] : memref<10240x128xf32, #tpu.memory_space<vmem_shared>> -> memref<80x128xf32, #tpu.memory_space<vmem_shared>>
      tpu.wait_dma2 semaphore(%run_scoped3A : memref<!tpu.dma_semaphore, #tpu.memory_space<semaphore_mem>>) src(%arg10 : memref<80x128xf32, #tpu.memory_space<vmem>>) dst(%dma_wait3A_282 : memref<80x128xf32, #tpu.memory_space<vmem_shared>>)
      tpu.yield
    }) : () -> ()
    %mul3A_32 = arith.constant 640 : i32
    %mul3A_33 = arith.muli %arg1, %mul3A_32 : i32
    %add3A_34 = arith.constant 400 : i32
    %add3A_35 = arith.addi %mul3A_33, %add3A_34 : i32
    "tpu.region"() ({
      %run_scoped3A = tpu.sem_alloc : memref<!tpu.dma_semaphore, #tpu.memory_space<semaphore_mem>>
      %dma_start3A_275 = arith.constant 0 : i32
      %dma_start3A_276 = tpu.memref_slice %arg13[%add3A_35, %dma_start3A_275] : memref<10240x128xf32, #tpu.memory_space<vmem_shared>> -> memref<80x128xf32, #tpu.memory_space<vmem_shared>>
      %dma_start3A_277 = arith.constant 0 : i32
      %dma_start3A_278 = tpu.memref_slice %arg13[%add3A_35, %dma_start3A_277] : memref<10240x128xf32, #tpu.memory_space<vmem_shared>> -> memref<80x128xf32, #tpu.memory_space<vmem_shared>>
      tpu.enqueue_dma source(%arg10 : memref<80x128xf32, #tpu.memory_space<vmem>>) target(%dma_start3A_278 : memref<80x128xf32, #tpu.memory_space<vmem_shared>>) target_semaphore(%run_scoped3A : memref<!tpu.dma_semaphore, #tpu.memory_space<semaphore_mem>>)
      %dma_wait3A_279 = arith.constant 0 : i32
      %dma_wait3A_280 = tpu.memref_slice %arg13[%add3A_35, %dma_wait3A_279] : memref<10240x128xf32, #tpu.memory_space<vmem_shared>> -> memref<80x128xf32, #tpu.memory_space<vmem_shared>>
      %dma_wait3A_281 = arith.constant 0 : i32
      %dma_wait3A_282 = tpu.memref_slice %arg13[%add3A_35, %dma_wait3A_281] : memref<10240x128xf32, #tpu.memory_space<vmem_shared>> -> memref<80x128xf32, #tpu.memory_space<vmem_shared>>
      tpu.wait_dma2 semaphore(%run_scoped3A : memref<!tpu.dma_semaphore, #tpu.memory_space<semaphore_mem>>) src(%arg10 : memref<80x128xf32, #tpu.memory_space<vmem>>) dst(%dma_wait3A_282 : memref<80x128xf32, #tpu.memory_space<vmem_shared>>)
      tpu.yield
    }) : () -> ()
    %mul3A_36 = arith.constant 640 : i32
    %mul3A_37 = arith.muli %arg1, %mul3A_36 : i32
    %add3A_38 = arith.constant 480 : i32
    %add3A_39 = arith.addi %mul3A_37, %add3A_38 : i32
    "tpu.region"() ({
      %run_scoped3A = tpu.sem_alloc : memref<!tpu.dma_semaphore, #tpu.memory_space<semaphore_mem>>
      %dma_start3A_275 = arith.constant 0 : i32
      %dma_start3A_276 = tpu.memref_slice %arg13[%add3A_39, %dma_start3A_275] : memref<10240x128xf32, #tpu.memory_space<vmem_shared>> -> memref<80x128xf32, #tpu.memory_space<vmem_shared>>
      %dma_start3A_277 = arith.constant 0 : i32
      %dma_start3A_278 = tpu.memref_slice %arg13[%add3A_39, %dma_start3A_277] : memref<10240x128xf32, #tpu.memory_space<vmem_shared>> -> memref<80x128xf32, #tpu.memory_space<vmem_shared>>
      tpu.enqueue_dma source(%arg10 : memref<80x128xf32, #tpu.memory_space<vmem>>) target(%dma_start3A_278 : memref<80x128xf32, #tpu.memory_space<vmem_shared>>) target_semaphore(%run_scoped3A : memref<!tpu.dma_semaphore, #tpu.memory_space<semaphore_mem>>)
      %dma_wait3A_279 = arith.constant 0 : i32
      %dma_wait3A_280 = tpu.memref_slice %arg13[%add3A_39, %dma_wait3A_279] : memref<10240x128xf32, #tpu.memory_space<vmem_shared>> -> memref<80x128xf32, #tpu.memory_space<vmem_shared>>
      %dma_wait3A_281 = arith.constant 0 : i32
      %dma_wait3A_282 = tpu.memref_slice %arg13[%add3A_39, %dma_wait3A_281] : memref<10240x128xf32, #tpu.memory_space<vmem_shared>> -> memref<80x128xf32, #tpu.memory_space<vmem_shared>>
      tpu.wait_dma2 semaphore(%run_scoped3A : memref<!tpu.dma_semaphore, #tpu.memory_space<semaphore_mem>>) src(%arg10 : memref<80x128xf32, #tpu.memory_space<vmem>>) dst(%dma_wait3A_282 : memref<80x128xf32, #tpu.memory_space<vmem_shared>>)
      tpu.yield
    }) : () -> ()
    %mul3A_40 = arith.constant 640 : i32
    %mul3A_41 = arith.muli %arg1, %mul3A_40 : i32
    %add3A_42 = arith.constant 560 : i32
    %add3A_43 = arith.addi %mul3A_41, %add3A_42 : i32
    "tpu.region"() ({
      %run_scoped3A = tpu.sem_alloc : memref<!tpu.dma_semaphore, #tpu.memory_space<semaphore_mem>>
      %dma_start3A_275 = arith.constant 0 : i32
      %dma_start3A_276 = tpu.memref_slice %arg13[%add3A_43, %dma_start3A_275] : memref<10240x128xf32, #tpu.memory_space<vmem_shared>> -> memref<80x128xf32, #tpu.memory_space<vmem_shared>>
      %dma_start3A_277 = arith.constant 0 : i32
      %dma_start3A_278 = tpu.memref_slice %arg13[%add3A_43, %dma_start3A_277] : memref<10240x128xf32, #tpu.memory_space<vmem_shared>> -> memref<80x128xf32, #tpu.memory_space<vmem_shared>>
      tpu.enqueue_dma source(%arg10 : memref<80x128xf32, #tpu.memory_space<vmem>>) target(%dma_start3A_278 : memref<80x128xf32, #tpu.memory_space<vmem_shared>>) target_semaphore(%run_scoped3A : memref<!tpu.dma_semaphore, #tpu.memory_space<semaphore_mem>>)
      %dma_wait3A_279 = arith.constant 0 : i32
      %dma_wait3A_280 = tpu.memref_slice %arg13[%add3A_43, %dma_wait3A_279] : memref<10240x128xf32, #tpu.memory_space<vmem_shared>> -> memref<80x128xf32, #tpu.memory_space<vmem_shared>>
      %dma_wait3A_281 = arith.constant 0 : i32
      %dma_wait3A_282 = tpu.memref_slice %arg13[%add3A_43, %dma_wait3A_281] : memref<10240x128xf32, #tpu.memory_space<vmem_shared>> -> memref<80x128xf32, #tpu.memory_space<vmem_shared>>
      tpu.wait_dma2 semaphore(%run_scoped3A : memref<!tpu.dma_semaphore, #tpu.memory_space<semaphore_mem>>) src(%arg10 : memref<80x128xf32, #tpu.memory_space<vmem>>) dst(%dma_wait3A_282 : memref<80x128xf32, #tpu.memory_space<vmem_shared>>)
      tpu.yield
    }) : () -> ()
    %barrier3A = arith.constant 0 : index
    tpu.barrier barrier_id(%barrier3A)
    %dma_wait3A = arith.constant 0 : i32
    %dma_wait3A_44 = tpu.memref_slice %arg2[%add3A, %dma_wait3A] : memref<32x10000xi32, #tpu.memory_space<hbm>> -> memref<1x10000xi32, #tpu.memory_space<hbm>>
    %dma_wait3A_45 = tpu.memref_squeeze %dma_wait3A_44 : memref<1x10000xi32, #tpu.memory_space<hbm>> -> memref<10000xi32, #tpu.memory_space<hbm>>
    %dma_wait3A_46 = arith.constant 0 : i32
    %dma_wait3A_47 = tpu.memref_slice %arg2[%add3A, %dma_wait3A_46] : memref<32x10000xi32, #tpu.memory_space<hbm>> -> memref<1x10000xi32, #tpu.memory_space<hbm>>
    %dma_wait3A_48 = tpu.memref_squeeze %dma_wait3A_47 : memref<1x10000xi32, #tpu.memory_space<hbm>> -> memref<10000xi32, #tpu.memory_space<hbm>>
    tpu.wait_dma2 semaphore(%arg23 : memref<!tpu.dma_semaphore, #tpu.memory_space<semaphore_mem>>) src(%dma_wait3A_48 : memref<10000xi32, #tpu.memory_space<hbm>>) dst(%arg6 : memref<10000xi32, #tpu.memory_space<vmem>>)
    %dma_start3A_49 = arith.constant 0 : i32
    %dma_start3A_50 = arith.constant 0 : i32
    %dma_start3A_51 = arith.constant 0 : i32
    %dma_start3A_52 = tpu.memref_slice %arg3[%add3A, %dma_start3A_49, %dma_start3A_50, %dma_start3A_51] : memref<32x125x1x80xi32, #tpu.memory_space<hbm>> -> memref<1x1x1x80xi32, #tpu.memory_space<hbm>>
    %dma_start3A_53 = tpu.memref_squeeze %dma_start3A_52 : memref<1x1x1x80xi32, #tpu.memory_space<hbm>> -> memref<1x80xi32, #tpu.memory_space<hbm>>
    %dma_start3A_54 = arith.constant 0 : i32
    %dma_start3A_55 = arith.constant 0 : i32
    %dma_start3A_56 = tpu.memref_slice %arg3[%add3A, %dma_start3A_49, %dma_start3A_54, %dma_start3A_55] : memref<32x125x1x80xi32, #tpu.memory_space<hbm>> -> memref<1x1x1x80xi32, #tpu.memory_space<hbm>>
    %dma_start3A_57 = tpu.memref_squeeze %dma_start3A_56 : memref<1x1x1x80xi32, #tpu.memory_space<hbm>> -> memref<1x80xi32, #tpu.memory_space<hbm>>
    tpu.enqueue_dma source(%dma_start3A_57 : memref<1x80xi32, #tpu.memory_space<hbm>>) target(%arg7 : memref<1x80xi32, #tpu.memory_space<vmem>>) target_semaphore(%arg20 : memref<!tpu.dma_semaphore, #tpu.memory_space<semaphore_mem>>)
    %dma_start3A_58 = arith.constant 0 : i32
    %dma_start3A_59 = tpu.memref_slice %arg6[%dma_start3A_58] : memref<10000xi32, #tpu.memory_space<vmem>> -> memref<80xi32, #tpu.memory_space<vmem>>
    %dma_start3A_60 = arith.constant 0 : i32
    %dma_start3A_61 = arith.constant 0 : i32
    %dma_start3A_62 = tpu.memref_slice %arg4[%dma_start3A_60, %dma_start3A_61] : memref<10000x128xf32, #tpu.memory_space<hbm>> -> memref<10000x128xf32, #tpu.memory_space<hbm>>
    tpu.enqueue_indirect_dma source(%dma_start3A_62 : memref<10000x128xf32, #tpu.memory_space<hbm>>) target(%arg10 : memref<80x128xf32, #tpu.memory_space<vmem>>) offsets(%dma_start3A_59 : memref<80xi32, #tpu.memory_space<vmem>>) semaphore(%arg14 : memref<!tpu.dma_semaphore, #tpu.memory_space<semaphore_mem>>)
    %dma_start3A_63 = arith.constant 1 : i32
    %dma_start3A_64 = arith.constant 0 : i32
    %dma_start3A_65 = arith.constant 0 : i32
    %dma_start3A_66 = tpu.memref_slice %arg3[%add3A, %dma_start3A_63, %dma_start3A_64, %dma_start3A_65] : memref<32x125x1x80xi32, #tpu.memory_space<hbm>> -> memref<1x1x1x80xi32, #tpu.memory_space<hbm>>
    %dma_start3A_67 = tpu.memref_squeeze %dma_start3A_66 : memref<1x1x1x80xi32, #tpu.memory_space<hbm>> -> memref<1x80xi32, #tpu.memory_space<hbm>>
    %dma_start3A_68 = arith.constant 0 : i32
    %dma_start3A_69 = arith.constant 0 : i32
    %dma_start3A_70 = tpu.memref_slice %arg3[%add3A, %dma_start3A_63, %dma_start3A_68, %dma_start3A_69] : memref<32x125x1x80xi32, #tpu.memory_space<hbm>> -> memref<1x1x1x80xi32, #tpu.memory_space<hbm>>
    %dma_start3A_71 = tpu.memref_squeeze %dma_start3A_70 : memref<1x1x1x80xi32, #tpu.memory_space<hbm>> -> memref<1x80xi32, #tpu.memory_space<hbm>>
    tpu.enqueue_dma source(%dma_start3A_71 : memref<1x80xi32, #tpu.memory_space<hbm>>) target(%arg8 : memref<1x80xi32, #tpu.memory_space<vmem>>) target_semaphore(%arg21 : memref<!tpu.dma_semaphore, #tpu.memory_space<semaphore_mem>>)
    %dma_start3A_72 = arith.constant 80 : i32
    %dma_start3A_73 = tpu.memref_slice %arg6[%dma_start3A_72] : memref<10000xi32, #tpu.memory_space<vmem>> -> memref<80xi32, #tpu.memory_space<vmem>>
    %dma_start3A_74 = arith.constant 0 : i32
    %dma_start3A_75 = arith.constant 0 : i32
    %dma_start3A_76 = tpu.memref_slice %arg4[%dma_start3A_74, %dma_start3A_75] : memref<10000x128xf32, #tpu.memory_space<hbm>> -> memref<10000x128xf32, #tpu.memory_space<hbm>>
    tpu.enqueue_indirect_dma source(%dma_start3A_76 : memref<10000x128xf32, #tpu.memory_space<hbm>>) target(%arg11 : memref<80x128xf32, #tpu.memory_space<vmem>>) offsets(%dma_start3A_73 : memref<80xi32, #tpu.memory_space<vmem>>) semaphore(%arg15 : memref<!tpu.dma_semaphore, #tpu.memory_space<semaphore_mem>>)
    %dma_start3A_77 = arith.constant 2 : i32
    %dma_start3A_78 = arith.constant 0 : i32
    %dma_start3A_79 = arith.constant 0 : i32
    %dma_start3A_80 = tpu.memref_slice %arg3[%add3A, %dma_start3A_77, %dma_start3A_78, %dma_start3A_79] : memref<32x125x1x80xi32, #tpu.memory_space<hbm>> -> memref<1x1x1x80xi32, #tpu.memory_space<hbm>>
    %dma_start3A_81 = tpu.memref_squeeze %dma_start3A_80 : memref<1x1x1x80xi32, #tpu.memory_space<hbm>> -> memref<1x80xi32, #tpu.memory_space<hbm>>
    %dma_start3A_82 = arith.constant 0 : i32
    %dma_start3A_83 = arith.constant 0 : i32
    %dma_start3A_84 = tpu.memref_slice %arg3[%add3A, %dma_start3A_77, %dma_start3A_82, %dma_start3A_83] : memref<32x125x1x80xi32, #tpu.memory_space<hbm>> -> memref<1x1x1x80xi32, #tpu.memory_space<hbm>>
    %dma_start3A_85 = tpu.memref_squeeze %dma_start3A_84 : memref<1x1x1x80xi32, #tpu.memory_space<hbm>> -> memref<1x80xi32, #tpu.memory_space<hbm>>
    tpu.enqueue_dma source(%dma_start3A_85 : memref<1x80xi32, #tpu.memory_space<hbm>>) target(%arg9 : memref<1x80xi32, #tpu.memory_space<vmem>>) target_semaphore(%arg22 : memref<!tpu.dma_semaphore, #tpu.memory_space<semaphore_mem>>)
    %dma_start3A_86 = arith.constant 160 : i32
    %dma_start3A_87 = tpu.memref_slice %arg6[%dma_start3A_86] : memref<10000xi32, #tpu.memory_space<vmem>> -> memref<80xi32, #tpu.memory_space<vmem>>
    %dma_start3A_88 = arith.constant 0 : i32
    %dma_start3A_89 = arith.constant 0 : i32
    %dma_start3A_90 = tpu.memref_slice %arg4[%dma_start3A_88, %dma_start3A_89] : memref<10000x128xf32, #tpu.memory_space<hbm>> -> memref<10000x128xf32, #tpu.memory_space<hbm>>
    tpu.enqueue_indirect_dma source(%dma_start3A_90 : memref<10000x128xf32, #tpu.memory_space<hbm>>) target(%arg12 : memref<80x128xf32, #tpu.memory_space<vmem>>) offsets(%dma_start3A_87 : memref<80xi32, #tpu.memory_space<vmem>>) semaphore(%arg16 : memref<!tpu.dma_semaphore, #tpu.memory_space<semaphore_mem>>)
    %dma_wait3A_91 = arith.constant 0 : i32
    %dma_wait3A_92 = arith.constant 0 : i32
    %dma_wait3A_93 = tpu.memref_slice %arg4[%dma_wait3A_91, %dma_wait3A_92] : memref<10000x128xf32, #tpu.memory_space<hbm>> -> memref<80x128xf32, #tpu.memory_space<hbm>>
    %dma_wait3A_94 = arith.constant 0 : i32
    %dma_wait3A_95 = arith.constant 0 : i32
    %dma_wait3A_96 = tpu.memref_slice %arg4[%dma_wait3A_94, %dma_wait3A_95] : memref<10000x128xf32, #tpu.memory_space<hbm>> -> memref<80x128xf32, #tpu.memory_space<hbm>>
    tpu.wait_dma2 semaphore(%arg14 : memref<!tpu.dma_semaphore, #tpu.memory_space<semaphore_mem>>) src(%dma_wait3A_96 : memref<80x128xf32, #tpu.memory_space<hbm>>) dst(%arg10 : memref<80x128xf32, #tpu.memory_space<vmem>>)
    %dma_wait3A_97 = arith.constant 0 : i32
    %dma_wait3A_98 = arith.constant 0 : i32
    %dma_wait3A_99 = arith.constant 0 : i32
    %dma_wait3A_100 = arith.constant 0 : i32
    %dma_wait3A_101 = tpu.memref_slice %arg3[%dma_wait3A_97, %dma_wait3A_98, %dma_wait3A_99, %dma_wait3A_100] : memref<32x125x1x80xi32, #tpu.memory_space<hbm>> -> memref<1x1x1x80xi32, #tpu.memory_space<hbm>>
    %dma_wait3A_102 = tpu.memref_squeeze %dma_wait3A_101 : memref<1x1x1x80xi32, #tpu.memory_space<hbm>> -> memref<1x80xi32, #tpu.memory_space<hbm>>
    %dma_wait3A_103 = arith.constant 0 : i32
    %dma_wait3A_104 = arith.constant 0 : i32
    %dma_wait3A_105 = tpu.memref_slice %arg3[%dma_wait3A_97, %dma_wait3A_98, %dma_wait3A_103, %dma_wait3A_104] : memref<32x125x1x80xi32, #tpu.memory_space<hbm>> -> memref<1x1x1x80xi32, #tpu.memory_space<hbm>>
    %dma_wait3A_106 = tpu.memref_squeeze %dma_wait3A_105 : memref<1x1x1x80xi32, #tpu.memory_space<hbm>> -> memref<1x80xi32, #tpu.memory_space<hbm>>
    tpu.wait_dma2 semaphore(%arg20 : memref<!tpu.dma_semaphore, #tpu.memory_space<semaphore_mem>>) src(%dma_wait3A_106 : memref<1x80xi32, #tpu.memory_space<hbm>>) dst(%arg7 : memref<1x80xi32, #tpu.memory_space<vmem>>)
    %dma_start3A_107 = arith.constant 0 : i32
    %dma_start3A_108 = arith.constant 0 : i32
    %dma_start3A_109 = tpu.memref_slice %arg7[%dma_start3A_107, %dma_start3A_108] : memref<1x80xi32, #tpu.memory_space<vmem>> -> memref<1x80xi32, #tpu.memory_space<vmem>>
    %dma_start3A_110 = tpu.memref_squeeze %dma_start3A_109 : memref<1x80xi32, #tpu.memory_space<vmem>> -> memref<80xi32, #tpu.memory_space<vmem>>
    %dma_start3A_111 = arith.constant 0 : i32
    %dma_start3A_112 = arith.constant 0 : i32
    %dma_start3A_113 = tpu.memref_slice %arg13[%dma_start3A_111, %dma_start3A_112] : memref<10240x128xf32, #tpu.memory_space<vmem_shared>> -> memref<10240x128xf32, #tpu.memory_space<vmem_shared>>
    tpu.enqueue_indirect_dma source(%arg10 : memref<80x128xf32, #tpu.memory_space<vmem>>) target(%dma_start3A_113 : memref<10240x128xf32, #tpu.memory_space<vmem_shared>>) offsets(%dma_start3A_110 : memref<80xi32, #tpu.memory_space<vmem>>) semaphore(%arg17 : memref<!tpu.dma_semaphore, #tpu.memory_space<semaphore_mem>>) {add = true}
    %dma_wait3A_114 = arith.constant 0 : i32
    %dma_wait3A_115 = arith.constant 0 : i32
    %dma_wait3A_116 = tpu.memref_slice %arg4[%dma_wait3A_114, %dma_wait3A_115] : memref<10000x128xf32, #tpu.memory_space<hbm>> -> memref<80x128xf32, #tpu.memory_space<hbm>>
    %dma_wait3A_117 = arith.constant 0 : i32
    %dma_wait3A_118 = arith.constant 0 : i32
    %dma_wait3A_119 = tpu.memref_slice %arg4[%dma_wait3A_117, %dma_wait3A_118] : memref<10000x128xf32, #tpu.memory_space<hbm>> -> memref<80x128xf32, #tpu.memory_space<hbm>>
    tpu.wait_dma2 semaphore(%arg15 : memref<!tpu.dma_semaphore, #tpu.memory_space<semaphore_mem>>) src(%dma_wait3A_119 : memref<80x128xf32, #tpu.memory_space<hbm>>) dst(%arg11 : memref<80x128xf32, #tpu.memory_space<vmem>>)
    %dma_wait3A_120 = arith.constant 0 : i32
    %dma_wait3A_121 = arith.constant 0 : i32
    %dma_wait3A_122 = arith.constant 0 : i32
    %dma_wait3A_123 = arith.constant 0 : i32
    %dma_wait3A_124 = tpu.memref_slice %arg3[%dma_wait3A_120, %dma_wait3A_121, %dma_wait3A_122, %dma_wait3A_123] : memref<32x125x1x80xi32, #tpu.memory_space<hbm>> -> memref<1x1x1x80xi32, #tpu.memory_space<hbm>>
    %dma_wait3A_125 = tpu.memref_squeeze %dma_wait3A_124 : memref<1x1x1x80xi32, #tpu.memory_space<hbm>> -> memref<1x80xi32, #tpu.memory_space<hbm>>
    %dma_wait3A_126 = arith.constant 0 : i32
    %dma_wait3A_127 = arith.constant 0 : i32
    %dma_wait3A_128 = tpu.memref_slice %arg3[%dma_wait3A_120, %dma_wait3A_121, %dma_wait3A_126, %dma_wait3A_127] : memref<32x125x1x80xi32, #tpu.memory_space<hbm>> -> memref<1x1x1x80xi32, #tpu.memory_space<hbm>>
    %dma_wait3A_129 = tpu.memref_squeeze %dma_wait3A_128 : memref<1x1x1x80xi32, #tpu.memory_space<hbm>> -> memref<1x80xi32, #tpu.memory_space<hbm>>
    tpu.wait_dma2 semaphore(%arg21 : memref<!tpu.dma_semaphore, #tpu.memory_space<semaphore_mem>>) src(%dma_wait3A_129 : memref<1x80xi32, #tpu.memory_space<hbm>>) dst(%arg8 : memref<1x80xi32, #tpu.memory_space<vmem>>)
    %dma_start3A_130 = arith.constant 0 : i32
    %dma_start3A_131 = arith.constant 0 : i32
    %dma_start3A_132 = tpu.memref_slice %arg8[%dma_start3A_130, %dma_start3A_131] : memref<1x80xi32, #tpu.memory_space<vmem>> -> memref<1x80xi32, #tpu.memory_space<vmem>>
    %dma_start3A_133 = tpu.memref_squeeze %dma_start3A_132 : memref<1x80xi32, #tpu.memory_space<vmem>> -> memref<80xi32, #tpu.memory_space<vmem>>
    %dma_start3A_134 = arith.constant 0 : i32
    %dma_start3A_135 = arith.constant 0 : i32
    %dma_start3A_136 = tpu.memref_slice %arg13[%dma_start3A_134, %dma_start3A_135] : memref<10240x128xf32, #tpu.memory_space<vmem_shared>> -> memref<10240x128xf32, #tpu.memory_space<vmem_shared>>
    tpu.enqueue_indirect_dma source(%arg11 : memref<80x128xf32, #tpu.memory_space<vmem>>) target(%dma_start3A_136 : memref<10240x128xf32, #tpu.memory_space<vmem_shared>>) offsets(%dma_start3A_133 : memref<80xi32, #tpu.memory_space<vmem>>) semaphore(%arg18 : memref<!tpu.dma_semaphore, #tpu.memory_space<semaphore_mem>>) {add = true}
    %dma_wait3A_137 = arith.constant 0 : i32
    %dma_wait3A_138 = arith.constant 0 : i32
    %dma_wait3A_139 = tpu.memref_slice %arg13[%dma_wait3A_137, %dma_wait3A_138] : memref<10240x128xf32, #tpu.memory_space<vmem_shared>> -> memref<80x128xf32, #tpu.memory_space<vmem_shared>>
    %dma_wait3A_140 = arith.constant 0 : i32
    %dma_wait3A_141 = arith.constant 0 : i32
    %dma_wait3A_142 = tpu.memref_slice %arg13[%dma_wait3A_140, %dma_wait3A_141] : memref<10240x128xf32, #tpu.memory_space<vmem_shared>> -> memref<80x128xf32, #tpu.memory_space<vmem_shared>>
    tpu.wait_dma2 semaphore(%arg17 : memref<!tpu.dma_semaphore, #tpu.memory_space<semaphore_mem>>) src(%arg10 : memref<80x128xf32, #tpu.memory_space<vmem>>) dst(%dma_wait3A_142 : memref<80x128xf32, #tpu.memory_space<vmem_shared>>)
    %dma_start3A_143 = arith.constant 3 : i32
    %dma_start3A_144 = arith.constant 0 : i32
    %dma_start3A_145 = arith.constant 0 : i32
    %dma_start3A_146 = tpu.memref_slice %arg3[%add3A, %dma_start3A_143, %dma_start3A_144, %dma_start3A_145] : memref<32x125x1x80xi32, #tpu.memory_space<hbm>> -> memref<1x1x1x80xi32, #tpu.memory_space<hbm>>
    %dma_start3A_147 = tpu.memref_squeeze %dma_start3A_146 : memref<1x1x1x80xi32, #tpu.memory_space<hbm>> -> memref<1x80xi32, #tpu.memory_space<hbm>>
    %dma_start3A_148 = arith.constant 0 : i32
    %dma_start3A_149 = arith.constant 0 : i32
    %dma_start3A_150 = tpu.memref_slice %arg3[%add3A, %dma_start3A_143, %dma_start3A_148, %dma_start3A_149] : memref<32x125x1x80xi32, #tpu.memory_space<hbm>> -> memref<1x1x1x80xi32, #tpu.memory_space<hbm>>
    %dma_start3A_151 = tpu.memref_squeeze %dma_start3A_150 : memref<1x1x1x80xi32, #tpu.memory_space<hbm>> -> memref<1x80xi32, #tpu.memory_space<hbm>>
    tpu.enqueue_dma source(%dma_start3A_151 : memref<1x80xi32, #tpu.memory_space<hbm>>) target(%arg7 : memref<1x80xi32, #tpu.memory_space<vmem>>) target_semaphore(%arg20 : memref<!tpu.dma_semaphore, #tpu.memory_space<semaphore_mem>>)
    %dma_start3A_152 = arith.constant 240 : i32
    %dma_start3A_153 = tpu.memref_slice %arg6[%dma_start3A_152] : memref<10000xi32, #tpu.memory_space<vmem>> -> memref<80xi32, #tpu.memory_space<vmem>>
    %dma_start3A_154 = arith.constant 0 : i32
    %dma_start3A_155 = arith.constant 0 : i32
    %dma_start3A_156 = tpu.memref_slice %arg4[%dma_start3A_154, %dma_start3A_155] : memref<10000x128xf32, #tpu.memory_space<hbm>> -> memref<10000x128xf32, #tpu.memory_space<hbm>>
    tpu.enqueue_indirect_dma source(%dma_start3A_156 : memref<10000x128xf32, #tpu.memory_space<hbm>>) target(%arg10 : memref<80x128xf32, #tpu.memory_space<vmem>>) offsets(%dma_start3A_153 : memref<80xi32, #tpu.memory_space<vmem>>) semaphore(%arg14 : memref<!tpu.dma_semaphore, #tpu.memory_space<semaphore_mem>>)
    %dma_wait3A_157 = arith.constant 0 : i32
    %dma_wait3A_158 = arith.constant 0 : i32
    %dma_wait3A_159 = tpu.memref_slice %arg4[%dma_wait3A_157, %dma_wait3A_158] : memref<10000x128xf32, #tpu.memory_space<hbm>> -> memref<80x128xf32, #tpu.memory_space<hbm>>
    %dma_wait3A_160 = arith.constant 0 : i32
    %dma_wait3A_161 = arith.constant 0 : i32
    %dma_wait3A_162 = tpu.memref_slice %arg4[%dma_wait3A_160, %dma_wait3A_161] : memref<10000x128xf32, #tpu.memory_space<hbm>> -> memref<80x128xf32, #tpu.memory_space<hbm>>
    tpu.wait_dma2 semaphore(%arg16 : memref<!tpu.dma_semaphore, #tpu.memory_space<semaphore_mem>>) src(%dma_wait3A_162 : memref<80x128xf32, #tpu.memory_space<hbm>>) dst(%arg12 : memref<80x128xf32, #tpu.memory_space<vmem>>)
    %dma_wait3A_163 = arith.constant 0 : i32
    %dma_wait3A_164 = arith.constant 0 : i32
    %dma_wait3A_165 = arith.constant 0 : i32
    %dma_wait3A_166 = arith.constant 0 : i32
    %dma_wait3A_167 = tpu.memref_slice %arg3[%dma_wait3A_163, %dma_wait3A_164, %dma_wait3A_165, %dma_wait3A_166] : memref<32x125x1x80xi32, #tpu.memory_space<hbm>> -> memref<1x1x1x80xi32, #tpu.memory_space<hbm>>
    %dma_wait3A_168 = tpu.memref_squeeze %dma_wait3A_167 : memref<1x1x1x80xi32, #tpu.memory_space<hbm>> -> memref<1x80xi32, #tpu.memory_space<hbm>>
    %dma_wait3A_169 = arith.constant 0 : i32
    %dma_wait3A_170 = arith.constant 0 : i32
    %dma_wait3A_171 = tpu.memref_slice %arg3[%dma_wait3A_163, %dma_wait3A_164, %dma_wait3A_169, %dma_wait3A_170] : memref<32x125x1x80xi32, #tpu.memory_space<hbm>> -> memref<1x1x1x80xi32, #tpu.memory_space<hbm>>
    %dma_wait3A_172 = tpu.memref_squeeze %dma_wait3A_171 : memref<1x1x1x80xi32, #tpu.memory_space<hbm>> -> memref<1x80xi32, #tpu.memory_space<hbm>>
    tpu.wait_dma2 semaphore(%arg22 : memref<!tpu.dma_semaphore, #tpu.memory_space<semaphore_mem>>) src(%dma_wait3A_172 : memref<1x80xi32, #tpu.memory_space<hbm>>) dst(%arg9 : memref<1x80xi32, #tpu.memory_space<vmem>>)
    %dma_start3A_173 = arith.constant 0 : i32
    %dma_start3A_174 = arith.constant 0 : i32
    %dma_start3A_175 = tpu.memref_slice %arg9[%dma_start3A_173, %dma_start3A_174] : memref<1x80xi32, #tpu.memory_space<vmem>> -> memref<1x80xi32, #tpu.memory_space<vmem>>
    %dma_start3A_176 = tpu.memref_squeeze %dma_start3A_175 : memref<1x80xi32, #tpu.memory_space<vmem>> -> memref<80xi32, #tpu.memory_space<vmem>>
    %dma_start3A_177 = arith.constant 0 : i32
    %dma_start3A_178 = arith.constant 0 : i32
    %dma_start3A_179 = tpu.memref_slice %arg13[%dma_start3A_177, %dma_start3A_178] : memref<10240x128xf32, #tpu.memory_space<vmem_shared>> -> memref<10240x128xf32, #tpu.memory_space<vmem_shared>>
    tpu.enqueue_indirect_dma source(%arg12 : memref<80x128xf32, #tpu.memory_space<vmem>>) target(%dma_start3A_179 : memref<10240x128xf32, #tpu.memory_space<vmem_shared>>) offsets(%dma_start3A_176 : memref<80xi32, #tpu.memory_space<vmem>>) semaphore(%arg19 : memref<!tpu.dma_semaphore, #tpu.memory_space<semaphore_mem>>) {add = true}
    %dma_wait3A_180 = arith.constant 0 : i32
    %dma_wait3A_181 = arith.constant 0 : i32
    %dma_wait3A_182 = tpu.memref_slice %arg13[%dma_wait3A_180, %dma_wait3A_181] : memref<10240x128xf32, #tpu.memory_space<vmem_shared>> -> memref<80x128xf32, #tpu.memory_space<vmem_shared>>
    %dma_wait3A_183 = arith.constant 0 : i32
    %dma_wait3A_184 = arith.constant 0 : i32
    %dma_wait3A_185 = tpu.memref_slice %arg13[%dma_wait3A_183, %dma_wait3A_184] : memref<10240x128xf32, #tpu.memory_space<vmem_shared>> -> memref<80x128xf32, #tpu.memory_space<vmem_shared>>
    tpu.wait_dma2 semaphore(%arg18 : memref<!tpu.dma_semaphore, #tpu.memory_space<semaphore_mem>>) src(%arg11 : memref<80x128xf32, #tpu.memory_space<vmem>>) dst(%dma_wait3A_185 : memref<80x128xf32, #tpu.memory_space<vmem_shared>>)
    %dma_start3A_186 = arith.constant 4 : i32
    %dma_start3A_187 = arith.constant 0 : i32
    %dma_start3A_188 = arith.constant 0 : i32
    %dma_start3A_189 = tpu.memref_slice %arg3[%add3A, %dma_start3A_186, %dma_start3A_187, %dma_start3A_188] : memref<32x125x1x80xi32, #tpu.memory_space<hbm>> -> memref<1x1x1x80xi32, #tpu.memory_space<hbm>>
    %dma_start3A_190 = tpu.memref_squeeze %dma_start3A_189 : memref<1x1x1x80xi32, #tpu.memory_space<hbm>> -> memref<1x80xi32, #tpu.memory_space<hbm>>
    %dma_start3A_191 = arith.constant 0 : i32
    %dma_start3A_192 = arith.constant 0 : i32
    %dma_start3A_193 = tpu.memref_slice %arg3[%add3A, %dma_start3A_186, %dma_start3A_191, %dma_start3A_192] : memref<32x125x1x80xi32, #tpu.memory_space<hbm>> -> memref<1x1x1x80xi32, #tpu.memory_space<hbm>>
    %dma_start3A_194 = tpu.memref_squeeze %dma_start3A_193 : memref<1x1x1x80xi32, #tpu.memory_space<hbm>> -> memref<1x80xi32, #tpu.memory_space<hbm>>
    tpu.enqueue_dma source(%dma_start3A_194 : memref<1x80xi32, #tpu.memory_space<hbm>>) target(%arg8 : memref<1x80xi32, #tpu.memory_space<vmem>>) target_semaphore(%arg21 : memref<!tpu.dma_semaphore, #tpu.memory_space<semaphore_mem>>)
    %dma_start3A_195 = arith.constant 320 : i32
    %dma_start3A_196 = tpu.memref_slice %arg6[%dma_start3A_195] : memref<10000xi32, #tpu.memory_space<vmem>> -> memref<80xi32, #tpu.memory_space<vmem>>
    %dma_start3A_197 = arith.constant 0 : i32
    %dma_start3A_198 = arith.constant 0 : i32
    %dma_start3A_199 = tpu.memref_slice %arg4[%dma_start3A_197, %dma_start3A_198] : memref<10000x128xf32, #tpu.memory_space<hbm>> -> memref<10000x128xf32, #tpu.memory_space<hbm>>
    tpu.enqueue_indirect_dma source(%dma_start3A_199 : memref<10000x128xf32, #tpu.memory_space<hbm>>) target(%arg11 : memref<80x128xf32, #tpu.memory_space<vmem>>) offsets(%dma_start3A_196 : memref<80xi32, #tpu.memory_space<vmem>>) semaphore(%arg15 : memref<!tpu.dma_semaphore, #tpu.memory_space<semaphore_mem>>)
    %scan3A_200 = arith.constant 0 : i32
    %scan3A_201 = arith.constant 0 : i32
    %scan3A_202 = arith.constant 40 : i32
    %scan3A_203 = arith.addi %scan3A_201, %scan3A_202 : i32
    %scan3A_204 = arith.constant 1 : i32
    scf.for %scan3A_275 = %scan3A_201 to %scan3A_203 step %scan3A_204  : i32 {
      %mul3A_276 = arith.constant 3 : i32
      %mul3A_277 = arith.muli %mul3A_276, %scan3A_275 : i32
      %add3A_278 = arith.constant 3 : i32
      %add3A_279 = arith.addi %add3A_278, %mul3A_277 : i32
      %add3A_280 = arith.constant 0 : i32
      %add3A_281 = arith.addi %add3A_279, %add3A_280 : i32
      %dma_wait3A_282 = arith.constant 0 : i32
      %dma_wait3A_283 = arith.constant 0 : i32
      %dma_wait3A_284 = tpu.memref_slice %arg4[%dma_wait3A_282, %dma_wait3A_283] : memref<10000x128xf32, #tpu.memory_space<hbm>> -> memref<80x128xf32, #tpu.memory_space<hbm>>
      %dma_wait3A_285 = arith.constant 0 : i32
      %dma_wait3A_286 = arith.constant 0 : i32
      %dma_wait3A_287 = tpu.memref_slice %arg4[%dma_wait3A_285, %dma_wait3A_286] : memref<10000x128xf32, #tpu.memory_space<hbm>> -> memref<80x128xf32, #tpu.memory_space<hbm>>
      tpu.wait_dma2 semaphore(%arg14 : memref<!tpu.dma_semaphore, #tpu.memory_space<semaphore_mem>>) src(%dma_wait3A_287 : memref<80x128xf32, #tpu.memory_space<hbm>>) dst(%arg10 : memref<80x128xf32, #tpu.memory_space<vmem>>)
      %dma_wait3A_288 = arith.constant 0 : i32
      %dma_wait3A_289 = arith.constant 0 : i32
      %dma_wait3A_290 = arith.constant 0 : i32
      %dma_wait3A_291 = arith.constant 0 : i32
      %dma_wait3A_292 = tpu.memref_slice %arg3[%dma_wait3A_288, %dma_wait3A_289, %dma_wait3A_290, %dma_wait3A_291] : memref<32x125x1x80xi32, #tpu.memory_space<hbm>> -> memref<1x1x1x80xi32, #tpu.memory_space<hbm>>
      %dma_wait3A_293 = tpu.memref_squeeze %dma_wait3A_292 : memref<1x1x1x80xi32, #tpu.memory_space<hbm>> -> memref<1x80xi32, #tpu.memory_space<hbm>>
      %dma_wait3A_294 = arith.constant 0 : i32
      %dma_wait3A_295 = arith.constant 0 : i32
      %dma_wait3A_296 = tpu.memref_slice %arg3[%dma_wait3A_288, %dma_wait3A_289, %dma_wait3A_294, %dma_wait3A_295] : memref<32x125x1x80xi32, #tpu.memory_space<hbm>> -> memref<1x1x1x80xi32, #tpu.memory_space<hbm>>
      %dma_wait3A_297 = tpu.memref_squeeze %dma_wait3A_296 : memref<1x1x1x80xi32, #tpu.memory_space<hbm>> -> memref<1x80xi32, #tpu.memory_space<hbm>>
      tpu.wait_dma2 semaphore(%arg20 : memref<!tpu.dma_semaphore, #tpu.memory_space<semaphore_mem>>) src(%dma_wait3A_297 : memref<1x80xi32, #tpu.memory_space<hbm>>) dst(%arg7 : memref<1x80xi32, #tpu.memory_space<vmem>>)
      %dma_start3A_298 = arith.constant 0 : i32
      %dma_start3A_299 = arith.constant 0 : i32
      %dma_start3A_300 = tpu.memref_slice %arg7[%dma_start3A_298, %dma_start3A_299] : memref<1x80xi32, #tpu.memory_space<vmem>> -> memref<1x80xi32, #tpu.memory_space<vmem>>
      %dma_start3A_301 = tpu.memref_squeeze %dma_start3A_300 : memref<1x80xi32, #tpu.memory_space<vmem>> -> memref<80xi32, #tpu.memory_space<vmem>>
      %dma_start3A_302 = arith.constant 0 : i32
      %dma_start3A_303 = arith.constant 0 : i32
      %dma_start3A_304 = tpu.memref_slice %arg13[%dma_start3A_302, %dma_start3A_303] : memref<10240x128xf32, #tpu.memory_space<vmem_shared>> -> memref<10240x128xf32, #tpu.memory_space<vmem_shared>>
      tpu.enqueue_indirect_dma source(%arg10 : memref<80x128xf32, #tpu.memory_space<vmem>>) target(%dma_start3A_304 : memref<10240x128xf32, #tpu.memory_space<vmem_shared>>) offsets(%dma_start3A_301 : memref<80xi32, #tpu.memory_space<vmem>>) semaphore(%arg17 : memref<!tpu.dma_semaphore, #tpu.memory_space<semaphore_mem>>) {add = true}
      %dma_wait3A_305 = arith.constant 0 : i32
      %dma_wait3A_306 = arith.constant 0 : i32
      %dma_wait3A_307 = tpu.memref_slice %arg13[%dma_wait3A_305, %dma_wait3A_306] : memref<10240x128xf32, #tpu.memory_space<vmem_shared>> -> memref<80x128xf32, #tpu.memory_space<vmem_shared>>
      %dma_wait3A_308 = arith.constant 0 : i32
      %dma_wait3A_309 = arith.constant 0 : i32
      %dma_wait3A_310 = tpu.memref_slice %arg13[%dma_wait3A_308, %dma_wait3A_309] : memref<10240x128xf32, #tpu.memory_space<vmem_shared>> -> memref<80x128xf32, #tpu.memory_space<vmem_shared>>
      tpu.wait_dma2 semaphore(%arg19 : memref<!tpu.dma_semaphore, #tpu.memory_space<semaphore_mem>>) src(%arg12 : memref<80x128xf32, #tpu.memory_space<vmem>>) dst(%dma_wait3A_310 : memref<80x128xf32, #tpu.memory_space<vmem_shared>>)
      %add3A_311 = arith.constant 2 : i32
      %add3A_312 = arith.addi %add3A_281, %add3A_311 : i32
      %dma_start3A_313 = arith.constant 0 : i32
      %dma_start3A_314 = arith.constant 0 : i32
      %dma_start3A_315 = tpu.memref_slice %arg3[%add3A, %add3A_312, %dma_start3A_313, %dma_start3A_314] : memref<32x125x1x80xi32, #tpu.memory_space<hbm>> -> memref<1x1x1x80xi32, #tpu.memory_space<hbm>>
      %dma_start3A_316 = tpu.memref_squeeze %dma_start3A_315 : memref<1x1x1x80xi32, #tpu.memory_space<hbm>> -> memref<1x80xi32, #tpu.memory_space<hbm>>
      %dma_start3A_317 = arith.constant 0 : i32
      %dma_start3A_318 = arith.constant 0 : i32
      %dma_start3A_319 = tpu.memref_slice %arg3[%add3A, %add3A_312, %dma_start3A_317, %dma_start3A_318] : memref<32x125x1x80xi32, #tpu.memory_space<hbm>> -> memref<1x1x1x80xi32, #tpu.memory_space<hbm>>
      %dma_start3A_320 = tpu.memref_squeeze %dma_start3A_319 : memref<1x1x1x80xi32, #tpu.memory_space<hbm>> -> memref<1x80xi32, #tpu.memory_space<hbm>>
      tpu.enqueue_dma source(%dma_start3A_320 : memref<1x80xi32, #tpu.memory_space<hbm>>) target(%arg9 : memref<1x80xi32, #tpu.memory_space<vmem>>) target_semaphore(%arg22 : memref<!tpu.dma_semaphore, #tpu.memory_space<semaphore_mem>>)
      %add3A_321 = arith.constant 2 : i32
      %add3A_322 = arith.addi %add3A_281, %add3A_321 : i32
      %mul3A_323 = arith.constant 80 : i32
      %mul3A_324 = arith.muli %add3A_322, %mul3A_323 : i32
      %dma_start3A_325 = tpu.memref_slice %arg6[%mul3A_324] : memref<10000xi32, #tpu.memory_space<vmem>> -> memref<80xi32, #tpu.memory_space<vmem>>
      %dma_start3A_326 = arith.constant 0 : i32
      %dma_start3A_327 = arith.constant 0 : i32
      %dma_start3A_328 = tpu.memref_slice %arg4[%dma_start3A_326, %dma_start3A_327] : memref<10000x128xf32, #tpu.memory_space<hbm>> -> memref<10000x128xf32, #tpu.memory_space<hbm>>
      tpu.enqueue_indirect_dma source(%dma_start3A_328 : memref<10000x128xf32, #tpu.memory_space<hbm>>) target(%arg12 : memref<80x128xf32, #tpu.memory_space<vmem>>) offsets(%dma_start3A_325 : memref<80xi32, #tpu.memory_space<vmem>>) semaphore(%arg16 : memref<!tpu.dma_semaphore, #tpu.memory_space<semaphore_mem>>)
      %mul3A_329 = arith.constant 3 : i32
      %mul3A_330 = arith.muli %mul3A_329, %scan3A_275 : i32
      %add3A_331 = arith.constant 3 : i32
      %add3A_332 = arith.addi %add3A_331, %mul3A_330 : i32
      %add3A_333 = arith.constant 1 : i32
      %add3A_334 = arith.addi %add3A_332, %add3A_333 : i32
      %dma_wait3A_335 = arith.constant 0 : i32
      %dma_wait3A_336 = arith.constant 0 : i32
      %dma_wait3A_337 = tpu.memref_slice %arg4[%dma_wait3A_335, %dma_wait3A_336] : memref<10000x128xf32, #tpu.memory_space<hbm>> -> memref<80x128xf32, #tpu.memory_space<hbm>>
      %dma_wait3A_338 = arith.constant 0 : i32
      %dma_wait3A_339 = arith.constant 0 : i32
      %dma_wait3A_340 = tpu.memref_slice %arg4[%dma_wait3A_338, %dma_wait3A_339] : memref<10000x128xf32, #tpu.memory_space<hbm>> -> memref<80x128xf32, #tpu.memory_space<hbm>>
      tpu.wait_dma2 semaphore(%arg15 : memref<!tpu.dma_semaphore, #tpu.memory_space<semaphore_mem>>) src(%dma_wait3A_340 : memref<80x128xf32, #tpu.memory_space<hbm>>) dst(%arg11 : memref<80x128xf32, #tpu.memory_space<vmem>>)
      %dma_wait3A_341 = arith.constant 0 : i32
      %dma_wait3A_342 = arith.constant 0 : i32
      %dma_wait3A_343 = arith.constant 0 : i32
      %dma_wait3A_344 = arith.constant 0 : i32
      %dma_wait3A_345 = tpu.memref_slice %arg3[%dma_wait3A_341, %dma_wait3A_342, %dma_wait3A_343, %dma_wait3A_344] : memref<32x125x1x80xi32, #tpu.memory_space<hbm>> -> memref<1x1x1x80xi32, #tpu.memory_space<hbm>>
      %dma_wait3A_346 = tpu.memref_squeeze %dma_wait3A_345 : memref<1x1x1x80xi32, #tpu.memory_space<hbm>> -> memref<1x80xi32, #tpu.memory_space<hbm>>
      %dma_wait3A_347 = arith.constant 0 : i32
      %dma_wait3A_348 = arith.constant 0 : i32
      %dma_wait3A_349 = tpu.memref_slice %arg3[%dma_wait3A_341, %dma_wait3A_342, %dma_wait3A_347, %dma_wait3A_348] : memref<32x125x1x80xi32, #tpu.memory_space<hbm>> -> memref<1x1x1x80xi32, #tpu.memory_space<hbm>>
      %dma_wait3A_350 = tpu.memref_squeeze %dma_wait3A_349 : memref<1x1x1x80xi32, #tpu.memory_space<hbm>> -> memref<1x80xi32, #tpu.memory_space<hbm>>
      tpu.wait_dma2 semaphore(%arg21 : memref<!tpu.dma_semaphore, #tpu.memory_space<semaphore_mem>>) src(%dma_wait3A_350 : memref<1x80xi32, #tpu.memory_space<hbm>>) dst(%arg8 : memref<1x80xi32, #tpu.memory_space<vmem>>)
      %dma_start3A_351 = arith.constant 0 : i32
      %dma_start3A_352 = arith.constant 0 : i32
      %dma_start3A_353 = tpu.memref_slice %arg8[%dma_start3A_351, %dma_start3A_352] : memref<1x80xi32, #tpu.memory_space<vmem>> -> memref<1x80xi32, #tpu.memory_space<vmem>>
      %dma_start3A_354 = tpu.memref_squeeze %dma_start3A_353 : memref<1x80xi32, #tpu.memory_space<vmem>> -> memref<80xi32, #tpu.memory_space<vmem>>
      %dma_start3A_355 = arith.constant 0 : i32
      %dma_start3A_356 = arith.constant 0 : i32
      %dma_start3A_357 = tpu.memref_slice %arg13[%dma_start3A_355, %dma_start3A_356] : memref<10240x128xf32, #tpu.memory_space<vmem_shared>> -> memref<10240x128xf32, #tpu.memory_space<vmem_shared>>
      tpu.enqueue_indirect_dma source(%arg11 : memref<80x128xf32, #tpu.memory_space<vmem>>) target(%dma_start3A_357 : memref<10240x128xf32, #tpu.memory_space<vmem_shared>>) offsets(%dma_start3A_354 : memref<80xi32, #tpu.memory_space<vmem>>) semaphore(%arg18 : memref<!tpu.dma_semaphore, #tpu.memory_space<semaphore_mem>>) {add = true}
      %dma_wait3A_358 = arith.constant 0 : i32
      %dma_wait3A_359 = arith.constant 0 : i32
      %dma_wait3A_360 = tpu.memref_slice %arg13[%dma_wait3A_358, %dma_wait3A_359] : memref<10240x128xf32, #tpu.memory_space<vmem_shared>> -> memref<80x128xf32, #tpu.memory_space<vmem_shared>>
      %dma_wait3A_361 = arith.constant 0 : i32
      %dma_wait3A_362 = arith.constant 0 : i32
      %dma_wait3A_363 = tpu.memref_slice %arg13[%dma_wait3A_361, %dma_wait3A_362] : memref<10240x128xf32, #tpu.memory_space<vmem_shared>> -> memref<80x128xf32, #tpu.memory_space<vmem_shared>>
      tpu.wait_dma2 semaphore(%arg17 : memref<!tpu.dma_semaphore, #tpu.memory_space<semaphore_mem>>) src(%arg10 : memref<80x128xf32, #tpu.memory_space<vmem>>) dst(%dma_wait3A_363 : memref<80x128xf32, #tpu.memory_space<vmem_shared>>)
      %add3A_364 = arith.constant 2 : i32
      %add3A_365 = arith.addi %add3A_334, %add3A_364 : i32
      %dma_start3A_366 = arith.constant 0 : i32
      %dma_start3A_367 = arith.constant 0 : i32
      %dma_start3A_368 = tpu.memref_slice %arg3[%add3A, %add3A_365, %dma_start3A_366, %dma_start3A_367] : memref<32x125x1x80xi32, #tpu.memory_space<hbm>> -> memref<1x1x1x80xi32, #tpu.memory_space<hbm>>
      %dma_start3A_369 = tpu.memref_squeeze %dma_start3A_368 : memref<1x1x1x80xi32, #tpu.memory_space<hbm>> -> memref<1x80xi32, #tpu.memory_space<hbm>>
      %dma_start3A_370 = arith.constant 0 : i32
      %dma_start3A_371 = arith.constant 0 : i32
      %dma_start3A_372 = tpu.memref_slice %arg3[%add3A, %add3A_365, %dma_start3A_370, %dma_start3A_371] : memref<32x125x1x80xi32, #tpu.memory_space<hbm>> -> memref<1x1x1x80xi32, #tpu.memory_space<hbm>>
      %dma_start3A_373 = tpu.memref_squeeze %dma_start3A_372 : memref<1x1x1x80xi32, #tpu.memory_space<hbm>> -> memref<1x80xi32, #tpu.memory_space<hbm>>
      tpu.enqueue_dma source(%dma_start3A_373 : memref<1x80xi32, #tpu.memory_space<hbm>>) target(%arg7 : memref<1x80xi32, #tpu.memory_space<vmem>>) target_semaphore(%arg20 : memref<!tpu.dma_semaphore, #tpu.memory_space<semaphore_mem>>)
      %add3A_374 = arith.constant 2 : i32
      %add3A_375 = arith.addi %add3A_334, %add3A_374 : i32
      %mul3A_376 = arith.constant 80 : i32
      %mul3A_377 = arith.muli %add3A_375, %mul3A_376 : i32
      %dma_start3A_378 = tpu.memref_slice %arg6[%mul3A_377] : memref<10000xi32, #tpu.memory_space<vmem>> -> memref<80xi32, #tpu.memory_space<vmem>>
      %dma_start3A_379 = arith.constant 0 : i32
      %dma_start3A_380 = arith.constant 0 : i32
      %dma_start3A_381 = tpu.memref_slice %arg4[%dma_start3A_379, %dma_start3A_380] : memref<10000x128xf32, #tpu.memory_space<hbm>> -> memref<10000x128xf32, #tpu.memory_space<hbm>>
      tpu.enqueue_indirect_dma source(%dma_start3A_381 : memref<10000x128xf32, #tpu.memory_space<hbm>>) target(%arg10 : memref<80x128xf32, #tpu.memory_space<vmem>>) offsets(%dma_start3A_378 : memref<80xi32, #tpu.memory_space<vmem>>) semaphore(%arg14 : memref<!tpu.dma_semaphore, #tpu.memory_space<semaphore_mem>>)
      %mul3A_382 = arith.constant 3 : i32
      %mul3A_383 = arith.muli %mul3A_382, %scan3A_275 : i32
      %add3A_384 = arith.constant 3 : i32
      %add3A_385 = arith.addi %add3A_384, %mul3A_383 : i32
      %add3A_386 = arith.constant 2 : i32
      %add3A_387 = arith.addi %add3A_385, %add3A_386 : i32
      %dma_wait3A_388 = arith.constant 0 : i32
      %dma_wait3A_389 = arith.constant 0 : i32
      %dma_wait3A_390 = tpu.memref_slice %arg4[%dma_wait3A_388, %dma_wait3A_389] : memref<10000x128xf32, #tpu.memory_space<hbm>> -> memref<80x128xf32, #tpu.memory_space<hbm>>
      %dma_wait3A_391 = arith.constant 0 : i32
      %dma_wait3A_392 = arith.constant 0 : i32
      %dma_wait3A_393 = tpu.memref_slice %arg4[%dma_wait3A_391, %dma_wait3A_392] : memref<10000x128xf32, #tpu.memory_space<hbm>> -> memref<80x128xf32, #tpu.memory_space<hbm>>
      tpu.wait_dma2 semaphore(%arg16 : memref<!tpu.dma_semaphore, #tpu.memory_space<semaphore_mem>>) src(%dma_wait3A_393 : memref<80x128xf32, #tpu.memory_space<hbm>>) dst(%arg12 : memref<80x128xf32, #tpu.memory_space<vmem>>)
      %dma_wait3A_394 = arith.constant 0 : i32
      %dma_wait3A_395 = arith.constant 0 : i32
      %dma_wait3A_396 = arith.constant 0 : i32
      %dma_wait3A_397 = arith.constant 0 : i32
      %dma_wait3A_398 = tpu.memref_slice %arg3[%dma_wait3A_394, %dma_wait3A_395, %dma_wait3A_396, %dma_wait3A_397] : memref<32x125x1x80xi32, #tpu.memory_space<hbm>> -> memref<1x1x1x80xi32, #tpu.memory_space<hbm>>
      %dma_wait3A_399 = tpu.memref_squeeze %dma_wait3A_398 : memref<1x1x1x80xi32, #tpu.memory_space<hbm>> -> memref<1x80xi32, #tpu.memory_space<hbm>>
      %dma_wait3A_400 = arith.constant 0 : i32
      %dma_wait3A_401 = arith.constant 0 : i32
      %dma_wait3A_402 = tpu.memref_slice %arg3[%dma_wait3A_394, %dma_wait3A_395, %dma_wait3A_400, %dma_wait3A_401] : memref<32x125x1x80xi32, #tpu.memory_space<hbm>> -> memref<1x1x1x80xi32, #tpu.memory_space<hbm>>
      %dma_wait3A_403 = tpu.memref_squeeze %dma_wait3A_402 : memref<1x1x1x80xi32, #tpu.memory_space<hbm>> -> memref<1x80xi32, #tpu.memory_space<hbm>>
      tpu.wait_dma2 semaphore(%arg22 : memref<!tpu.dma_semaphore, #tpu.memory_space<semaphore_mem>>) src(%dma_wait3A_403 : memref<1x80xi32, #tpu.memory_space<hbm>>) dst(%arg9 : memref<1x80xi32, #tpu.memory_space<vmem>>)
      %dma_start3A_404 = arith.constant 0 : i32
      %dma_start3A_405 = arith.constant 0 : i32
      %dma_start3A_406 = tpu.memref_slice %arg9[%dma_start3A_404, %dma_start3A_405] : memref<1x80xi32, #tpu.memory_space<vmem>> -> memref<1x80xi32, #tpu.memory_space<vmem>>
      %dma_start3A_407 = tpu.memref_squeeze %dma_start3A_406 : memref<1x80xi32, #tpu.memory_space<vmem>> -> memref<80xi32, #tpu.memory_space<vmem>>
      %dma_start3A_408 = arith.constant 0 : i32
      %dma_start3A_409 = arith.constant 0 : i32
      %dma_start3A_410 = tpu.memref_slice %arg13[%dma_start3A_408, %dma_start3A_409] : memref<10240x128xf32, #tpu.memory_space<vmem_shared>> -> memref<10240x128xf32, #tpu.memory_space<vmem_shared>>
      tpu.enqueue_indirect_dma source(%arg12 : memref<80x128xf32, #tpu.memory_space<vmem>>) target(%dma_start3A_410 : memref<10240x128xf32, #tpu.memory_space<vmem_shared>>) offsets(%dma_start3A_407 : memref<80xi32, #tpu.memory_space<vmem>>) semaphore(%arg19 : memref<!tpu.dma_semaphore, #tpu.memory_space<semaphore_mem>>) {add = true}
      %dma_wait3A_411 = arith.constant 0 : i32
      %dma_wait3A_412 = arith.constant 0 : i32
      %dma_wait3A_413 = tpu.memref_slice %arg13[%dma_wait3A_411, %dma_wait3A_412] : memref<10240x128xf32, #tpu.memory_space<vmem_shared>> -> memref<80x128xf32, #tpu.memory_space<vmem_shared>>
      %dma_wait3A_414 = arith.constant 0 : i32
      %dma_wait3A_415 = arith.constant 0 : i32
      %dma_wait3A_416 = tpu.memref_slice %arg13[%dma_wait3A_414, %dma_wait3A_415] : memref<10240x128xf32, #tpu.memory_space<vmem_shared>> -> memref<80x128xf32, #tpu.memory_space<vmem_shared>>
      tpu.wait_dma2 semaphore(%arg18 : memref<!tpu.dma_semaphore, #tpu.memory_space<semaphore_mem>>) src(%arg11 : memref<80x128xf32, #tpu.memory_space<vmem>>) dst(%dma_wait3A_416 : memref<80x128xf32, #tpu.memory_space<vmem_shared>>)
      %add3A_417 = arith.constant 2 : i32
      %add3A_418 = arith.addi %add3A_387, %add3A_417 : i32
      %dma_start3A_419 = arith.constant 0 : i32
      %dma_start3A_420 = arith.constant 0 : i32
      %dma_start3A_421 = tpu.memref_slice %arg3[%add3A, %add3A_418, %dma_start3A_419, %dma_start3A_420] : memref<32x125x1x80xi32, #tpu.memory_space<hbm>> -> memref<1x1x1x80xi32, #tpu.memory_space<hbm>>
      %dma_start3A_422 = tpu.memref_squeeze %dma_start3A_421 : memref<1x1x1x80xi32, #tpu.memory_space<hbm>> -> memref<1x80xi32, #tpu.memory_space<hbm>>
      %dma_start3A_423 = arith.constant 0 : i32
      %dma_start3A_424 = arith.constant 0 : i32
      %dma_start3A_425 = tpu.memref_slice %arg3[%add3A, %add3A_418, %dma_start3A_423, %dma_start3A_424] : memref<32x125x1x80xi32, #tpu.memory_space<hbm>> -> memref<1x1x1x80xi32, #tpu.memory_space<hbm>>
      %dma_start3A_426 = tpu.memref_squeeze %dma_start3A_425 : memref<1x1x1x80xi32, #tpu.memory_space<hbm>> -> memref<1x80xi32, #tpu.memory_space<hbm>>
      tpu.enqueue_dma source(%dma_start3A_426 : memref<1x80xi32, #tpu.memory_space<hbm>>) target(%arg8 : memref<1x80xi32, #tpu.memory_space<vmem>>) target_semaphore(%arg21 : memref<!tpu.dma_semaphore, #tpu.memory_space<semaphore_mem>>)
      %add3A_427 = arith.constant 2 : i32
      %add3A_428 = arith.addi %add3A_387, %add3A_427 : i32
      %mul3A_429 = arith.constant 80 : i32
      %mul3A_430 = arith.muli %add3A_428, %mul3A_429 : i32
      %dma_start3A_431 = tpu.memref_slice %arg6[%mul3A_430] : memref<10000xi32, #tpu.memory_space<vmem>> -> memref<80xi32, #tpu.memory_space<vmem>>
      %dma_start3A_432 = arith.constant 0 : i32
      %dma_start3A_433 = arith.constant 0 : i32
      %dma_start3A_434 = tpu.memref_slice %arg4[%dma_start3A_432, %dma_start3A_433] : memref<10000x128xf32, #tpu.memory_space<hbm>> -> memref<10000x128xf32, #tpu.memory_space<hbm>>
      tpu.enqueue_indirect_dma source(%dma_start3A_434 : memref<10000x128xf32, #tpu.memory_space<hbm>>) target(%arg11 : memref<80x128xf32, #tpu.memory_space<vmem>>) offsets(%dma_start3A_431 : memref<80xi32, #tpu.memory_space<vmem>>) semaphore(%arg15 : memref<!tpu.dma_semaphore, #tpu.memory_space<semaphore_mem>>)
    }
    %scan3A_205 = arith.constant 40 : i32
    %dma_wait3A_206 = arith.constant 0 : i32
    %dma_wait3A_207 = arith.constant 0 : i32
    %dma_wait3A_208 = tpu.memref_slice %arg4[%dma_wait3A_206, %dma_wait3A_207] : memref<10000x128xf32, #tpu.memory_space<hbm>> -> memref<80x128xf32, #tpu.memory_space<hbm>>
    %dma_wait3A_209 = arith.constant 0 : i32
    %dma_wait3A_210 = arith.constant 0 : i32
    %dma_wait3A_211 = tpu.memref_slice %arg4[%dma_wait3A_209, %dma_wait3A_210] : memref<10000x128xf32, #tpu.memory_space<hbm>> -> memref<80x128xf32, #tpu.memory_space<hbm>>
    tpu.wait_dma2 semaphore(%arg14 : memref<!tpu.dma_semaphore, #tpu.memory_space<semaphore_mem>>) src(%dma_wait3A_211 : memref<80x128xf32, #tpu.memory_space<hbm>>) dst(%arg10 : memref<80x128xf32, #tpu.memory_space<vmem>>)
    %dma_wait3A_212 = arith.constant 0 : i32
    %dma_wait3A_213 = arith.constant 0 : i32
    %dma_wait3A_214 = arith.constant 0 : i32
    %dma_wait3A_215 = arith.constant 0 : i32
    %dma_wait3A_216 = tpu.memref_slice %arg3[%dma_wait3A_212, %dma_wait3A_213, %dma_wait3A_214, %dma_wait3A_215] : memref<32x125x1x80xi32, #tpu.memory_space<hbm>> -> memref<1x1x1x80xi32, #tpu.memory_space<hbm>>
    %dma_wait3A_217 = tpu.memref_squeeze %dma_wait3A_216 : memref<1x1x1x80xi32, #tpu.memory_space<hbm>> -> memref<1x80xi32, #tpu.memory_space<hbm>>
    %dma_wait3A_218 = arith.constant 0 : i32
    %dma_wait3A_219 = arith.constant 0 : i32
    %dma_wait3A_220 = tpu.memref_slice %arg3[%dma_wait3A_212, %dma_wait3A_213, %dma_wait3A_218, %dma_wait3A_219] : memref<32x125x1x80xi32, #tpu.memory_space<hbm>> -> memref<1x1x1x80xi32, #tpu.memory_space<hbm>>
    %dma_wait3A_221 = tpu.memref_squeeze %dma_wait3A_220 : memref<1x1x1x80xi32, #tpu.memory_space<hbm>> -> memref<1x80xi32, #tpu.memory_space<hbm>>
    tpu.wait_dma2 semaphore(%arg20 : memref<!tpu.dma_semaphore, #tpu.memory_space<semaphore_mem>>) src(%dma_wait3A_221 : memref<1x80xi32, #tpu.memory_space<hbm>>) dst(%arg7 : memref<1x80xi32, #tpu.memory_space<vmem>>)
    %dma_start3A_222 = arith.constant 0 : i32
    %dma_start3A_223 = arith.constant 0 : i32
    %dma_start3A_224 = tpu.memref_slice %arg7[%dma_start3A_222, %dma_start3A_223] : memref<1x80xi32, #tpu.memory_space<vmem>> -> memref<1x80xi32, #tpu.memory_space<vmem>>
    %dma_start3A_225 = tpu.memref_squeeze %dma_start3A_224 : memref<1x80xi32, #tpu.memory_space<vmem>> -> memref<80xi32, #tpu.memory_space<vmem>>
    %dma_start3A_226 = arith.constant 0 : i32
    %dma_start3A_227 = arith.constant 0 : i32
    %dma_start3A_228 = tpu.memref_slice %arg13[%dma_start3A_226, %dma_start3A_227] : memref<10240x128xf32, #tpu.memory_space<vmem_shared>> -> memref<10240x128xf32, #tpu.memory_space<vmem_shared>>
    tpu.enqueue_indirect_dma source(%arg10 : memref<80x128xf32, #tpu.memory_space<vmem>>) target(%dma_start3A_228 : memref<10240x128xf32, #tpu.memory_space<vmem_shared>>) offsets(%dma_start3A_225 : memref<80xi32, #tpu.memory_space<vmem>>) semaphore(%arg17 : memref<!tpu.dma_semaphore, #tpu.memory_space<semaphore_mem>>) {add = true}
    %dma_wait3A_229 = arith.constant 0 : i32
    %dma_wait3A_230 = arith.constant 0 : i32
    %dma_wait3A_231 = tpu.memref_slice %arg4[%dma_wait3A_229, %dma_wait3A_230] : memref<10000x128xf32, #tpu.memory_space<hbm>> -> memref<80x128xf32, #tpu.memory_space<hbm>>
    %dma_wait3A_232 = arith.constant 0 : i32
    %dma_wait3A_233 = arith.constant 0 : i32
    %dma_wait3A_234 = tpu.memref_slice %arg4[%dma_wait3A_232, %dma_wait3A_233] : memref<10000x128xf32, #tpu.memory_space<hbm>> -> memref<80x128xf32, #tpu.memory_space<hbm>>
    tpu.wait_dma2 semaphore(%arg15 : memref<!tpu.dma_semaphore, #tpu.memory_space<semaphore_mem>>) src(%dma_wait3A_234 : memref<80x128xf32, #tpu.memory_space<hbm>>) dst(%arg11 : memref<80x128xf32, #tpu.memory_space<vmem>>)
    %dma_wait3A_235 = arith.constant 0 : i32
    %dma_wait3A_236 = arith.constant 0 : i32
    %dma_wait3A_237 = arith.constant 0 : i32
    %dma_wait3A_238 = arith.constant 0 : i32
    %dma_wait3A_239 = tpu.memref_slice %arg3[%dma_wait3A_235, %dma_wait3A_236, %dma_wait3A_237, %dma_wait3A_238] : memref<32x125x1x80xi32, #tpu.memory_space<hbm>> -> memref<1x1x1x80xi32, #tpu.memory_space<hbm>>
    %dma_wait3A_240 = tpu.memref_squeeze %dma_wait3A_239 : memref<1x1x1x80xi32, #tpu.memory_space<hbm>> -> memref<1x80xi32, #tpu.memory_space<hbm>>
    %dma_wait3A_241 = arith.constant 0 : i32
    %dma_wait3A_242 = arith.constant 0 : i32
    %dma_wait3A_243 = tpu.memref_slice %arg3[%dma_wait3A_235, %dma_wait3A_236, %dma_wait3A_241, %dma_wait3A_242] : memref<32x125x1x80xi32, #tpu.memory_space<hbm>> -> memref<1x1x1x80xi32, #tpu.memory_space<hbm>>
    %dma_wait3A_244 = tpu.memref_squeeze %dma_wait3A_243 : memref<1x1x1x80xi32, #tpu.memory_space<hbm>> -> memref<1x80xi32, #tpu.memory_space<hbm>>
    tpu.wait_dma2 semaphore(%arg21 : memref<!tpu.dma_semaphore, #tpu.memory_space<semaphore_mem>>) src(%dma_wait3A_244 : memref<1x80xi32, #tpu.memory_space<hbm>>) dst(%arg8 : memref<1x80xi32, #tpu.memory_space<vmem>>)
    %dma_start3A_245 = arith.constant 0 : i32
    %dma_start3A_246 = arith.constant 0 : i32
    %dma_start3A_247 = tpu.memref_slice %arg8[%dma_start3A_245, %dma_start3A_246] : memref<1x80xi32, #tpu.memory_space<vmem>> -> memref<1x80xi32, #tpu.memory_space<vmem>>
    %dma_start3A_248 = tpu.memref_squeeze %dma_start3A_247 : memref<1x80xi32, #tpu.memory_space<vmem>> -> memref<80xi32, #tpu.memory_space<vmem>>
    %dma_start3A_249 = arith.constant 0 : i32
    %dma_start3A_250 = arith.constant 0 : i32
    %dma_start3A_251 = tpu.memref_slice %arg13[%dma_start3A_249, %dma_start3A_250] : memref<10240x128xf32, #tpu.memory_space<vmem_shared>> -> memref<10240x128xf32, #tpu.memory_space<vmem_shared>>
    tpu.enqueue_indirect_dma source(%arg11 : memref<80x128xf32, #tpu.memory_space<vmem>>) target(%dma_start3A_251 : memref<10240x128xf32, #tpu.memory_space<vmem_shared>>) offsets(%dma_start3A_248 : memref<80xi32, #tpu.memory_space<vmem>>) semaphore(%arg18 : memref<!tpu.dma_semaphore, #tpu.memory_space<semaphore_mem>>) {add = true}
    %dma_wait3A_252 = arith.constant 0 : i32
    %dma_wait3A_253 = arith.constant 0 : i32
    %dma_wait3A_254 = tpu.memref_slice %arg13[%dma_wait3A_252, %dma_wait3A_253] : memref<10240x128xf32, #tpu.memory_space<vmem_shared>> -> memref<80x128xf32, #tpu.memory_space<vmem_shared>>
    %dma_wait3A_255 = arith.constant 0 : i32
    %dma_wait3A_256 = arith.constant 0 : i32
    %dma_wait3A_257 = tpu.memref_slice %arg13[%dma_wait3A_255, %dma_wait3A_256] : memref<10240x128xf32, #tpu.memory_space<vmem_shared>> -> memref<80x128xf32, #tpu.memory_space<vmem_shared>>
    tpu.wait_dma2 semaphore(%arg19 : memref<!tpu.dma_semaphore, #tpu.memory_space<semaphore_mem>>) src(%arg12 : memref<80x128xf32, #tpu.memory_space<vmem>>) dst(%dma_wait3A_257 : memref<80x128xf32, #tpu.memory_space<vmem_shared>>)
    %dma_wait3A_258 = arith.constant 0 : i32
    %dma_wait3A_259 = arith.constant 0 : i32
    %dma_wait3A_260 = tpu.memref_slice %arg13[%dma_wait3A_258, %dma_wait3A_259] : memref<10240x128xf32, #tpu.memory_space<vmem_shared>> -> memref<80x128xf32, #tpu.memory_space<vmem_shared>>
    %dma_wait3A_261 = arith.constant 0 : i32
    %dma_wait3A_262 = arith.constant 0 : i32
    %dma_wait3A_263 = tpu.memref_slice %arg13[%dma_wait3A_261, %dma_wait3A_262] : memref<10240x128xf32, #tpu.memory_space<vmem_shared>> -> memref<80x128xf32, #tpu.memory_space<vmem_shared>>
    tpu.wait_dma2 semaphore(%arg17 : memref<!tpu.dma_semaphore, #tpu.memory_space<semaphore_mem>>) src(%arg10 : memref<80x128xf32, #tpu.memory_space<vmem>>) dst(%dma_wait3A_263 : memref<80x128xf32, #tpu.memory_space<vmem_shared>>)
    %dma_wait3A_264 = arith.constant 0 : i32
    %dma_wait3A_265 = arith.constant 0 : i32
    %dma_wait3A_266 = tpu.memref_slice %arg13[%dma_wait3A_264, %dma_wait3A_265] : memref<10240x128xf32, #tpu.memory_space<vmem_shared>> -> memref<80x128xf32, #tpu.memory_space<vmem_shared>>
    %dma_wait3A_267 = arith.constant 0 : i32
    %dma_wait3A_268 = arith.constant 0 : i32
    %dma_wait3A_269 = tpu.memref_slice %arg13[%dma_wait3A_267, %dma_wait3A_268] : memref<10240x128xf32, #tpu.memory_space<vmem_shared>> -> memref<80x128xf32, #tpu.memory_space<vmem_shared>>
    tpu.wait_dma2 semaphore(%arg18 : memref<!tpu.dma_semaphore, #tpu.memory_space<semaphore_mem>>) src(%arg11 : memref<80x128xf32, #tpu.memory_space<vmem>>) dst(%dma_wait3A_269 : memref<80x128xf32, #tpu.memory_space<vmem_shared>>)
    %barrier3A_270 = arith.constant 0 : index
    tpu.barrier barrier_id(%barrier3A_270)
    %mul3A_271 = arith.constant 640 : i32
    %mul3A_272 = arith.muli %arg1, %mul3A_271 : i32
    %mul3A_273 = arith.constant 640 : i32
    %mul3A_274 = arith.muli %arg1, %mul3A_273 : i32
    "tpu.region"() ({
      %run_scoped3A = tpu.sem_alloc : memref<!tpu.dma_semaphore, #tpu.memory_space<semaphore_mem>>
      %dma_start3A_275 = arith.constant 0 : i32
      %dma_start3A_276 = tpu.memref_slice %arg5[%arg0, %mul3A_274, %dma_start3A_275] : memref<2x10240x128xf32, #tpu.memory_space<hbm>> -> memref<1x640x128xf32, #tpu.memory_space<hbm>>
      %dma_start3A_277 = tpu.memref_squeeze %dma_start3A_276 : memref<1x640x128xf32, #tpu.memory_space<hbm>> -> memref<640x128xf32, #tpu.memory_space<hbm>>
      %dma_start3A_278 = arith.constant 0 : i32
      %dma_start3A_279 = tpu.memref_slice %arg13[%mul3A_272, %dma_start3A_278] : memref<10240x128xf32, #tpu.memory_space<vmem_shared>> -> memref<640x128xf32, #tpu.memory_space<vmem_shared>>
      tpu.enqueue_dma source(%dma_start3A_279 : memref<640x128xf32, #tpu.memory_space<vmem_shared>>) target(%dma_start3A_277 : memref<640x128xf32, #tpu.memory_space<hbm>>) target_semaphore(%run_scoped3A : memref<!tpu.dma_semaphore, #tpu.memory_space<semaphore_mem>>)
      %dma_wait3A_280 = arith.constant 0 : i32
      %dma_wait3A_281 = tpu.memref_slice %arg5[%arg0, %mul3A_274, %dma_wait3A_280] : memref<2x10240x128xf32, #tpu.memory_space<hbm>> -> memref<1x640x128xf32, #tpu.memory_space<hbm>>
      %dma_wait3A_282 = tpu.memref_squeeze %dma_wait3A_281 : memref<1x640x128xf32, #tpu.memory_space<hbm>> -> memref<640x128xf32, #tpu.memory_space<hbm>>
      %dma_wait3A_283 = arith.constant 0 : i32
      %dma_wait3A_284 = tpu.memref_slice %arg13[%mul3A_272, %dma_wait3A_283] : memref<10240x128xf32, #tpu.memory_space<vmem_shared>> -> memref<640x128xf32, #tpu.memory_space<vmem_shared>>
      tpu.wait_dma2 semaphore(%run_scoped3A : memref<!tpu.dma_semaphore, #tpu.memory_space<semaphore_mem>>) src(%dma_wait3A_284 : memref<640x128xf32, #tpu.memory_space<vmem_shared>>) dst(%dma_wait3A_282 : memref<640x128xf32, #tpu.memory_space<hbm>>)
      tpu.yield
    }) : () -> ()
    return
  }
}

#map = affine_map<(d0, d1) -> (0, 0, 0, 0)>
#map1 = affine_map<(d0, d1) -> (0, 0, 0)>
module attributes {stable_mosaic.version = 14 : i64} {
  func.func @_deg_kernel(%arg0: i32, %arg1: i32, %arg2: memref<32x125x1x80xi32, #tpu.memory_space<hbm>>, %arg3: memref<2x10240x16xf32, #tpu.memory_space<hbm>>, %arg4: memref<125x1x80xi32, #tpu.memory_space<vmem>>, %arg5: memref<80x16xf32, #tpu.memory_space<vmem>>, %arg6: memref<640x16xf32, #tpu.memory_space<vmem>>, %arg7: memref<10240x16xf32, #tpu.memory_space<vmem_shared>>, %arg8: memref<!tpu.dma_semaphore, #tpu.memory_space<semaphore_mem>>, %arg9: memref<!tpu.dma_semaphore, #tpu.memory_space<semaphore_mem>>) attributes {dimension_semantics = [#tpu.dimension_semantics<core_parallel>, #tpu.dimension_semantics<subcore_parallel>], iteration_bounds = array<i64: 2, 16>, scalar_prefetch = 0 : i64, scratch_operands = 6 : i64, tpu.core_type = #tpu.core_type<sc_vector_subcore>, window_params = [{transform_indices = #map}, {transform_indices = #map1}]} {
    %mul3A = arith.constant 2 : i32
    %mul3A_0 = arith.muli %arg1, %mul3A : i32
    %add3A = arith.addi %mul3A_0, %arg0 : i32
    %dma_start3A = arith.constant 0 : i32
    %dma_start3A_1 = arith.constant 0 : i32
    %dma_start3A_2 = arith.constant 0 : i32
    %dma_start3A_3 = tpu.memref_slice %arg2[%add3A, %dma_start3A, %dma_start3A_1, %dma_start3A_2] : memref<32x125x1x80xi32, #tpu.memory_space<hbm>> -> memref<1x125x1x80xi32, #tpu.memory_space<hbm>>
    %dma_start3A_4 = tpu.memref_squeeze %dma_start3A_3 : memref<1x125x1x80xi32, #tpu.memory_space<hbm>> -> memref<125x1x80xi32, #tpu.memory_space<hbm>>
    %dma_start3A_5 = arith.constant 0 : i32
    %dma_start3A_6 = arith.constant 0 : i32
    %dma_start3A_7 = arith.constant 0 : i32
    %dma_start3A_8 = tpu.memref_slice %arg2[%add3A, %dma_start3A_5, %dma_start3A_6, %dma_start3A_7] : memref<32x125x1x80xi32, #tpu.memory_space<hbm>> -> memref<1x125x1x80xi32, #tpu.memory_space<hbm>>
    %dma_start3A_9 = tpu.memref_squeeze %dma_start3A_8 : memref<1x125x1x80xi32, #tpu.memory_space<hbm>> -> memref<125x1x80xi32, #tpu.memory_space<hbm>>
    tpu.enqueue_dma source(%dma_start3A_9 : memref<125x1x80xi32, #tpu.memory_space<hbm>>) target(%arg4 : memref<125x1x80xi32, #tpu.memory_space<vmem>>) target_semaphore(%arg9 : memref<!tpu.dma_semaphore, #tpu.memory_space<semaphore_mem>>)
    %broadcast_in_dim3A = arith.constant 1.000000e+00 : f32
    %broadcast_in_dim3A_10 = vector.broadcast %broadcast_in_dim3A : f32 to vector<16xf32>
    %scan3A = arith.constant 0 : i32
    %scan3A_11 = arith.constant 0 : i32
    %scan3A_12 = arith.constant 80 : i32
    %scan3A_13 = arith.addi %scan3A_11, %scan3A_12 : i32
    %scan3A_14 = arith.constant 1 : i32
    scf.for %scan3A_158 = %scan3A_11 to %scan3A_13 step %scan3A_14  : i32 {
      %swap3A = arith.index_cast %scan3A_158 : i32 to index
      %swap3A_159 = arith.constant 0 : index
      %swap3A_160 = tpu.vector_load %arg5[%swap3A, %swap3A_159] {strides = array<i32>} : memref<80x16xf32, #tpu.memory_space<vmem>>, vector<1x16xf32>,
      %swap3A_161 = vector.shape_cast %swap3A_160 : vector<1x16xf32> to vector<16xf32>
      %swap3A_162 = vector.shape_cast %broadcast_in_dim3A_10 : vector<16xf32> to vector<1x16xf32>
      tpu.vector_store %arg5[%swap3A, %swap3A_159], %swap3A_162 {strides = array<i32>} : memref<80x16xf32, #tpu.memory_space<vmem>>, vector<1x16xf32>,
    }
    %scan3A_15 = arith.constant 80 : i32
    %broadcast_in_dim3A_16 = arith.constant 0.000000e+00 : f32
    %broadcast_in_dim3A_17 = vector.broadcast %broadcast_in_dim3A_16 : f32 to vector<16xf32>
    %scan3A_18 = arith.constant 0 : i32
    %scan3A_19 = arith.constant 0 : i32
    %scan3A_20 = arith.constant 640 : i32
    %scan3A_21 = arith.addi %scan3A_19, %scan3A_20 : i32
    %scan3A_22 = arith.constant 1 : i32
    scf.for %scan3A_158 = %scan3A_19 to %scan3A_21 step %scan3A_22  : i32 {
      %swap3A = arith.index_cast %scan3A_158 : i32 to index
      %swap3A_159 = arith.constant 0 : index
      %swap3A_160 = tpu.vector_load %arg6[%swap3A, %swap3A_159] {strides = array<i32>} : memref<640x16xf32, #tpu.memory_space<vmem>>, vector<1x16xf32>,
      %swap3A_161 = vector.shape_cast %swap3A_160 : vector<1x16xf32> to vector<16xf32>
      %swap3A_162 = vector.shape_cast %broadcast_in_dim3A_17 : vector<16xf32> to vector<1x16xf32>
      tpu.vector_store %arg6[%swap3A, %swap3A_159], %swap3A_162 {strides = array<i32>} : memref<640x16xf32, #tpu.memory_space<vmem>>, vector<1x16xf32>,
    }
    %scan3A_23 = arith.constant 640 : i32
    %mul3A_24 = arith.constant 640 : i32
    %mul3A_25 = arith.muli %arg1, %mul3A_24 : i32
    "tpu.region"() ({
      %run_scoped3A = tpu.sem_alloc : memref<!tpu.dma_semaphore, #tpu.memory_space<semaphore_mem>>
      %dma_start3A_158 = arith.constant 0 : i32
      %dma_start3A_159 = tpu.memref_slice %arg7[%mul3A_25, %dma_start3A_158] : memref<10240x16xf32, #tpu.memory_space<vmem_shared>> -> memref<640x16xf32, #tpu.memory_space<vmem_shared>>
      %dma_start3A_160 = arith.constant 0 : i32
      %dma_start3A_161 = tpu.memref_slice %arg7[%mul3A_25, %dma_start3A_160] : memref<10240x16xf32, #tpu.memory_space<vmem_shared>> -> memref<640x16xf32, #tpu.memory_space<vmem_shared>>
      tpu.enqueue_dma source(%arg6 : memref<640x16xf32, #tpu.memory_space<vmem>>) target(%dma_start3A_161 : memref<640x16xf32, #tpu.memory_space<vmem_shared>>) target_semaphore(%run_scoped3A : memref<!tpu.dma_semaphore, #tpu.memory_space<semaphore_mem>>)
      %dma_wait3A_162 = arith.constant 0 : i32
      %dma_wait3A_163 = tpu.memref_slice %arg7[%mul3A_25, %dma_wait3A_162] : memref<10240x16xf32, #tpu.memory_space<vmem_shared>> -> memref<640x16xf32, #tpu.memory_space<vmem_shared>>
      %dma_wait3A_164 = arith.constant 0 : i32
      %dma_wait3A_165 = tpu.memref_slice %arg7[%mul3A_25, %dma_wait3A_164] : memref<10240x16xf32, #tpu.memory_space<vmem_shared>> -> memref<640x16xf32, #tpu.memory_space<vmem_shared>>
      tpu.wait_dma2 semaphore(%run_scoped3A : memref<!tpu.dma_semaphore, #tpu.memory_space<semaphore_mem>>) src(%arg6 : memref<640x16xf32, #tpu.memory_space<vmem>>) dst(%dma_wait3A_165 : memref<640x16xf32, #tpu.memory_space<vmem_shared>>)
      tpu.yield
    }) : () -> ()
    %barrier3A = arith.constant 0 : index
    tpu.barrier barrier_id(%barrier3A)
    %dma_wait3A = arith.constant 0 : i32
    %dma_wait3A_26 = arith.constant 0 : i32
    %dma_wait3A_27 = arith.constant 0 : i32
    %dma_wait3A_28 = tpu.memref_slice %arg2[%add3A, %dma_wait3A, %dma_wait3A_26, %dma_wait3A_27] : memref<32x125x1x80xi32, #tpu.memory_space<hbm>> -> memref<1x125x1x80xi32, #tpu.memory_space<hbm>>
    %dma_wait3A_29 = tpu.memref_squeeze %dma_wait3A_28 : memref<1x125x1x80xi32, #tpu.memory_space<hbm>> -> memref<125x1x80xi32, #tpu.memory_space<hbm>>
    %dma_wait3A_30 = arith.constant 0 : i32
    %dma_wait3A_31 = arith.constant 0 : i32
    %dma_wait3A_32 = arith.constant 0 : i32
    %dma_wait3A_33 = tpu.memref_slice %arg2[%add3A, %dma_wait3A_30, %dma_wait3A_31, %dma_wait3A_32] : memref<32x125x1x80xi32, #tpu.memory_space<hbm>> -> memref<1x125x1x80xi32, #tpu.memory_space<hbm>>
    %dma_wait3A_34 = tpu.memref_squeeze %dma_wait3A_33 : memref<1x125x1x80xi32, #tpu.memory_space<hbm>> -> memref<125x1x80xi32, #tpu.memory_space<hbm>>
    tpu.wait_dma2 semaphore(%arg9 : memref<!tpu.dma_semaphore, #tpu.memory_space<semaphore_mem>>) src(%dma_wait3A_34 : memref<125x1x80xi32, #tpu.memory_space<hbm>>) dst(%arg4 : memref<125x1x80xi32, #tpu.memory_space<vmem>>)
    %dma_start3A_35 = arith.constant 0 : i32
    %dma_start3A_36 = arith.constant 0 : i32
    %dma_start3A_37 = arith.constant 0 : i32
    %dma_start3A_38 = tpu.memref_slice %arg4[%dma_start3A_35, %dma_start3A_36, %dma_start3A_37] : memref<125x1x80xi32, #tpu.memory_space<vmem>> -> memref<1x1x80xi32, #tpu.memory_space<vmem>>
    %dma_start3A_39 = tpu.memref_squeeze %dma_start3A_38 : memref<1x1x80xi32, #tpu.memory_space<vmem>> -> memref<80xi32, #tpu.memory_space<vmem>>
    %dma_start3A_40 = arith.constant 0 : i32
    %dma_start3A_41 = arith.constant 0 : i32
    %dma_start3A_42 = tpu.memref_slice %arg7[%dma_start3A_40, %dma_start3A_41] : memref<10240x16xf32, #tpu.memory_space<vmem_shared>> -> memref<10240x16xf32, #tpu.memory_space<vmem_shared>>
    tpu.enqueue_indirect_dma source(%arg5 : memref<80x16xf32, #tpu.memory_space<vmem>>) target(%dma_start3A_42 : memref<10240x16xf32, #tpu.memory_space<vmem_shared>>) offsets(%dma_start3A_39 : memref<80xi32, #tpu.memory_space<vmem>>) semaphore(%arg8 : memref<!tpu.dma_semaphore, #tpu.memory_space<semaphore_mem>>) {add = true}
    %dma_start3A_43 = arith.constant 1 : i32
    %dma_start3A_44 = arith.constant 0 : i32
    %dma_start3A_45 = arith.constant 0 : i32
    %dma_start3A_46 = tpu.memref_slice %arg4[%dma_start3A_43, %dma_start3A_44, %dma_start3A_45] : memref<125x1x80xi32, #tpu.memory_space<vmem>> -> memref<1x1x80xi32, #tpu.memory_space<vmem>>
    %dma_start3A_47 = tpu.memref_squeeze %dma_start3A_46 : memref<1x1x80xi32, #tpu.memory_space<vmem>> -> memref<80xi32, #tpu.memory_space<vmem>>
    %dma_start3A_48 = arith.constant 0 : i32
    %dma_start3A_49 = arith.constant 0 : i32
    %dma_start3A_50 = tpu.memref_slice %arg7[%dma_start3A_48, %dma_start3A_49] : memref<10240x16xf32, #tpu.memory_space<vmem_shared>> -> memref<10240x16xf32, #tpu.memory_space<vmem_shared>>
    tpu.enqueue_indirect_dma source(%arg5 : memref<80x16xf32, #tpu.memory_space<vmem>>) target(%dma_start3A_50 : memref<10240x16xf32, #tpu.memory_space<vmem_shared>>) offsets(%dma_start3A_47 : memref<80xi32, #tpu.memory_space<vmem>>) semaphore(%arg8 : memref<!tpu.dma_semaphore, #tpu.memory_space<semaphore_mem>>) {add = true}
    %dma_start3A_51 = arith.constant 2 : i32
    %dma_start3A_52 = arith.constant 0 : i32
    %dma_start3A_53 = arith.constant 0 : i32
    %dma_start3A_54 = tpu.memref_slice %arg4[%dma_start3A_51, %dma_start3A_52, %dma_start3A_53] : memref<125x1x80xi32, #tpu.memory_space<vmem>> -> memref<1x1x80xi32, #tpu.memory_space<vmem>>
    %dma_start3A_55 = tpu.memref_squeeze %dma_start3A_54 : memref<1x1x80xi32, #tpu.memory_space<vmem>> -> memref<80xi32, #tpu.memory_space<vmem>>
    %dma_start3A_56 = arith.constant 0 : i32
    %dma_start3A_57 = arith.constant 0 : i32
    %dma_start3A_58 = tpu.memref_slice %arg7[%dma_start3A_56, %dma_start3A_57] : memref<10240x16xf32, #tpu.memory_space<vmem_shared>> -> memref<10240x16xf32, #tpu.memory_space<vmem_shared>>
    tpu.enqueue_indirect_dma source(%arg5 : memref<80x16xf32, #tpu.memory_space<vmem>>) target(%dma_start3A_58 : memref<10240x16xf32, #tpu.memory_space<vmem_shared>>) offsets(%dma_start3A_55 : memref<80xi32, #tpu.memory_space<vmem>>) semaphore(%arg8 : memref<!tpu.dma_semaphore, #tpu.memory_space<semaphore_mem>>) {add = true}
    %dma_start3A_59 = arith.constant 3 : i32
    %dma_start3A_60 = arith.constant 0 : i32
    %dma_start3A_61 = arith.constant 0 : i32
    %dma_start3A_62 = tpu.memref_slice %arg4[%dma_start3A_59, %dma_start3A_60, %dma_start3A_61] : memref<125x1x80xi32, #tpu.memory_space<vmem>> -> memref<1x1x80xi32, #tpu.memory_space<vmem>>
    %dma_start3A_63 = tpu.memref_squeeze %dma_start3A_62 : memref<1x1x80xi32, #tpu.memory_space<vmem>> -> memref<80xi32, #tpu.memory_space<vmem>>
    %dma_start3A_64 = arith.constant 0 : i32
    %dma_start3A_65 = arith.constant 0 : i32
    %dma_start3A_66 = tpu.memref_slice %arg7[%dma_start3A_64, %dma_start3A_65] : memref<10240x16xf32, #tpu.memory_space<vmem_shared>> -> memref<10240x16xf32, #tpu.memory_space<vmem_shared>>
    tpu.enqueue_indirect_dma source(%arg5 : memref<80x16xf32, #tpu.memory_space<vmem>>) target(%dma_start3A_66 : memref<10240x16xf32, #tpu.memory_space<vmem_shared>>) offsets(%dma_start3A_63 : memref<80xi32, #tpu.memory_space<vmem>>) semaphore(%arg8 : memref<!tpu.dma_semaphore, #tpu.memory_space<semaphore_mem>>) {add = true}
    %dma_start3A_67 = arith.constant 4 : i32
    %dma_start3A_68 = arith.constant 0 : i32
    %dma_start3A_69 = arith.constant 0 : i32
    %dma_start3A_70 = tpu.memref_slice %arg4[%dma_start3A_67, %dma_start3A_68, %dma_start3A_69] : memref<125x1x80xi32, #tpu.memory_space<vmem>> -> memref<1x1x80xi32, #tpu.memory_space<vmem>>
    %dma_start3A_71 = tpu.memref_squeeze %dma_start3A_70 : memref<1x1x80xi32, #tpu.memory_space<vmem>> -> memref<80xi32, #tpu.memory_space<vmem>>
    %dma_start3A_72 = arith.constant 0 : i32
    %dma_start3A_73 = arith.constant 0 : i32
    %dma_start3A_74 = tpu.memref_slice %arg7[%dma_start3A_72, %dma_start3A_73] : memref<10240x16xf32, #tpu.memory_space<vmem_shared>> -> memref<10240x16xf32, #tpu.memory_space<vmem_shared>>
    tpu.enqueue_indirect_dma source(%arg5 : memref<80x16xf32, #tpu.memory_space<vmem>>) target(%dma_start3A_74 : memref<10240x16xf32, #tpu.memory_space<vmem_shared>>) offsets(%dma_start3A_71 : memref<80xi32, #tpu.memory_space<vmem>>) semaphore(%arg8 : memref<!tpu.dma_semaphore, #tpu.memory_space<semaphore_mem>>) {add = true}
    %dma_start3A_75 = arith.constant 5 : i32
    %dma_start3A_76 = arith.constant 0 : i32
    %dma_start3A_77 = arith.constant 0 : i32
    %dma_start3A_78 = tpu.memref_slice %arg4[%dma_start3A_75, %dma_start3A_76, %dma_start3A_77] : memref<125x1x80xi32, #tpu.memory_space<vmem>> -> memref<1x1x80xi32, #tpu.memory_space<vmem>>
    %dma_start3A_79 = tpu.memref_squeeze %dma_start3A_78 : memref<1x1x80xi32, #tpu.memory_space<vmem>> -> memref<80xi32, #tpu.memory_space<vmem>>
    %dma_start3A_80 = arith.constant 0 : i32
    %dma_start3A_81 = arith.constant 0 : i32
    %dma_start3A_82 = tpu.memref_slice %arg7[%dma_start3A_80, %dma_start3A_81] : memref<10240x16xf32, #tpu.memory_space<vmem_shared>> -> memref<10240x16xf32, #tpu.memory_space<vmem_shared>>
    tpu.enqueue_indirect_dma source(%arg5 : memref<80x16xf32, #tpu.memory_space<vmem>>) target(%dma_start3A_82 : memref<10240x16xf32, #tpu.memory_space<vmem_shared>>) offsets(%dma_start3A_79 : memref<80xi32, #tpu.memory_space<vmem>>) semaphore(%arg8 : memref<!tpu.dma_semaphore, #tpu.memory_space<semaphore_mem>>) {add = true}
    %dma_start3A_83 = arith.constant 6 : i32
    %dma_start3A_84 = arith.constant 0 : i32
    %dma_start3A_85 = arith.constant 0 : i32
    %dma_start3A_86 = tpu.memref_slice %arg4[%dma_start3A_83, %dma_start3A_84, %dma_start3A_85] : memref<125x1x80xi32, #tpu.memory_space<vmem>> -> memref<1x1x80xi32, #tpu.memory_space<vmem>>
    %dma_start3A_87 = tpu.memref_squeeze %dma_start3A_86 : memref<1x1x80xi32, #tpu.memory_space<vmem>> -> memref<80xi32, #tpu.memory_space<vmem>>
    %dma_start3A_88 = arith.constant 0 : i32
    %dma_start3A_89 = arith.constant 0 : i32
    %dma_start3A_90 = tpu.memref_slice %arg7[%dma_start3A_88, %dma_start3A_89] : memref<10240x16xf32, #tpu.memory_space<vmem_shared>> -> memref<10240x16xf32, #tpu.memory_space<vmem_shared>>
    tpu.enqueue_indirect_dma source(%arg5 : memref<80x16xf32, #tpu.memory_space<vmem>>) target(%dma_start3A_90 : memref<10240x16xf32, #tpu.memory_space<vmem_shared>>) offsets(%dma_start3A_87 : memref<80xi32, #tpu.memory_space<vmem>>) semaphore(%arg8 : memref<!tpu.dma_semaphore, #tpu.memory_space<semaphore_mem>>) {add = true}
    %dma_start3A_91 = arith.constant 7 : i32
    %dma_start3A_92 = arith.constant 0 : i32
    %dma_start3A_93 = arith.constant 0 : i32
    %dma_start3A_94 = tpu.memref_slice %arg4[%dma_start3A_91, %dma_start3A_92, %dma_start3A_93] : memref<125x1x80xi32, #tpu.memory_space<vmem>> -> memref<1x1x80xi32, #tpu.memory_space<vmem>>
    %dma_start3A_95 = tpu.memref_squeeze %dma_start3A_94 : memref<1x1x80xi32, #tpu.memory_space<vmem>> -> memref<80xi32, #tpu.memory_space<vmem>>
    %dma_start3A_96 = arith.constant 0 : i32
    %dma_start3A_97 = arith.constant 0 : i32
    %dma_start3A_98 = tpu.memref_slice %arg7[%dma_start3A_96, %dma_start3A_97] : memref<10240x16xf32, #tpu.memory_space<vmem_shared>> -> memref<10240x16xf32, #tpu.memory_space<vmem_shared>>
    tpu.enqueue_indirect_dma source(%arg5 : memref<80x16xf32, #tpu.memory_space<vmem>>) target(%dma_start3A_98 : memref<10240x16xf32, #tpu.memory_space<vmem_shared>>) offsets(%dma_start3A_95 : memref<80xi32, #tpu.memory_space<vmem>>) semaphore(%arg8 : memref<!tpu.dma_semaphore, #tpu.memory_space<semaphore_mem>>) {add = true}
    %scan3A_99 = arith.constant 0 : i32
    %scan3A_100 = arith.constant 0 : i32
    %scan3A_101 = arith.constant 117 : i32
    %scan3A_102 = arith.addi %scan3A_100, %scan3A_101 : i32
    %scan3A_103 = arith.constant 1 : i32
    scf.for %scan3A_158 = %scan3A_100 to %scan3A_102 step %scan3A_103  : i32 {
      %dma_wait3A_159 = arith.constant 0 : i32
      %dma_wait3A_160 = arith.constant 0 : i32
      %dma_wait3A_161 = tpu.memref_slice %arg7[%dma_wait3A_159, %dma_wait3A_160] : memref<10240x16xf32, #tpu.memory_space<vmem_shared>> -> memref<80x16xf32, #tpu.memory_space<vmem_shared>>
      %dma_wait3A_162 = arith.constant 0 : i32
      %dma_wait3A_163 = arith.constant 0 : i32
      %dma_wait3A_164 = tpu.memref_slice %arg7[%dma_wait3A_162, %dma_wait3A_163] : memref<10240x16xf32, #tpu.memory_space<vmem_shared>> -> memref<80x16xf32, #tpu.memory_space<vmem_shared>>
      tpu.wait_dma2 semaphore(%arg8 : memref<!tpu.dma_semaphore, #tpu.memory_space<semaphore_mem>>) src(%arg5 : memref<80x16xf32, #tpu.memory_space<vmem>>) dst(%dma_wait3A_164 : memref<80x16xf32, #tpu.memory_space<vmem_shared>>)
      %add3A_165 = arith.constant 8 : i32
      %add3A_166 = arith.addi %scan3A_158, %add3A_165 : i32
      %dma_start3A_167 = arith.constant 0 : i32
      %dma_start3A_168 = arith.constant 0 : i32
      %dma_start3A_169 = tpu.memref_slice %arg4[%add3A_166, %dma_start3A_167, %dma_start3A_168] : memref<125x1x80xi32, #tpu.memory_space<vmem>> -> memref<1x1x80xi32, #tpu.memory_space<vmem>>
      %dma_start3A_170 = tpu.memref_squeeze %dma_start3A_169 : memref<1x1x80xi32, #tpu.memory_space<vmem>> -> memref<80xi32, #tpu.memory_space<vmem>>
      %dma_start3A_171 = arith.constant 0 : i32
      %dma_start3A_172 = arith.constant 0 : i32
      %dma_start3A_173 = tpu.memref_slice %arg7[%dma_start3A_171, %dma_start3A_172] : memref<10240x16xf32, #tpu.memory_space<vmem_shared>> -> memref<10240x16xf32, #tpu.memory_space<vmem_shared>>
      tpu.enqueue_indirect_dma source(%arg5 : memref<80x16xf32, #tpu.memory_space<vmem>>) target(%dma_start3A_173 : memref<10240x16xf32, #tpu.memory_space<vmem_shared>>) offsets(%dma_start3A_170 : memref<80xi32, #tpu.memory_space<vmem>>) semaphore(%arg8 : memref<!tpu.dma_semaphore, #tpu.memory_space<semaphore_mem>>) {add = true}
    }
    %scan3A_104 = arith.constant 117 : i32
    %dma_wait3A_105 = arith.constant 0 : i32
    %dma_wait3A_106 = arith.constant 0 : i32
    %dma_wait3A_107 = tpu.memref_slice %arg7[%dma_wait3A_105, %dma_wait3A_106] : memref<10240x16xf32, #tpu.memory_space<vmem_shared>> -> memref<80x16xf32, #tpu.memory_space<vmem_shared>>
    %dma_wait3A_108 = arith.constant 0 : i32
    %dma_wait3A_109 = arith.constant 0 : i32
    %dma_wait3A_110 = tpu.memref_slice %arg7[%dma_wait3A_108, %dma_wait3A_109] : memref<10240x16xf32, #tpu.memory_space<vmem_shared>> -> memref<80x16xf32, #tpu.memory_space<vmem_shared>>
    tpu.wait_dma2 semaphore(%arg8 : memref<!tpu.dma_semaphore, #tpu.memory_space<semaphore_mem>>) src(%arg5 : memref<80x16xf32, #tpu.memory_space<vmem>>) dst(%dma_wait3A_110 : memref<80x16xf32, #tpu.memory_space<vmem_shared>>)
    %dma_wait3A_111 = arith.constant 0 : i32
    %dma_wait3A_112 = arith.constant 0 : i32
    %dma_wait3A_113 = tpu.memref_slice %arg7[%dma_wait3A_111, %dma_wait3A_112] : memref<10240x16xf32, #tpu.memory_space<vmem_shared>> -> memref<80x16xf32, #tpu.memory_space<vmem_shared>>
    %dma_wait3A_114 = arith.constant 0 : i32
    %dma_wait3A_115 = arith.constant 0 : i32
    %dma_wait3A_116 = tpu.memref_slice %arg7[%dma_wait3A_114, %dma_wait3A_115] : memref<10240x16xf32, #tpu.memory_space<vmem_shared>> -> memref<80x16xf32, #tpu.memory_space<vmem_shared>>
    tpu.wait_dma2 semaphore(%arg8 : memref<!tpu.dma_semaphore, #tpu.memory_space<semaphore_mem>>) src(%arg5 : memref<80x16xf32, #tpu.memory_space<vmem>>) dst(%dma_wait3A_116 : memref<80x16xf32, #tpu.memory_space<vmem_shared>>)
    %dma_wait3A_117 = arith.constant 0 : i32
    %dma_wait3A_118 = arith.constant 0 : i32
    %dma_wait3A_119 = tpu.memref_slice %arg7[%dma_wait3A_117, %dma_wait3A_118] : memref<10240x16xf32, #tpu.memory_space<vmem_shared>> -> memref<80x16xf32, #tpu.memory_space<vmem_shared>>
    %dma_wait3A_120 = arith.constant 0 : i32
    %dma_wait3A_121 = arith.constant 0 : i32
    %dma_wait3A_122 = tpu.memref_slice %arg7[%dma_wait3A_120, %dma_wait3A_121] : memref<10240x16xf32, #tpu.memory_space<vmem_shared>> -> memref<80x16xf32, #tpu.memory_space<vmem_shared>>
    tpu.wait_dma2 semaphore(%arg8 : memref<!tpu.dma_semaphore, #tpu.memory_space<semaphore_mem>>) src(%arg5 : memref<80x16xf32, #tpu.memory_space<vmem>>) dst(%dma_wait3A_122 : memref<80x16xf32, #tpu.memory_space<vmem_shared>>)
    %dma_wait3A_123 = arith.constant 0 : i32
    %dma_wait3A_124 = arith.constant 0 : i32
    %dma_wait3A_125 = tpu.memref_slice %arg7[%dma_wait3A_123, %dma_wait3A_124] : memref<10240x16xf32, #tpu.memory_space<vmem_shared>> -> memref<80x16xf32, #tpu.memory_space<vmem_shared>>
    %dma_wait3A_126 = arith.constant 0 : i32
    %dma_wait3A_127 = arith.constant 0 : i32
    %dma_wait3A_128 = tpu.memref_slice %arg7[%dma_wait3A_126, %dma_wait3A_127] : memref<10240x16xf32, #tpu.memory_space<vmem_shared>> -> memref<80x16xf32, #tpu.memory_space<vmem_shared>>
    tpu.wait_dma2 semaphore(%arg8 : memref<!tpu.dma_semaphore, #tpu.memory_space<semaphore_mem>>) src(%arg5 : memref<80x16xf32, #tpu.memory_space<vmem>>) dst(%dma_wait3A_128 : memref<80x16xf32, #tpu.memory_space<vmem_shared>>)
    %dma_wait3A_129 = arith.constant 0 : i32
    %dma_wait3A_130 = arith.constant 0 : i32
    %dma_wait3A_131 = tpu.memref_slice %arg7[%dma_wait3A_129, %dma_wait3A_130] : memref<10240x16xf32, #tpu.memory_space<vmem_shared>> -> memref<80x16xf32, #tpu.memory_space<vmem_shared>>
    %dma_wait3A_132 = arith.constant 0 : i32
    %dma_wait3A_133 = arith.constant 0 : i32
    %dma_wait3A_134 = tpu.memref_slice %arg7[%dma_wait3A_132, %dma_wait3A_133] : memref<10240x16xf32, #tpu.memory_space<vmem_shared>> -> memref<80x16xf32, #tpu.memory_space<vmem_shared>>
    tpu.wait_dma2 semaphore(%arg8 : memref<!tpu.dma_semaphore, #tpu.memory_space<semaphore_mem>>) src(%arg5 : memref<80x16xf32, #tpu.memory_space<vmem>>) dst(%dma_wait3A_134 : memref<80x16xf32, #tpu.memory_space<vmem_shared>>)
    %dma_wait3A_135 = arith.constant 0 : i32
    %dma_wait3A_136 = arith.constant 0 : i32
    %dma_wait3A_137 = tpu.memref_slice %arg7[%dma_wait3A_135, %dma_wait3A_136] : memref<10240x16xf32, #tpu.memory_space<vmem_shared>> -> memref<80x16xf32, #tpu.memory_space<vmem_shared>>
    %dma_wait3A_138 = arith.constant 0 : i32
    %dma_wait3A_139 = arith.constant 0 : i32
    %dma_wait3A_140 = tpu.memref_slice %arg7[%dma_wait3A_138, %dma_wait3A_139] : memref<10240x16xf32, #tpu.memory_space<vmem_shared>> -> memref<80x16xf32, #tpu.memory_space<vmem_shared>>
    tpu.wait_dma2 semaphore(%arg8 : memref<!tpu.dma_semaphore, #tpu.memory_space<semaphore_mem>>) src(%arg5 : memref<80x16xf32, #tpu.memory_space<vmem>>) dst(%dma_wait3A_140 : memref<80x16xf32, #tpu.memory_space<vmem_shared>>)
    %dma_wait3A_141 = arith.constant 0 : i32
    %dma_wait3A_142 = arith.constant 0 : i32
    %dma_wait3A_143 = tpu.memref_slice %arg7[%dma_wait3A_141, %dma_wait3A_142] : memref<10240x16xf32, #tpu.memory_space<vmem_shared>> -> memref<80x16xf32, #tpu.memory_space<vmem_shared>>
    %dma_wait3A_144 = arith.constant 0 : i32
    %dma_wait3A_145 = arith.constant 0 : i32
    %dma_wait3A_146 = tpu.memref_slice %arg7[%dma_wait3A_144, %dma_wait3A_145] : memref<10240x16xf32, #tpu.memory_space<vmem_shared>> -> memref<80x16xf32, #tpu.memory_space<vmem_shared>>
    tpu.wait_dma2 semaphore(%arg8 : memref<!tpu.dma_semaphore, #tpu.memory_space<semaphore_mem>>) src(%arg5 : memref<80x16xf32, #tpu.memory_space<vmem>>) dst(%dma_wait3A_146 : memref<80x16xf32, #tpu.memory_space<vmem_shared>>)
    %dma_wait3A_147 = arith.constant 0 : i32
    %dma_wait3A_148 = arith.constant 0 : i32
    %dma_wait3A_149 = tpu.memref_slice %arg7[%dma_wait3A_147, %dma_wait3A_148] : memref<10240x16xf32, #tpu.memory_space<vmem_shared>> -> memref<80x16xf32, #tpu.memory_space<vmem_shared>>
    %dma_wait3A_150 = arith.constant 0 : i32
    %dma_wait3A_151 = arith.constant 0 : i32
    %dma_wait3A_152 = tpu.memref_slice %arg7[%dma_wait3A_150, %dma_wait3A_151] : memref<10240x16xf32, #tpu.memory_space<vmem_shared>> -> memref<80x16xf32, #tpu.memory_space<vmem_shared>>
    tpu.wait_dma2 semaphore(%arg8 : memref<!tpu.dma_semaphore, #tpu.memory_space<semaphore_mem>>) src(%arg5 : memref<80x16xf32, #tpu.memory_space<vmem>>) dst(%dma_wait3A_152 : memref<80x16xf32, #tpu.memory_space<vmem_shared>>)
    %barrier3A_153 = arith.constant 0 : index
    tpu.barrier barrier_id(%barrier3A_153)
    %mul3A_154 = arith.constant 640 : i32
    %mul3A_155 = arith.muli %arg1, %mul3A_154 : i32
    %mul3A_156 = arith.constant 640 : i32
    %mul3A_157 = arith.muli %arg1, %mul3A_156 : i32
    "tpu.region"() ({
      %run_scoped3A = tpu.sem_alloc : memref<!tpu.dma_semaphore, #tpu.memory_space<semaphore_mem>>
      %dma_start3A_158 = arith.constant 0 : i32
      %dma_start3A_159 = tpu.memref_slice %arg3[%arg0, %mul3A_157, %dma_start3A_158] : memref<2x10240x16xf32, #tpu.memory_space<hbm>> -> memref<1x640x16xf32, #tpu.memory_space<hbm>>
      %dma_start3A_160 = tpu.memref_squeeze %dma_start3A_159 : memref<1x640x16xf32, #tpu.memory_space<hbm>> -> memref<640x16xf32, #tpu.memory_space<hbm>>
      %dma_start3A_161 = arith.constant 0 : i32
      %dma_start3A_162 = tpu.memref_slice %arg7[%mul3A_155, %dma_start3A_161] : memref<10240x16xf32, #tpu.memory_space<vmem_shared>> -> memref<640x16xf32, #tpu.memory_space<vmem_shared>>
      tpu.enqueue_dma source(%dma_start3A_162 : memref<640x16xf32, #tpu.memory_space<vmem_shared>>) target(%dma_start3A_160 : memref<640x16xf32, #tpu.memory_space<hbm>>) target_semaphore(%run_scoped3A : memref<!tpu.dma_semaphore, #tpu.memory_space<semaphore_mem>>)
      %dma_wait3A_163 = arith.constant 0 : i32
      %dma_wait3A_164 = tpu.memref_slice %arg3[%arg0, %mul3A_157, %dma_wait3A_163] : memref<2x10240x16xf32, #tpu.memory_space<hbm>> -> memref<1x640x16xf32, #tpu.memory_space<hbm>>
      %dma_wait3A_165 = tpu.memref_squeeze %dma_wait3A_164 : memref<1x640x16xf32, #tpu.memory_space<hbm>> -> memref<640x16xf32, #tpu.memory_space<hbm>>
      %dma_wait3A_166 = arith.constant 0 : i32
      %dma_wait3A_167 = tpu.memref_slice %arg7[%mul3A_155, %dma_wait3A_166] : memref<10240x16xf32, #tpu.memory_space<vmem_shared>> -> memref<640x16xf32, #tpu.memory_space<vmem_shared>>
      tpu.wait_dma2 semaphore(%run_scoped3A : memref<!tpu.dma_semaphore, #tpu.memory_space<semaphore_mem>>) src(%dma_wait3A_167 : memref<640x16xf32, #tpu.memory_space<vmem_shared>>) dst(%dma_wait3A_165 : memref<640x16xf32, #tpu.memory_space<hbm>>)
      tpu.yield
    }) : () -> ()
    return
  }
}

#map = affine_map<(d0, d1) -> (0, 0)>
#map1 = affine_map<(d0, d1) -> (0, 0, 0, 0)>
#map2 = affine_map<(d0, d1) -> (0, 0, 0)>
module attributes {stable_mosaic.version = 14 : i64} {
  func.func @_msg_kernel(%arg0: i32, %arg1: i32, %arg2: memref<32x10000xi32, #tpu.memory_space<hbm>>, %arg3: memref<32x125x1x80xi32, #tpu.memory_space<hbm>>, %arg4: memref<10000x128xf32, #tpu.memory_space<hbm>>, %arg5: memref<2x10240x128xf32, #tpu.memory_space<hbm>>, %arg6: memref<10000xi32, #tpu.memory_space<vmem>>, %arg7: memref<1x80xi32, #tpu.memory_space<vmem>>, %arg8: memref<1x80xi32, #tpu.memory_space<vmem>>, %arg9: memref<1x80xi32, #tpu.memory_space<vmem>>, %arg10: memref<80x128xf32, #tpu.memory_space<vmem>>, %arg11: memref<80x128xf32, #tpu.memory_space<vmem>>, %arg12: memref<80x128xf32, #tpu.memory_space<vmem>>, %arg13: memref<10240x128xf32, #tpu.memory_space<vmem_shared>>, %arg14: memref<!tpu.dma_semaphore, #tpu.memory_space<semaphore_mem>>, %arg15: memref<!tpu.dma_semaphore, #tpu.memory_space<semaphore_mem>>, %arg16: memref<!tpu.dma_semaphore, #tpu.memory_space<semaphore_mem>>, %arg17: memref<!tpu.dma_semaphore, #tpu.memory_space<semaphore_mem>>, %arg18: memref<!tpu.dma_semaphore, #tpu.memory_space<semaphore_mem>>, %arg19: memref<!tpu.dma_semaphore, #tpu.memory_space<semaphore_mem>>, %arg20: memref<!tpu.dma_semaphore, #tpu.memory_space<semaphore_mem>>, %arg21: memref<!tpu.dma_semaphore, #tpu.memory_space<semaphore_mem>>, %arg22: memref<!tpu.dma_semaphore, #tpu.memory_space<semaphore_mem>>, %arg23: memref<!tpu.dma_semaphore, #tpu.memory_space<semaphore_mem>>) attributes {dimension_semantics = [#tpu.dimension_semantics<core_parallel>, #tpu.dimension_semantics<subcore_parallel>], iteration_bounds = array<i64: 2, 16>, scalar_prefetch = 0 : i64, scratch_operands = 18 : i64, tpu.core_type = #tpu.core_type<sc_vector_subcore>, window_params = [{transform_indices = #map}, {transform_indices = #map1}, {transform_indices = #map}, {transform_indices = #map2}]} {
    %mul3A = arith.constant 2 : i32
    %mul3A_0 = arith.muli %arg1, %mul3A : i32
    %add3A = arith.addi %mul3A_0, %arg0 : i32
    %dma_start3A = arith.constant 0 : i32
    %dma_start3A_1 = tpu.memref_slice %arg2[%add3A, %dma_start3A] : memref<32x10000xi32, #tpu.memory_space<hbm>> -> memref<1x10000xi32, #tpu.memory_space<hbm>>
    %dma_start3A_2 = tpu.memref_squeeze %dma_start3A_1 : memref<1x10000xi32, #tpu.memory_space<hbm>> -> memref<10000xi32, #tpu.memory_space<hbm>>
    %dma_start3A_3 = arith.constant 0 : i32
    %dma_start3A_4 = tpu.memref_slice %arg2[%add3A, %dma_start3A_3] : memref<32x10000xi32, #tpu.memory_space<hbm>> -> memref<1x10000xi32, #tpu.memory_space<hbm>>
    %dma_start3A_5 = tpu.memref_squeeze %dma_start3A_4 : memref<1x10000xi32, #tpu.memory_space<hbm>> -> memref<10000xi32, #tpu.memory_space<hbm>>
    tpu.enqueue_dma source(%dma_start3A_5 : memref<10000xi32, #tpu.memory_space<hbm>>) target(%arg6 : memref<10000xi32, #tpu.memory_space<vmem>>) target_semaphore(%arg23 : memref<!tpu.dma_semaphore, #tpu.memory_space<semaphore_mem>>)
    %broadcast_in_dim3A = arith.constant 0.000000e+00 : f32
    %broadcast_in_dim3A_6 = vector.broadcast %broadcast_in_dim3A : f32 to vector<16xf32>
    %scan3A = arith.constant 0 : i32
    %scan3A_7 = arith.constant 0 : i32
    %scan3A_8 = arith.constant 80 : i32
    %scan3A_9 = arith.addi %scan3A_7, %scan3A_8 : i32
    %scan3A_10 = arith.constant 1 : i32
    scf.for %scan3A_275 = %scan3A_7 to %scan3A_9 step %scan3A_10  : i32 {
      %swap3A = arith.index_cast %scan3A_275 : i32 to index
      %swap3A_276 = arith.constant 0 : index
      %swap3A_277 = tpu.vector_load %arg10[%swap3A, %swap3A_276] {strides = array<i32>} : memref<80x128xf32, #tpu.memory_space<vmem>>, vector<1x16xf32>,
      %swap3A_278 = vector.shape_cast %swap3A_277 : vector<1x16xf32> to vector<16xf32>
      %swap3A_279 = vector.shape_cast %broadcast_in_dim3A_6 : vector<16xf32> to vector<1x16xf32>
      tpu.vector_store %arg10[%swap3A, %swap3A_276], %swap3A_279 {strides = array<i32>} : memref<80x128xf32, #tpu.memory_space<vmem>>, vector<1x16xf32>,
      %swap3A_280 = arith.index_cast %scan3A_275 : i32 to index
      %swap3A_281 = arith.constant 16 : index
      %swap3A_282 = tpu.vector_load %arg10[%swap3A_280, %swap3A_281] {strides = array<i32>} : memref<80x128xf32, #tpu.memory_space<vmem>>, vector<1x16xf32>,
      %swap3A_283 = vector.shape_cast %swap3A_282 : vector<1x16xf32> to vector<16xf32>
      %swap3A_284 = vector.shape_cast %broadcast_in_dim3A_6 : vector<16xf32> to vector<1x16xf32>
      tpu.vector_store %arg10[%swap3A_280, %swap3A_281], %swap3A_284 {strides = array<i32>} : memref<80x128xf32, #tpu.memory_space<vmem>>, vector<1x16xf32>,
      %swap3A_285 = arith.index_cast %scan3A_275 : i32 to index
      %swap3A_286 = arith.constant 32 : index
      %swap3A_287 = tpu.vector_load %arg10[%swap3A_285, %swap3A_286] {strides = array<i32>} : memref<80x128xf32, #tpu.memory_space<vmem>>, vector<1x16xf32>,
      %swap3A_288 = vector.shape_cast %swap3A_287 : vector<1x16xf32> to vector<16xf32>
      %swap3A_289 = vector.shape_cast %broadcast_in_dim3A_6 : vector<16xf32> to vector<1x16xf32>
      tpu.vector_store %arg10[%swap3A_285, %swap3A_286], %swap3A_289 {strides = array<i32>} : memref<80x128xf32, #tpu.memory_space<vmem>>, vector<1x16xf32>,
      %swap3A_290 = arith.index_cast %scan3A_275 : i32 to index
      %swap3A_291 = arith.constant 48 : index
      %swap3A_292 = tpu.vector_load %arg10[%swap3A_290, %swap3A_291] {strides = array<i32>} : memref<80x128xf32, #tpu.memory_space<vmem>>, vector<1x16xf32>,
      %swap3A_293 = vector.shape_cast %swap3A_292 : vector<1x16xf32> to vector<16xf32>
      %swap3A_294 = vector.shape_cast %broadcast_in_dim3A_6 : vector<16xf32> to vector<1x16xf32>
      tpu.vector_store %arg10[%swap3A_290, %swap3A_291], %swap3A_294 {strides = array<i32>} : memref<80x128xf32, #tpu.memory_space<vmem>>, vector<1x16xf32>,
      %swap3A_295 = arith.index_cast %scan3A_275 : i32 to index
      %swap3A_296 = arith.constant 64 : index
      %swap3A_297 = tpu.vector_load %arg10[%swap3A_295, %swap3A_296] {strides = array<i32>} : memref<80x128xf32, #tpu.memory_space<vmem>>, vector<1x16xf32>,
      %swap3A_298 = vector.shape_cast %swap3A_297 : vector<1x16xf32> to vector<16xf32>
      %swap3A_299 = vector.shape_cast %broadcast_in_dim3A_6 : vector<16xf32> to vector<1x16xf32>
      tpu.vector_store %arg10[%swap3A_295, %swap3A_296], %swap3A_299 {strides = array<i32>} : memref<80x128xf32, #tpu.memory_space<vmem>>, vector<1x16xf32>,
      %swap3A_300 = arith.index_cast %scan3A_275 : i32 to index
      %swap3A_301 = arith.constant 80 : index
      %swap3A_302 = tpu.vector_load %arg10[%swap3A_300, %swap3A_301] {strides = array<i32>} : memref<80x128xf32, #tpu.memory_space<vmem>>, vector<1x16xf32>,
      %swap3A_303 = vector.shape_cast %swap3A_302 : vector<1x16xf32> to vector<16xf32>
      %swap3A_304 = vector.shape_cast %broadcast_in_dim3A_6 : vector<16xf32> to vector<1x16xf32>
      tpu.vector_store %arg10[%swap3A_300, %swap3A_301], %swap3A_304 {strides = array<i32>} : memref<80x128xf32, #tpu.memory_space<vmem>>, vector<1x16xf32>,
      %swap3A_305 = arith.index_cast %scan3A_275 : i32 to index
      %swap3A_306 = arith.constant 96 : index
      %swap3A_307 = tpu.vector_load %arg10[%swap3A_305, %swap3A_306] {strides = array<i32>} : memref<80x128xf32, #tpu.memory_space<vmem>>, vector<1x16xf32>,
      %swap3A_308 = vector.shape_cast %swap3A_307 : vector<1x16xf32> to vector<16xf32>
      %swap3A_309 = vector.shape_cast %broadcast_in_dim3A_6 : vector<16xf32> to vector<1x16xf32>
      tpu.vector_store %arg10[%swap3A_305, %swap3A_306], %swap3A_309 {strides = array<i32>} : memref<80x128xf32, #tpu.memory_space<vmem>>, vector<1x16xf32>,
      %swap3A_310 = arith.index_cast %scan3A_275 : i32 to index
      %swap3A_311 = arith.constant 112 : index
      %swap3A_312 = tpu.vector_load %arg10[%swap3A_310, %swap3A_311] {strides = array<i32>} : memref<80x128xf32, #tpu.memory_space<vmem>>, vector<1x16xf32>,
      %swap3A_313 = vector.shape_cast %swap3A_312 : vector<1x16xf32> to vector<16xf32>
      %swap3A_314 = vector.shape_cast %broadcast_in_dim3A_6 : vector<16xf32> to vector<1x16xf32>
      tpu.vector_store %arg10[%swap3A_310, %swap3A_311], %swap3A_314 {strides = array<i32>} : memref<80x128xf32, #tpu.memory_space<vmem>>, vector<1x16xf32>,
    }
    %scan3A_11 = arith.constant 80 : i32
    %mul3A_12 = arith.constant 640 : i32
    %mul3A_13 = arith.muli %arg1, %mul3A_12 : i32
    %add3A_14 = arith.constant 0 : i32
    %add3A_15 = arith.addi %mul3A_13, %add3A_14 : i32
    "tpu.region"() ({
      %run_scoped3A = tpu.sem_alloc : memref<!tpu.dma_semaphore, #tpu.memory_space<semaphore_mem>>
      %dma_start3A_275 = arith.constant 0 : i32
      %dma_start3A_276 = tpu.memref_slice %arg13[%add3A_15, %dma_start3A_275] : memref<10240x128xf32, #tpu.memory_space<vmem_shared>> -> memref<80x128xf32, #tpu.memory_space<vmem_shared>>
      %dma_start3A_277 = arith.constant 0 : i32
      %dma_start3A_278 = tpu.memref_slice %arg13[%add3A_15, %dma_start3A_277] : memref<10240x128xf32, #tpu.memory_space<vmem_shared>> -> memref<80x128xf32, #tpu.memory_space<vmem_shared>>
      tpu.enqueue_dma source(%arg10 : memref<80x128xf32, #tpu.memory_space<vmem>>) target(%dma_start3A_278 : memref<80x128xf32, #tpu.memory_space<vmem_shared>>) target_semaphore(%run_scoped3A : memref<!tpu.dma_semaphore, #tpu.memory_space<semaphore_mem>>)
      %dma_wait3A_279 = arith.constant 0 : i32
      %dma_wait3A_280 = tpu.memref_slice %arg13[%add3A_15, %dma_wait3A_279] : memref<10240x128xf32, #tpu.memory_space<vmem_shared>> -> memref<80x128xf32, #tpu.memory_space<vmem_shared>>
      %dma_wait3A_281 = arith.constant 0 : i32
      %dma_wait3A_282 = tpu.memref_slice %arg13[%add3A_15, %dma_wait3A_281] : memref<10240x128xf32, #tpu.memory_space<vmem_shared>> -> memref<80x128xf32, #tpu.memory_space<vmem_shared>>
      tpu.wait_dma2 semaphore(%run_scoped3A : memref<!tpu.dma_semaphore, #tpu.memory_space<semaphore_mem>>) src(%arg10 : memref<80x128xf32, #tpu.memory_space<vmem>>) dst(%dma_wait3A_282 : memref<80x128xf32, #tpu.memory_space<vmem_shared>>)
      tpu.yield
    }) : () -> ()
    %mul3A_16 = arith.constant 640 : i32
    %mul3A_17 = arith.muli %arg1, %mul3A_16 : i32
    %add3A_18 = arith.constant 80 : i32
    %add3A_19 = arith.addi %mul3A_17, %add3A_18 : i32
    "tpu.region"() ({
      %run_scoped3A = tpu.sem_alloc : memref<!tpu.dma_semaphore, #tpu.memory_space<semaphore_mem>>
      %dma_start3A_275 = arith.constant 0 : i32
      %dma_start3A_276 = tpu.memref_slice %arg13[%add3A_19, %dma_start3A_275] : memref<10240x128xf32, #tpu.memory_space<vmem_shared>> -> memref<80x128xf32, #tpu.memory_space<vmem_shared>>
      %dma_start3A_277 = arith.constant 0 : i32
      %dma_start3A_278 = tpu.memref_slice %arg13[%add3A_19, %dma_start3A_277] : memref<10240x128xf32, #tpu.memory_space<vmem_shared>> -> memref<80x128xf32, #tpu.memory_space<vmem_shared>>
      tpu.enqueue_dma source(%arg10 : memref<80x128xf32, #tpu.memory_space<vmem>>) target(%dma_start3A_278 : memref<80x128xf32, #tpu.memory_space<vmem_shared>>) target_semaphore(%run_scoped3A : memref<!tpu.dma_semaphore, #tpu.memory_space<semaphore_mem>>)
      %dma_wait3A_279 = arith.constant 0 : i32
      %dma_wait3A_280 = tpu.memref_slice %arg13[%add3A_19, %dma_wait3A_279] : memref<10240x128xf32, #tpu.memory_space<vmem_shared>> -> memref<80x128xf32, #tpu.memory_space<vmem_shared>>
      %dma_wait3A_281 = arith.constant 0 : i32
      %dma_wait3A_282 = tpu.memref_slice %arg13[%add3A_19, %dma_wait3A_281] : memref<10240x128xf32, #tpu.memory_space<vmem_shared>> -> memref<80x128xf32, #tpu.memory_space<vmem_shared>>
      tpu.wait_dma2 semaphore(%run_scoped3A : memref<!tpu.dma_semaphore, #tpu.memory_space<semaphore_mem>>) src(%arg10 : memref<80x128xf32, #tpu.memory_space<vmem>>) dst(%dma_wait3A_282 : memref<80x128xf32, #tpu.memory_space<vmem_shared>>)
      tpu.yield
    }) : () -> ()
    %mul3A_20 = arith.constant 640 : i32
    %mul3A_21 = arith.muli %arg1, %mul3A_20 : i32
    %add3A_22 = arith.constant 160 : i32
    %add3A_23 = arith.addi %mul3A_21, %add3A_22 : i32
    "tpu.region"() ({
      %run_scoped3A = tpu.sem_alloc : memref<!tpu.dma_semaphore, #tpu.memory_space<semaphore_mem>>
      %dma_start3A_275 = arith.constant 0 : i32
      %dma_start3A_276 = tpu.memref_slice %arg13[%add3A_23, %dma_start3A_275] : memref<10240x128xf32, #tpu.memory_space<vmem_shared>> -> memref<80x128xf32, #tpu.memory_space<vmem_shared>>
      %dma_start3A_277 = arith.constant 0 : i32
      %dma_start3A_278 = tpu.memref_slice %arg13[%add3A_23, %dma_start3A_277] : memref<10240x128xf32, #tpu.memory_space<vmem_shared>> -> memref<80x128xf32, #tpu.memory_space<vmem_shared>>
      tpu.enqueue_dma source(%arg10 : memref<80x128xf32, #tpu.memory_space<vmem>>) target(%dma_start3A_278 : memref<80x128xf32, #tpu.memory_space<vmem_shared>>) target_semaphore(%run_scoped3A : memref<!tpu.dma_semaphore, #tpu.memory_space<semaphore_mem>>)
      %dma_wait3A_279 = arith.constant 0 : i32
      %dma_wait3A_280 = tpu.memref_slice %arg13[%add3A_23, %dma_wait3A_279] : memref<10240x128xf32, #tpu.memory_space<vmem_shared>> -> memref<80x128xf32, #tpu.memory_space<vmem_shared>>
      %dma_wait3A_281 = arith.constant 0 : i32
      %dma_wait3A_282 = tpu.memref_slice %arg13[%add3A_23, %dma_wait3A_281] : memref<10240x128xf32, #tpu.memory_space<vmem_shared>> -> memref<80x128xf32, #tpu.memory_space<vmem_shared>>
      tpu.wait_dma2 semaphore(%run_scoped3A : memref<!tpu.dma_semaphore, #tpu.memory_space<semaphore_mem>>) src(%arg10 : memref<80x128xf32, #tpu.memory_space<vmem>>) dst(%dma_wait3A_282 : memref<80x128xf32, #tpu.memory_space<vmem_shared>>)
      tpu.yield
    }) : () -> ()
    %mul3A_24 = arith.constant 640 : i32
    %mul3A_25 = arith.muli %arg1, %mul3A_24 : i32
    %add3A_26 = arith.constant 240 : i32
    %add3A_27 = arith.addi %mul3A_25, %add3A_26 : i32
    "tpu.region"() ({
      %run_scoped3A = tpu.sem_alloc : memref<!tpu.dma_semaphore, #tpu.memory_space<semaphore_mem>>
      %dma_start3A_275 = arith.constant 0 : i32
      %dma_start3A_276 = tpu.memref_slice %arg13[%add3A_27, %dma_start3A_275] : memref<10240x128xf32, #tpu.memory_space<vmem_shared>> -> memref<80x128xf32, #tpu.memory_space<vmem_shared>>
      %dma_start3A_277 = arith.constant 0 : i32
      %dma_start3A_278 = tpu.memref_slice %arg13[%add3A_27, %dma_start3A_277] : memref<10240x128xf32, #tpu.memory_space<vmem_shared>> -> memref<80x128xf32, #tpu.memory_space<vmem_shared>>
      tpu.enqueue_dma source(%arg10 : memref<80x128xf32, #tpu.memory_space<vmem>>) target(%dma_start3A_278 : memref<80x128xf32, #tpu.memory_space<vmem_shared>>) target_semaphore(%run_scoped3A : memref<!tpu.dma_semaphore, #tpu.memory_space<semaphore_mem>>)
      %dma_wait3A_279 = arith.constant 0 : i32
      %dma_wait3A_280 = tpu.memref_slice %arg13[%add3A_27, %dma_wait3A_279] : memref<10240x128xf32, #tpu.memory_space<vmem_shared>> -> memref<80x128xf32, #tpu.memory_space<vmem_shared>>
      %dma_wait3A_281 = arith.constant 0 : i32
      %dma_wait3A_282 = tpu.memref_slice %arg13[%add3A_27, %dma_wait3A_281] : memref<10240x128xf32, #tpu.memory_space<vmem_shared>> -> memref<80x128xf32, #tpu.memory_space<vmem_shared>>
      tpu.wait_dma2 semaphore(%run_scoped3A : memref<!tpu.dma_semaphore, #tpu.memory_space<semaphore_mem>>) src(%arg10 : memref<80x128xf32, #tpu.memory_space<vmem>>) dst(%dma_wait3A_282 : memref<80x128xf32, #tpu.memory_space<vmem_shared>>)
      tpu.yield
    }) : () -> ()
    %mul3A_28 = arith.constant 640 : i32
    %mul3A_29 = arith.muli %arg1, %mul3A_28 : i32
    %add3A_30 = arith.constant 320 : i32
    %add3A_31 = arith.addi %mul3A_29, %add3A_30 : i32
    "tpu.region"() ({
      %run_scoped3A = tpu.sem_alloc : memref<!tpu.dma_semaphore, #tpu.memory_space<semaphore_mem>>
      %dma_start3A_275 = arith.constant 0 : i32
      %dma_start3A_276 = tpu.memref_slice %arg13[%add3A_31, %dma_start3A_275] : memref<10240x128xf32, #tpu.memory_space<vmem_shared>> -> memref<80x128xf32, #tpu.memory_space<vmem_shared>>
      %dma_start3A_277 = arith.constant 0 : i32
      %dma_start3A_278 = tpu.memref_slice %arg13[%add3A_31, %dma_start3A_277] : memref<10240x128xf32, #tpu.memory_space<vmem_shared>> -> memref<80x128xf32, #tpu.memory_space<vmem_shared>>
      tpu.enqueue_dma source(%arg10 : memref<80x128xf32, #tpu.memory_space<vmem>>) target(%dma_start3A_278 : memref<80x128xf32, #tpu.memory_space<vmem_shared>>) target_semaphore(%run_scoped3A : memref<!tpu.dma_semaphore, #tpu.memory_space<semaphore_mem>>)
      %dma_wait3A_279 = arith.constant 0 : i32
      %dma_wait3A_280 = tpu.memref_slice %arg13[%add3A_31, %dma_wait3A_279] : memref<10240x128xf32, #tpu.memory_space<vmem_shared>> -> memref<80x128xf32, #tpu.memory_space<vmem_shared>>
      %dma_wait3A_281 = arith.constant 0 : i32
      %dma_wait3A_282 = tpu.memref_slice %arg13[%add3A_31, %dma_wait3A_281] : memref<10240x128xf32, #tpu.memory_space<vmem_shared>> -> memref<80x128xf32, #tpu.memory_space<vmem_shared>>
      tpu.wait_dma2 semaphore(%run_scoped3A : memref<!tpu.dma_semaphore, #tpu.memory_space<semaphore_mem>>) src(%arg10 : memref<80x128xf32, #tpu.memory_space<vmem>>) dst(%dma_wait3A_282 : memref<80x128xf32, #tpu.memory_space<vmem_shared>>)
      tpu.yield
    }) : () -> ()
    %mul3A_32 = arith.constant 640 : i32
    %mul3A_33 = arith.muli %arg1, %mul3A_32 : i32
    %add3A_34 = arith.constant 400 : i32
    %add3A_35 = arith.addi %mul3A_33, %add3A_34 : i32
    "tpu.region"() ({
      %run_scoped3A = tpu.sem_alloc : memref<!tpu.dma_semaphore, #tpu.memory_space<semaphore_mem>>
      %dma_start3A_275 = arith.constant 0 : i32
      %dma_start3A_276 = tpu.memref_slice %arg13[%add3A_35, %dma_start3A_275] : memref<10240x128xf32, #tpu.memory_space<vmem_shared>> -> memref<80x128xf32, #tpu.memory_space<vmem_shared>>
      %dma_start3A_277 = arith.constant 0 : i32
      %dma_start3A_278 = tpu.memref_slice %arg13[%add3A_35, %dma_start3A_277] : memref<10240x128xf32, #tpu.memory_space<vmem_shared>> -> memref<80x128xf32, #tpu.memory_space<vmem_shared>>
      tpu.enqueue_dma source(%arg10 : memref<80x128xf32, #tpu.memory_space<vmem>>) target(%dma_start3A_278 : memref<80x128xf32, #tpu.memory_space<vmem_shared>>) target_semaphore(%run_scoped3A : memref<!tpu.dma_semaphore, #tpu.memory_space<semaphore_mem>>)
      %dma_wait3A_279 = arith.constant 0 : i32
      %dma_wait3A_280 = tpu.memref_slice %arg13[%add3A_35, %dma_wait3A_279] : memref<10240x128xf32, #tpu.memory_space<vmem_shared>> -> memref<80x128xf32, #tpu.memory_space<vmem_shared>>
      %dma_wait3A_281 = arith.constant 0 : i32
      %dma_wait3A_282 = tpu.memref_slice %arg13[%add3A_35, %dma_wait3A_281] : memref<10240x128xf32, #tpu.memory_space<vmem_shared>> -> memref<80x128xf32, #tpu.memory_space<vmem_shared>>
      tpu.wait_dma2 semaphore(%run_scoped3A : memref<!tpu.dma_semaphore, #tpu.memory_space<semaphore_mem>>) src(%arg10 : memref<80x128xf32, #tpu.memory_space<vmem>>) dst(%dma_wait3A_282 : memref<80x128xf32, #tpu.memory_space<vmem_shared>>)
      tpu.yield
    }) : () -> ()
    %mul3A_36 = arith.constant 640 : i32
    %mul3A_37 = arith.muli %arg1, %mul3A_36 : i32
    %add3A_38 = arith.constant 480 : i32
    %add3A_39 = arith.addi %mul3A_37, %add3A_38 : i32
    "tpu.region"() ({
      %run_scoped3A = tpu.sem_alloc : memref<!tpu.dma_semaphore, #tpu.memory_space<semaphore_mem>>
      %dma_start3A_275 = arith.constant 0 : i32
      %dma_start3A_276 = tpu.memref_slice %arg13[%add3A_39, %dma_start3A_275] : memref<10240x128xf32, #tpu.memory_space<vmem_shared>> -> memref<80x128xf32, #tpu.memory_space<vmem_shared>>
      %dma_start3A_277 = arith.constant 0 : i32
      %dma_start3A_278 = tpu.memref_slice %arg13[%add3A_39, %dma_start3A_277] : memref<10240x128xf32, #tpu.memory_space<vmem_shared>> -> memref<80x128xf32, #tpu.memory_space<vmem_shared>>
      tpu.enqueue_dma source(%arg10 : memref<80x128xf32, #tpu.memory_space<vmem>>) target(%dma_start3A_278 : memref<80x128xf32, #tpu.memory_space<vmem_shared>>) target_semaphore(%run_scoped3A : memref<!tpu.dma_semaphore, #tpu.memory_space<semaphore_mem>>)
      %dma_wait3A_279 = arith.constant 0 : i32
      %dma_wait3A_280 = tpu.memref_slice %arg13[%add3A_39, %dma_wait3A_279] : memref<10240x128xf32, #tpu.memory_space<vmem_shared>> -> memref<80x128xf32, #tpu.memory_space<vmem_shared>>
      %dma_wait3A_281 = arith.constant 0 : i32
      %dma_wait3A_282 = tpu.memref_slice %arg13[%add3A_39, %dma_wait3A_281] : memref<10240x128xf32, #tpu.memory_space<vmem_shared>> -> memref<80x128xf32, #tpu.memory_space<vmem_shared>>
      tpu.wait_dma2 semaphore(%run_scoped3A : memref<!tpu.dma_semaphore, #tpu.memory_space<semaphore_mem>>) src(%arg10 : memref<80x128xf32, #tpu.memory_space<vmem>>) dst(%dma_wait3A_282 : memref<80x128xf32, #tpu.memory_space<vmem_shared>>)
      tpu.yield
    }) : () -> ()
    %mul3A_40 = arith.constant 640 : i32
    %mul3A_41 = arith.muli %arg1, %mul3A_40 : i32
    %add3A_42 = arith.constant 560 : i32
    %add3A_43 = arith.addi %mul3A_41, %add3A_42 : i32
    "tpu.region"() ({
      %run_scoped3A = tpu.sem_alloc : memref<!tpu.dma_semaphore, #tpu.memory_space<semaphore_mem>>
      %dma_start3A_275 = arith.constant 0 : i32
      %dma_start3A_276 = tpu.memref_slice %arg13[%add3A_43, %dma_start3A_275] : memref<10240x128xf32, #tpu.memory_space<vmem_shared>> -> memref<80x128xf32, #tpu.memory_space<vmem_shared>>
      %dma_start3A_277 = arith.constant 0 : i32
      %dma_start3A_278 = tpu.memref_slice %arg13[%add3A_43, %dma_start3A_277] : memref<10240x128xf32, #tpu.memory_space<vmem_shared>> -> memref<80x128xf32, #tpu.memory_space<vmem_shared>>
      tpu.enqueue_dma source(%arg10 : memref<80x128xf32, #tpu.memory_space<vmem>>) target(%dma_start3A_278 : memref<80x128xf32, #tpu.memory_space<vmem_shared>>) target_semaphore(%run_scoped3A : memref<!tpu.dma_semaphore, #tpu.memory_space<semaphore_mem>>)
      %dma_wait3A_279 = arith.constant 0 : i32
      %dma_wait3A_280 = tpu.memref_slice %arg13[%add3A_43, %dma_wait3A_279] : memref<10240x128xf32, #tpu.memory_space<vmem_shared>> -> memref<80x128xf32, #tpu.memory_space<vmem_shared>>
      %dma_wait3A_281 = arith.constant 0 : i32
      %dma_wait3A_282 = tpu.memref_slice %arg13[%add3A_43, %dma_wait3A_281] : memref<10240x128xf32, #tpu.memory_space<vmem_shared>> -> memref<80x128xf32, #tpu.memory_space<vmem_shared>>
      tpu.wait_dma2 semaphore(%run_scoped3A : memref<!tpu.dma_semaphore, #tpu.memory_space<semaphore_mem>>) src(%arg10 : memref<80x128xf32, #tpu.memory_space<vmem>>) dst(%dma_wait3A_282 : memref<80x128xf32, #tpu.memory_space<vmem_shared>>)
      tpu.yield
    }) : () -> ()
    %barrier3A = arith.constant 0 : index
    tpu.barrier barrier_id(%barrier3A)
    %dma_wait3A = arith.constant 0 : i32
    %dma_wait3A_44 = tpu.memref_slice %arg2[%add3A, %dma_wait3A] : memref<32x10000xi32, #tpu.memory_space<hbm>> -> memref<1x10000xi32, #tpu.memory_space<hbm>>
    %dma_wait3A_45 = tpu.memref_squeeze %dma_wait3A_44 : memref<1x10000xi32, #tpu.memory_space<hbm>> -> memref<10000xi32, #tpu.memory_space<hbm>>
    %dma_wait3A_46 = arith.constant 0 : i32
    %dma_wait3A_47 = tpu.memref_slice %arg2[%add3A, %dma_wait3A_46] : memref<32x10000xi32, #tpu.memory_space<hbm>> -> memref<1x10000xi32, #tpu.memory_space<hbm>>
    %dma_wait3A_48 = tpu.memref_squeeze %dma_wait3A_47 : memref<1x10000xi32, #tpu.memory_space<hbm>> -> memref<10000xi32, #tpu.memory_space<hbm>>
    tpu.wait_dma2 semaphore(%arg23 : memref<!tpu.dma_semaphore, #tpu.memory_space<semaphore_mem>>) src(%dma_wait3A_48 : memref<10000xi32, #tpu.memory_space<hbm>>) dst(%arg6 : memref<10000xi32, #tpu.memory_space<vmem>>)
    %dma_start3A_49 = arith.constant 0 : i32
    %dma_start3A_50 = arith.constant 0 : i32
    %dma_start3A_51 = arith.constant 0 : i32
    %dma_start3A_52 = tpu.memref_slice %arg3[%add3A, %dma_start3A_49, %dma_start3A_50, %dma_start3A_51] : memref<32x125x1x80xi32, #tpu.memory_space<hbm>> -> memref<1x1x1x80xi32, #tpu.memory_space<hbm>>
    %dma_start3A_53 = tpu.memref_squeeze %dma_start3A_52 : memref<1x1x1x80xi32, #tpu.memory_space<hbm>> -> memref<1x80xi32, #tpu.memory_space<hbm>>
    %dma_start3A_54 = arith.constant 0 : i32
    %dma_start3A_55 = arith.constant 0 : i32
    %dma_start3A_56 = tpu.memref_slice %arg3[%add3A, %dma_start3A_49, %dma_start3A_54, %dma_start3A_55] : memref<32x125x1x80xi32, #tpu.memory_space<hbm>> -> memref<1x1x1x80xi32, #tpu.memory_space<hbm>>
    %dma_start3A_57 = tpu.memref_squeeze %dma_start3A_56 : memref<1x1x1x80xi32, #tpu.memory_space<hbm>> -> memref<1x80xi32, #tpu.memory_space<hbm>>
    tpu.enqueue_dma source(%dma_start3A_57 : memref<1x80xi32, #tpu.memory_space<hbm>>) target(%arg7 : memref<1x80xi32, #tpu.memory_space<vmem>>) target_semaphore(%arg20 : memref<!tpu.dma_semaphore, #tpu.memory_space<semaphore_mem>>)
    %dma_start3A_58 = arith.constant 0 : i32
    %dma_start3A_59 = tpu.memref_slice %arg6[%dma_start3A_58] : memref<10000xi32, #tpu.memory_space<vmem>> -> memref<80xi32, #tpu.memory_space<vmem>>
    %dma_start3A_60 = arith.constant 0 : i32
    %dma_start3A_61 = arith.constant 0 : i32
    %dma_start3A_62 = tpu.memref_slice %arg4[%dma_start3A_60, %dma_start3A_61] : memref<10000x128xf32, #tpu.memory_space<hbm>> -> memref<10000x128xf32, #tpu.memory_space<hbm>>
    tpu.enqueue_indirect_dma source(%dma_start3A_62 : memref<10000x128xf32, #tpu.memory_space<hbm>>) target(%arg10 : memref<80x128xf32, #tpu.memory_space<vmem>>) offsets(%dma_start3A_59 : memref<80xi32, #tpu.memory_space<vmem>>) semaphore(%arg14 : memref<!tpu.dma_semaphore, #tpu.memory_space<semaphore_mem>>)
    %dma_start3A_63 = arith.constant 1 : i32
    %dma_start3A_64 = arith.constant 0 : i32
    %dma_start3A_65 = arith.constant 0 : i32
    %dma_start3A_66 = tpu.memref_slice %arg3[%add3A, %dma_start3A_63, %dma_start3A_64, %dma_start3A_65] : memref<32x125x1x80xi32, #tpu.memory_space<hbm>> -> memref<1x1x1x80xi32, #tpu.memory_space<hbm>>
    %dma_start3A_67 = tpu.memref_squeeze %dma_start3A_66 : memref<1x1x1x80xi32, #tpu.memory_space<hbm>> -> memref<1x80xi32, #tpu.memory_space<hbm>>
    %dma_start3A_68 = arith.constant 0 : i32
    %dma_start3A_69 = arith.constant 0 : i32
    %dma_start3A_70 = tpu.memref_slice %arg3[%add3A, %dma_start3A_63, %dma_start3A_68, %dma_start3A_69] : memref<32x125x1x80xi32, #tpu.memory_space<hbm>> -> memref<1x1x1x80xi32, #tpu.memory_space<hbm>>
    %dma_start3A_71 = tpu.memref_squeeze %dma_start3A_70 : memref<1x1x1x80xi32, #tpu.memory_space<hbm>> -> memref<1x80xi32, #tpu.memory_space<hbm>>
    tpu.enqueue_dma source(%dma_start3A_71 : memref<1x80xi32, #tpu.memory_space<hbm>>) target(%arg8 : memref<1x80xi32, #tpu.memory_space<vmem>>) target_semaphore(%arg21 : memref<!tpu.dma_semaphore, #tpu.memory_space<semaphore_mem>>)
    %dma_start3A_72 = arith.constant 80 : i32
    %dma_start3A_73 = tpu.memref_slice %arg6[%dma_start3A_72] : memref<10000xi32, #tpu.memory_space<vmem>> -> memref<80xi32, #tpu.memory_space<vmem>>
    %dma_start3A_74 = arith.constant 0 : i32
    %dma_start3A_75 = arith.constant 0 : i32
    %dma_start3A_76 = tpu.memref_slice %arg4[%dma_start3A_74, %dma_start3A_75] : memref<10000x128xf32, #tpu.memory_space<hbm>> -> memref<10000x128xf32, #tpu.memory_space<hbm>>
    tpu.enqueue_indirect_dma source(%dma_start3A_76 : memref<10000x128xf32, #tpu.memory_space<hbm>>) target(%arg11 : memref<80x128xf32, #tpu.memory_space<vmem>>) offsets(%dma_start3A_73 : memref<80xi32, #tpu.memory_space<vmem>>) semaphore(%arg15 : memref<!tpu.dma_semaphore, #tpu.memory_space<semaphore_mem>>)
    %dma_start3A_77 = arith.constant 2 : i32
    %dma_start3A_78 = arith.constant 0 : i32
    %dma_start3A_79 = arith.constant 0 : i32
    %dma_start3A_80 = tpu.memref_slice %arg3[%add3A, %dma_start3A_77, %dma_start3A_78, %dma_start3A_79] : memref<32x125x1x80xi32, #tpu.memory_space<hbm>> -> memref<1x1x1x80xi32, #tpu.memory_space<hbm>>
    %dma_start3A_81 = tpu.memref_squeeze %dma_start3A_80 : memref<1x1x1x80xi32, #tpu.memory_space<hbm>> -> memref<1x80xi32, #tpu.memory_space<hbm>>
    %dma_start3A_82 = arith.constant 0 : i32
    %dma_start3A_83 = arith.constant 0 : i32
    %dma_start3A_84 = tpu.memref_slice %arg3[%add3A, %dma_start3A_77, %dma_start3A_82, %dma_start3A_83] : memref<32x125x1x80xi32, #tpu.memory_space<hbm>> -> memref<1x1x1x80xi32, #tpu.memory_space<hbm>>
    %dma_start3A_85 = tpu.memref_squeeze %dma_start3A_84 : memref<1x1x1x80xi32, #tpu.memory_space<hbm>> -> memref<1x80xi32, #tpu.memory_space<hbm>>
    tpu.enqueue_dma source(%dma_start3A_85 : memref<1x80xi32, #tpu.memory_space<hbm>>) target(%arg9 : memref<1x80xi32, #tpu.memory_space<vmem>>) target_semaphore(%arg22 : memref<!tpu.dma_semaphore, #tpu.memory_space<semaphore_mem>>)
    %dma_start3A_86 = arith.constant 160 : i32
    %dma_start3A_87 = tpu.memref_slice %arg6[%dma_start3A_86] : memref<10000xi32, #tpu.memory_space<vmem>> -> memref<80xi32, #tpu.memory_space<vmem>>
    %dma_start3A_88 = arith.constant 0 : i32
    %dma_start3A_89 = arith.constant 0 : i32
    %dma_start3A_90 = tpu.memref_slice %arg4[%dma_start3A_88, %dma_start3A_89] : memref<10000x128xf32, #tpu.memory_space<hbm>> -> memref<10000x128xf32, #tpu.memory_space<hbm>>
    tpu.enqueue_indirect_dma source(%dma_start3A_90 : memref<10000x128xf32, #tpu.memory_space<hbm>>) target(%arg12 : memref<80x128xf32, #tpu.memory_space<vmem>>) offsets(%dma_start3A_87 : memref<80xi32, #tpu.memory_space<vmem>>) semaphore(%arg16 : memref<!tpu.dma_semaphore, #tpu.memory_space<semaphore_mem>>)
    %dma_wait3A_91 = arith.constant 0 : i32
    %dma_wait3A_92 = arith.constant 0 : i32
    %dma_wait3A_93 = tpu.memref_slice %arg4[%dma_wait3A_91, %dma_wait3A_92] : memref<10000x128xf32, #tpu.memory_space<hbm>> -> memref<80x128xf32, #tpu.memory_space<hbm>>
    %dma_wait3A_94 = arith.constant 0 : i32
    %dma_wait3A_95 = arith.constant 0 : i32
    %dma_wait3A_96 = tpu.memref_slice %arg4[%dma_wait3A_94, %dma_wait3A_95] : memref<10000x128xf32, #tpu.memory_space<hbm>> -> memref<80x128xf32, #tpu.memory_space<hbm>>
    tpu.wait_dma2 semaphore(%arg14 : memref<!tpu.dma_semaphore, #tpu.memory_space<semaphore_mem>>) src(%dma_wait3A_96 : memref<80x128xf32, #tpu.memory_space<hbm>>) dst(%arg10 : memref<80x128xf32, #tpu.memory_space<vmem>>)
    %dma_wait3A_97 = arith.constant 0 : i32
    %dma_wait3A_98 = arith.constant 0 : i32
    %dma_wait3A_99 = arith.constant 0 : i32
    %dma_wait3A_100 = arith.constant 0 : i32
    %dma_wait3A_101 = tpu.memref_slice %arg3[%dma_wait3A_97, %dma_wait3A_98, %dma_wait3A_99, %dma_wait3A_100] : memref<32x125x1x80xi32, #tpu.memory_space<hbm>> -> memref<1x1x1x80xi32, #tpu.memory_space<hbm>>
    %dma_wait3A_102 = tpu.memref_squeeze %dma_wait3A_101 : memref<1x1x1x80xi32, #tpu.memory_space<hbm>> -> memref<1x80xi32, #tpu.memory_space<hbm>>
    %dma_wait3A_103 = arith.constant 0 : i32
    %dma_wait3A_104 = arith.constant 0 : i32
    %dma_wait3A_105 = tpu.memref_slice %arg3[%dma_wait3A_97, %dma_wait3A_98, %dma_wait3A_103, %dma_wait3A_104] : memref<32x125x1x80xi32, #tpu.memory_space<hbm>> -> memref<1x1x1x80xi32, #tpu.memory_space<hbm>>
    %dma_wait3A_106 = tpu.memref_squeeze %dma_wait3A_105 : memref<1x1x1x80xi32, #tpu.memory_space<hbm>> -> memref<1x80xi32, #tpu.memory_space<hbm>>
    tpu.wait_dma2 semaphore(%arg20 : memref<!tpu.dma_semaphore, #tpu.memory_space<semaphore_mem>>) src(%dma_wait3A_106 : memref<1x80xi32, #tpu.memory_space<hbm>>) dst(%arg7 : memref<1x80xi32, #tpu.memory_space<vmem>>)
    %dma_start3A_107 = arith.constant 0 : i32
    %dma_start3A_108 = arith.constant 0 : i32
    %dma_start3A_109 = tpu.memref_slice %arg7[%dma_start3A_107, %dma_start3A_108] : memref<1x80xi32, #tpu.memory_space<vmem>> -> memref<1x80xi32, #tpu.memory_space<vmem>>
    %dma_start3A_110 = tpu.memref_squeeze %dma_start3A_109 : memref<1x80xi32, #tpu.memory_space<vmem>> -> memref<80xi32, #tpu.memory_space<vmem>>
    %dma_start3A_111 = arith.constant 0 : i32
    %dma_start3A_112 = arith.constant 0 : i32
    %dma_start3A_113 = tpu.memref_slice %arg13[%dma_start3A_111, %dma_start3A_112] : memref<10240x128xf32, #tpu.memory_space<vmem_shared>> -> memref<10240x128xf32, #tpu.memory_space<vmem_shared>>
    tpu.enqueue_indirect_dma source(%arg10 : memref<80x128xf32, #tpu.memory_space<vmem>>) target(%dma_start3A_113 : memref<10240x128xf32, #tpu.memory_space<vmem_shared>>) offsets(%dma_start3A_110 : memref<80xi32, #tpu.memory_space<vmem>>) semaphore(%arg17 : memref<!tpu.dma_semaphore, #tpu.memory_space<semaphore_mem>>) {add = true}
    %dma_wait3A_114 = arith.constant 0 : i32
    %dma_wait3A_115 = arith.constant 0 : i32
    %dma_wait3A_116 = tpu.memref_slice %arg4[%dma_wait3A_114, %dma_wait3A_115] : memref<10000x128xf32, #tpu.memory_space<hbm>> -> memref<80x128xf32, #tpu.memory_space<hbm>>
    %dma_wait3A_117 = arith.constant 0 : i32
    %dma_wait3A_118 = arith.constant 0 : i32
    %dma_wait3A_119 = tpu.memref_slice %arg4[%dma_wait3A_117, %dma_wait3A_118] : memref<10000x128xf32, #tpu.memory_space<hbm>> -> memref<80x128xf32, #tpu.memory_space<hbm>>
    tpu.wait_dma2 semaphore(%arg15 : memref<!tpu.dma_semaphore, #tpu.memory_space<semaphore_mem>>) src(%dma_wait3A_119 : memref<80x128xf32, #tpu.memory_space<hbm>>) dst(%arg11 : memref<80x128xf32, #tpu.memory_space<vmem>>)
    %dma_wait3A_120 = arith.constant 0 : i32
    %dma_wait3A_121 = arith.constant 0 : i32
    %dma_wait3A_122 = arith.constant 0 : i32
    %dma_wait3A_123 = arith.constant 0 : i32
    %dma_wait3A_124 = tpu.memref_slice %arg3[%dma_wait3A_120, %dma_wait3A_121, %dma_wait3A_122, %dma_wait3A_123] : memref<32x125x1x80xi32, #tpu.memory_space<hbm>> -> memref<1x1x1x80xi32, #tpu.memory_space<hbm>>
    %dma_wait3A_125 = tpu.memref_squeeze %dma_wait3A_124 : memref<1x1x1x80xi32, #tpu.memory_space<hbm>> -> memref<1x80xi32, #tpu.memory_space<hbm>>
    %dma_wait3A_126 = arith.constant 0 : i32
    %dma_wait3A_127 = arith.constant 0 : i32
    %dma_wait3A_128 = tpu.memref_slice %arg3[%dma_wait3A_120, %dma_wait3A_121, %dma_wait3A_126, %dma_wait3A_127] : memref<32x125x1x80xi32, #tpu.memory_space<hbm>> -> memref<1x1x1x80xi32, #tpu.memory_space<hbm>>
    %dma_wait3A_129 = tpu.memref_squeeze %dma_wait3A_128 : memref<1x1x1x80xi32, #tpu.memory_space<hbm>> -> memref<1x80xi32, #tpu.memory_space<hbm>>
    tpu.wait_dma2 semaphore(%arg21 : memref<!tpu.dma_semaphore, #tpu.memory_space<semaphore_mem>>) src(%dma_wait3A_129 : memref<1x80xi32, #tpu.memory_space<hbm>>) dst(%arg8 : memref<1x80xi32, #tpu.memory_space<vmem>>)
    %dma_start3A_130 = arith.constant 0 : i32
    %dma_start3A_131 = arith.constant 0 : i32
    %dma_start3A_132 = tpu.memref_slice %arg8[%dma_start3A_130, %dma_start3A_131] : memref<1x80xi32, #tpu.memory_space<vmem>> -> memref<1x80xi32, #tpu.memory_space<vmem>>
    %dma_start3A_133 = tpu.memref_squeeze %dma_start3A_132 : memref<1x80xi32, #tpu.memory_space<vmem>> -> memref<80xi32, #tpu.memory_space<vmem>>
    %dma_start3A_134 = arith.constant 0 : i32
    %dma_start3A_135 = arith.constant 0 : i32
    %dma_start3A_136 = tpu.memref_slice %arg13[%dma_start3A_134, %dma_start3A_135] : memref<10240x128xf32, #tpu.memory_space<vmem_shared>> -> memref<10240x128xf32, #tpu.memory_space<vmem_shared>>
    tpu.enqueue_indirect_dma source(%arg11 : memref<80x128xf32, #tpu.memory_space<vmem>>) target(%dma_start3A_136 : memref<10240x128xf32, #tpu.memory_space<vmem_shared>>) offsets(%dma_start3A_133 : memref<80xi32, #tpu.memory_space<vmem>>) semaphore(%arg18 : memref<!tpu.dma_semaphore, #tpu.memory_space<semaphore_mem>>) {add = true}
    %dma_wait3A_137 = arith.constant 0 : i32
    %dma_wait3A_138 = arith.constant 0 : i32
    %dma_wait3A_139 = tpu.memref_slice %arg13[%dma_wait3A_137, %dma_wait3A_138] : memref<10240x128xf32, #tpu.memory_space<vmem_shared>> -> memref<80x128xf32, #tpu.memory_space<vmem_shared>>
    %dma_wait3A_140 = arith.constant 0 : i32
    %dma_wait3A_141 = arith.constant 0 : i32
    %dma_wait3A_142 = tpu.memref_slice %arg13[%dma_wait3A_140, %dma_wait3A_141] : memref<10240x128xf32, #tpu.memory_space<vmem_shared>> -> memref<80x128xf32, #tpu.memory_space<vmem_shared>>
    tpu.wait_dma2 semaphore(%arg17 : memref<!tpu.dma_semaphore, #tpu.memory_space<semaphore_mem>>) src(%arg10 : memref<80x128xf32, #tpu.memory_space<vmem>>) dst(%dma_wait3A_142 : memref<80x128xf32, #tpu.memory_space<vmem_shared>>)
    %dma_start3A_143 = arith.constant 3 : i32
    %dma_start3A_144 = arith.constant 0 : i32
    %dma_start3A_145 = arith.constant 0 : i32
    %dma_start3A_146 = tpu.memref_slice %arg3[%add3A, %dma_start3A_143, %dma_start3A_144, %dma_start3A_145] : memref<32x125x1x80xi32, #tpu.memory_space<hbm>> -> memref<1x1x1x80xi32, #tpu.memory_space<hbm>>
    %dma_start3A_147 = tpu.memref_squeeze %dma_start3A_146 : memref<1x1x1x80xi32, #tpu.memory_space<hbm>> -> memref<1x80xi32, #tpu.memory_space<hbm>>
    %dma_start3A_148 = arith.constant 0 : i32
    %dma_start3A_149 = arith.constant 0 : i32
    %dma_start3A_150 = tpu.memref_slice %arg3[%add3A, %dma_start3A_143, %dma_start3A_148, %dma_start3A_149] : memref<32x125x1x80xi32, #tpu.memory_space<hbm>> -> memref<1x1x1x80xi32, #tpu.memory_space<hbm>>
    %dma_start3A_151 = tpu.memref_squeeze %dma_start3A_150 : memref<1x1x1x80xi32, #tpu.memory_space<hbm>> -> memref<1x80xi32, #tpu.memory_space<hbm>>
    tpu.enqueue_dma source(%dma_start3A_151 : memref<1x80xi32, #tpu.memory_space<hbm>>) target(%arg7 : memref<1x80xi32, #tpu.memory_space<vmem>>) target_semaphore(%arg20 : memref<!tpu.dma_semaphore, #tpu.memory_space<semaphore_mem>>)
    %dma_start3A_152 = arith.constant 240 : i32
    %dma_start3A_153 = tpu.memref_slice %arg6[%dma_start3A_152] : memref<10000xi32, #tpu.memory_space<vmem>> -> memref<80xi32, #tpu.memory_space<vmem>>
    %dma_start3A_154 = arith.constant 0 : i32
    %dma_start3A_155 = arith.constant 0 : i32
    %dma_start3A_156 = tpu.memref_slice %arg4[%dma_start3A_154, %dma_start3A_155] : memref<10000x128xf32, #tpu.memory_space<hbm>> -> memref<10000x128xf32, #tpu.memory_space<hbm>>
    tpu.enqueue_indirect_dma source(%dma_start3A_156 : memref<10000x128xf32, #tpu.memory_space<hbm>>) target(%arg10 : memref<80x128xf32, #tpu.memory_space<vmem>>) offsets(%dma_start3A_153 : memref<80xi32, #tpu.memory_space<vmem>>) semaphore(%arg14 : memref<!tpu.dma_semaphore, #tpu.memory_space<semaphore_mem>>)
    %dma_wait3A_157 = arith.constant 0 : i32
    %dma_wait3A_158 = arith.constant 0 : i32
    %dma_wait3A_159 = tpu.memref_slice %arg4[%dma_wait3A_157, %dma_wait3A_158] : memref<10000x128xf32, #tpu.memory_space<hbm>> -> memref<80x128xf32, #tpu.memory_space<hbm>>
    %dma_wait3A_160 = arith.constant 0 : i32
    %dma_wait3A_161 = arith.constant 0 : i32
    %dma_wait3A_162 = tpu.memref_slice %arg4[%dma_wait3A_160, %dma_wait3A_161] : memref<10000x128xf32, #tpu.memory_space<hbm>> -> memref<80x128xf32, #tpu.memory_space<hbm>>
    tpu.wait_dma2 semaphore(%arg16 : memref<!tpu.dma_semaphore, #tpu.memory_space<semaphore_mem>>) src(%dma_wait3A_162 : memref<80x128xf32, #tpu.memory_space<hbm>>) dst(%arg12 : memref<80x128xf32, #tpu.memory_space<vmem>>)
    %dma_wait3A_163 = arith.constant 0 : i32
    %dma_wait3A_164 = arith.constant 0 : i32
    %dma_wait3A_165 = arith.constant 0 : i32
    %dma_wait3A_166 = arith.constant 0 : i32
    %dma_wait3A_167 = tpu.memref_slice %arg3[%dma_wait3A_163, %dma_wait3A_164, %dma_wait3A_165, %dma_wait3A_166] : memref<32x125x1x80xi32, #tpu.memory_space<hbm>> -> memref<1x1x1x80xi32, #tpu.memory_space<hbm>>
    %dma_wait3A_168 = tpu.memref_squeeze %dma_wait3A_167 : memref<1x1x1x80xi32, #tpu.memory_space<hbm>> -> memref<1x80xi32, #tpu.memory_space<hbm>>
    %dma_wait3A_169 = arith.constant 0 : i32
    %dma_wait3A_170 = arith.constant 0 : i32
    %dma_wait3A_171 = tpu.memref_slice %arg3[%dma_wait3A_163, %dma_wait3A_164, %dma_wait3A_169, %dma_wait3A_170] : memref<32x125x1x80xi32, #tpu.memory_space<hbm>> -> memref<1x1x1x80xi32, #tpu.memory_space<hbm>>
    %dma_wait3A_172 = tpu.memref_squeeze %dma_wait3A_171 : memref<1x1x1x80xi32, #tpu.memory_space<hbm>> -> memref<1x80xi32, #tpu.memory_space<hbm>>
    tpu.wait_dma2 semaphore(%arg22 : memref<!tpu.dma_semaphore, #tpu.memory_space<semaphore_mem>>) src(%dma_wait3A_172 : memref<1x80xi32, #tpu.memory_space<hbm>>) dst(%arg9 : memref<1x80xi32, #tpu.memory_space<vmem>>)
    %dma_start3A_173 = arith.constant 0 : i32
    %dma_start3A_174 = arith.constant 0 : i32
    %dma_start3A_175 = tpu.memref_slice %arg9[%dma_start3A_173, %dma_start3A_174] : memref<1x80xi32, #tpu.memory_space<vmem>> -> memref<1x80xi32, #tpu.memory_space<vmem>>
    %dma_start3A_176 = tpu.memref_squeeze %dma_start3A_175 : memref<1x80xi32, #tpu.memory_space<vmem>> -> memref<80xi32, #tpu.memory_space<vmem>>
    %dma_start3A_177 = arith.constant 0 : i32
    %dma_start3A_178 = arith.constant 0 : i32
    %dma_start3A_179 = tpu.memref_slice %arg13[%dma_start3A_177, %dma_start3A_178] : memref<10240x128xf32, #tpu.memory_space<vmem_shared>> -> memref<10240x128xf32, #tpu.memory_space<vmem_shared>>
    tpu.enqueue_indirect_dma source(%arg12 : memref<80x128xf32, #tpu.memory_space<vmem>>) target(%dma_start3A_179 : memref<10240x128xf32, #tpu.memory_space<vmem_shared>>) offsets(%dma_start3A_176 : memref<80xi32, #tpu.memory_space<vmem>>) semaphore(%arg19 : memref<!tpu.dma_semaphore, #tpu.memory_space<semaphore_mem>>) {add = true}
    %dma_wait3A_180 = arith.constant 0 : i32
    %dma_wait3A_181 = arith.constant 0 : i32
    %dma_wait3A_182 = tpu.memref_slice %arg13[%dma_wait3A_180, %dma_wait3A_181] : memref<10240x128xf32, #tpu.memory_space<vmem_shared>> -> memref<80x128xf32, #tpu.memory_space<vmem_shared>>
    %dma_wait3A_183 = arith.constant 0 : i32
    %dma_wait3A_184 = arith.constant 0 : i32
    %dma_wait3A_185 = tpu.memref_slice %arg13[%dma_wait3A_183, %dma_wait3A_184] : memref<10240x128xf32, #tpu.memory_space<vmem_shared>> -> memref<80x128xf32, #tpu.memory_space<vmem_shared>>
    tpu.wait_dma2 semaphore(%arg18 : memref<!tpu.dma_semaphore, #tpu.memory_space<semaphore_mem>>) src(%arg11 : memref<80x128xf32, #tpu.memory_space<vmem>>) dst(%dma_wait3A_185 : memref<80x128xf32, #tpu.memory_space<vmem_shared>>)
    %dma_start3A_186 = arith.constant 4 : i32
    %dma_start3A_187 = arith.constant 0 : i32
    %dma_start3A_188 = arith.constant 0 : i32
    %dma_start3A_189 = tpu.memref_slice %arg3[%add3A, %dma_start3A_186, %dma_start3A_187, %dma_start3A_188] : memref<32x125x1x80xi32, #tpu.memory_space<hbm>> -> memref<1x1x1x80xi32, #tpu.memory_space<hbm>>
    %dma_start3A_190 = tpu.memref_squeeze %dma_start3A_189 : memref<1x1x1x80xi32, #tpu.memory_space<hbm>> -> memref<1x80xi32, #tpu.memory_space<hbm>>
    %dma_start3A_191 = arith.constant 0 : i32
    %dma_start3A_192 = arith.constant 0 : i32
    %dma_start3A_193 = tpu.memref_slice %arg3[%add3A, %dma_start3A_186, %dma_start3A_191, %dma_start3A_192] : memref<32x125x1x80xi32, #tpu.memory_space<hbm>> -> memref<1x1x1x80xi32, #tpu.memory_space<hbm>>
    %dma_start3A_194 = tpu.memref_squeeze %dma_start3A_193 : memref<1x1x1x80xi32, #tpu.memory_space<hbm>> -> memref<1x80xi32, #tpu.memory_space<hbm>>
    tpu.enqueue_dma source(%dma_start3A_194 : memref<1x80xi32, #tpu.memory_space<hbm>>) target(%arg8 : memref<1x80xi32, #tpu.memory_space<vmem>>) target_semaphore(%arg21 : memref<!tpu.dma_semaphore, #tpu.memory_space<semaphore_mem>>)
    %dma_start3A_195 = arith.constant 320 : i32
    %dma_start3A_196 = tpu.memref_slice %arg6[%dma_start3A_195] : memref<10000xi32, #tpu.memory_space<vmem>> -> memref<80xi32, #tpu.memory_space<vmem>>
    %dma_start3A_197 = arith.constant 0 : i32
    %dma_start3A_198 = arith.constant 0 : i32
    %dma_start3A_199 = tpu.memref_slice %arg4[%dma_start3A_197, %dma_start3A_198] : memref<10000x128xf32, #tpu.memory_space<hbm>> -> memref<10000x128xf32, #tpu.memory_space<hbm>>
    tpu.enqueue_indirect_dma source(%dma_start3A_199 : memref<10000x128xf32, #tpu.memory_space<hbm>>) target(%arg11 : memref<80x128xf32, #tpu.memory_space<vmem>>) offsets(%dma_start3A_196 : memref<80xi32, #tpu.memory_space<vmem>>) semaphore(%arg15 : memref<!tpu.dma_semaphore, #tpu.memory_space<semaphore_mem>>)
    %scan3A_200 = arith.constant 0 : i32
    %scan3A_201 = arith.constant 0 : i32
    %scan3A_202 = arith.constant 40 : i32
    %scan3A_203 = arith.addi %scan3A_201, %scan3A_202 : i32
    %scan3A_204 = arith.constant 1 : i32
    scf.for %scan3A_275 = %scan3A_201 to %scan3A_203 step %scan3A_204  : i32 {
      %mul3A_276 = arith.constant 3 : i32
      %mul3A_277 = arith.muli %mul3A_276, %scan3A_275 : i32
      %add3A_278 = arith.constant 3 : i32
      %add3A_279 = arith.addi %add3A_278, %mul3A_277 : i32
      %add3A_280 = arith.constant 0 : i32
      %add3A_281 = arith.addi %add3A_279, %add3A_280 : i32
      %dma_wait3A_282 = arith.constant 0 : i32
      %dma_wait3A_283 = arith.constant 0 : i32
      %dma_wait3A_284 = tpu.memref_slice %arg4[%dma_wait3A_282, %dma_wait3A_283] : memref<10000x128xf32, #tpu.memory_space<hbm>> -> memref<80x128xf32, #tpu.memory_space<hbm>>
      %dma_wait3A_285 = arith.constant 0 : i32
      %dma_wait3A_286 = arith.constant 0 : i32
      %dma_wait3A_287 = tpu.memref_slice %arg4[%dma_wait3A_285, %dma_wait3A_286] : memref<10000x128xf32, #tpu.memory_space<hbm>> -> memref<80x128xf32, #tpu.memory_space<hbm>>
      tpu.wait_dma2 semaphore(%arg14 : memref<!tpu.dma_semaphore, #tpu.memory_space<semaphore_mem>>) src(%dma_wait3A_287 : memref<80x128xf32, #tpu.memory_space<hbm>>) dst(%arg10 : memref<80x128xf32, #tpu.memory_space<vmem>>)
      %dma_wait3A_288 = arith.constant 0 : i32
      %dma_wait3A_289 = arith.constant 0 : i32
      %dma_wait3A_290 = arith.constant 0 : i32
      %dma_wait3A_291 = arith.constant 0 : i32
      %dma_wait3A_292 = tpu.memref_slice %arg3[%dma_wait3A_288, %dma_wait3A_289, %dma_wait3A_290, %dma_wait3A_291] : memref<32x125x1x80xi32, #tpu.memory_space<hbm>> -> memref<1x1x1x80xi32, #tpu.memory_space<hbm>>
      %dma_wait3A_293 = tpu.memref_squeeze %dma_wait3A_292 : memref<1x1x1x80xi32, #tpu.memory_space<hbm>> -> memref<1x80xi32, #tpu.memory_space<hbm>>
      %dma_wait3A_294 = arith.constant 0 : i32
      %dma_wait3A_295 = arith.constant 0 : i32
      %dma_wait3A_296 = tpu.memref_slice %arg3[%dma_wait3A_288, %dma_wait3A_289, %dma_wait3A_294, %dma_wait3A_295] : memref<32x125x1x80xi32, #tpu.memory_space<hbm>> -> memref<1x1x1x80xi32, #tpu.memory_space<hbm>>
      %dma_wait3A_297 = tpu.memref_squeeze %dma_wait3A_296 : memref<1x1x1x80xi32, #tpu.memory_space<hbm>> -> memref<1x80xi32, #tpu.memory_space<hbm>>
      tpu.wait_dma2 semaphore(%arg20 : memref<!tpu.dma_semaphore, #tpu.memory_space<semaphore_mem>>) src(%dma_wait3A_297 : memref<1x80xi32, #tpu.memory_space<hbm>>) dst(%arg7 : memref<1x80xi32, #tpu.memory_space<vmem>>)
      %dma_start3A_298 = arith.constant 0 : i32
      %dma_start3A_299 = arith.constant 0 : i32
      %dma_start3A_300 = tpu.memref_slice %arg7[%dma_start3A_298, %dma_start3A_299] : memref<1x80xi32, #tpu.memory_space<vmem>> -> memref<1x80xi32, #tpu.memory_space<vmem>>
      %dma_start3A_301 = tpu.memref_squeeze %dma_start3A_300 : memref<1x80xi32, #tpu.memory_space<vmem>> -> memref<80xi32, #tpu.memory_space<vmem>>
      %dma_start3A_302 = arith.constant 0 : i32
      %dma_start3A_303 = arith.constant 0 : i32
      %dma_start3A_304 = tpu.memref_slice %arg13[%dma_start3A_302, %dma_start3A_303] : memref<10240x128xf32, #tpu.memory_space<vmem_shared>> -> memref<10240x128xf32, #tpu.memory_space<vmem_shared>>
      tpu.enqueue_indirect_dma source(%arg10 : memref<80x128xf32, #tpu.memory_space<vmem>>) target(%dma_start3A_304 : memref<10240x128xf32, #tpu.memory_space<vmem_shared>>) offsets(%dma_start3A_301 : memref<80xi32, #tpu.memory_space<vmem>>) semaphore(%arg17 : memref<!tpu.dma_semaphore, #tpu.memory_space<semaphore_mem>>) {add = true}
      %dma_wait3A_305 = arith.constant 0 : i32
      %dma_wait3A_306 = arith.constant 0 : i32
      %dma_wait3A_307 = tpu.memref_slice %arg13[%dma_wait3A_305, %dma_wait3A_306] : memref<10240x128xf32, #tpu.memory_space<vmem_shared>> -> memref<80x128xf32, #tpu.memory_space<vmem_shared>>
      %dma_wait3A_308 = arith.constant 0 : i32
      %dma_wait3A_309 = arith.constant 0 : i32
      %dma_wait3A_310 = tpu.memref_slice %arg13[%dma_wait3A_308, %dma_wait3A_309] : memref<10240x128xf32, #tpu.memory_space<vmem_shared>> -> memref<80x128xf32, #tpu.memory_space<vmem_shared>>
      tpu.wait_dma2 semaphore(%arg19 : memref<!tpu.dma_semaphore, #tpu.memory_space<semaphore_mem>>) src(%arg12 : memref<80x128xf32, #tpu.memory_space<vmem>>) dst(%dma_wait3A_310 : memref<80x128xf32, #tpu.memory_space<vmem_shared>>)
      %add3A_311 = arith.constant 2 : i32
      %add3A_312 = arith.addi %add3A_281, %add3A_311 : i32
      %dma_start3A_313 = arith.constant 0 : i32
      %dma_start3A_314 = arith.constant 0 : i32
      %dma_start3A_315 = tpu.memref_slice %arg3[%add3A, %add3A_312, %dma_start3A_313, %dma_start3A_314] : memref<32x125x1x80xi32, #tpu.memory_space<hbm>> -> memref<1x1x1x80xi32, #tpu.memory_space<hbm>>
      %dma_start3A_316 = tpu.memref_squeeze %dma_start3A_315 : memref<1x1x1x80xi32, #tpu.memory_space<hbm>> -> memref<1x80xi32, #tpu.memory_space<hbm>>
      %dma_start3A_317 = arith.constant 0 : i32
      %dma_start3A_318 = arith.constant 0 : i32
      %dma_start3A_319 = tpu.memref_slice %arg3[%add3A, %add3A_312, %dma_start3A_317, %dma_start3A_318] : memref<32x125x1x80xi32, #tpu.memory_space<hbm>> -> memref<1x1x1x80xi32, #tpu.memory_space<hbm>>
      %dma_start3A_320 = tpu.memref_squeeze %dma_start3A_319 : memref<1x1x1x80xi32, #tpu.memory_space<hbm>> -> memref<1x80xi32, #tpu.memory_space<hbm>>
      tpu.enqueue_dma source(%dma_start3A_320 : memref<1x80xi32, #tpu.memory_space<hbm>>) target(%arg9 : memref<1x80xi32, #tpu.memory_space<vmem>>) target_semaphore(%arg22 : memref<!tpu.dma_semaphore, #tpu.memory_space<semaphore_mem>>)
      %add3A_321 = arith.constant 2 : i32
      %add3A_322 = arith.addi %add3A_281, %add3A_321 : i32
      %mul3A_323 = arith.constant 80 : i32
      %mul3A_324 = arith.muli %add3A_322, %mul3A_323 : i32
      %dma_start3A_325 = tpu.memref_slice %arg6[%mul3A_324] : memref<10000xi32, #tpu.memory_space<vmem>> -> memref<80xi32, #tpu.memory_space<vmem>>
      %dma_start3A_326 = arith.constant 0 : i32
      %dma_start3A_327 = arith.constant 0 : i32
      %dma_start3A_328 = tpu.memref_slice %arg4[%dma_start3A_326, %dma_start3A_327] : memref<10000x128xf32, #tpu.memory_space<hbm>> -> memref<10000x128xf32, #tpu.memory_space<hbm>>
      tpu.enqueue_indirect_dma source(%dma_start3A_328 : memref<10000x128xf32, #tpu.memory_space<hbm>>) target(%arg12 : memref<80x128xf32, #tpu.memory_space<vmem>>) offsets(%dma_start3A_325 : memref<80xi32, #tpu.memory_space<vmem>>) semaphore(%arg16 : memref<!tpu.dma_semaphore, #tpu.memory_space<semaphore_mem>>)
      %mul3A_329 = arith.constant 3 : i32
      %mul3A_330 = arith.muli %mul3A_329, %scan3A_275 : i32
      %add3A_331 = arith.constant 3 : i32
      %add3A_332 = arith.addi %add3A_331, %mul3A_330 : i32
      %add3A_333 = arith.constant 1 : i32
      %add3A_334 = arith.addi %add3A_332, %add3A_333 : i32
      %dma_wait3A_335 = arith.constant 0 : i32
      %dma_wait3A_336 = arith.constant 0 : i32
      %dma_wait3A_337 = tpu.memref_slice %arg4[%dma_wait3A_335, %dma_wait3A_336] : memref<10000x128xf32, #tpu.memory_space<hbm>> -> memref<80x128xf32, #tpu.memory_space<hbm>>
      %dma_wait3A_338 = arith.constant 0 : i32
      %dma_wait3A_339 = arith.constant 0 : i32
      %dma_wait3A_340 = tpu.memref_slice %arg4[%dma_wait3A_338, %dma_wait3A_339] : memref<10000x128xf32, #tpu.memory_space<hbm>> -> memref<80x128xf32, #tpu.memory_space<hbm>>
      tpu.wait_dma2 semaphore(%arg15 : memref<!tpu.dma_semaphore, #tpu.memory_space<semaphore_mem>>) src(%dma_wait3A_340 : memref<80x128xf32, #tpu.memory_space<hbm>>) dst(%arg11 : memref<80x128xf32, #tpu.memory_space<vmem>>)
      %dma_wait3A_341 = arith.constant 0 : i32
      %dma_wait3A_342 = arith.constant 0 : i32
      %dma_wait3A_343 = arith.constant 0 : i32
      %dma_wait3A_344 = arith.constant 0 : i32
      %dma_wait3A_345 = tpu.memref_slice %arg3[%dma_wait3A_341, %dma_wait3A_342, %dma_wait3A_343, %dma_wait3A_344] : memref<32x125x1x80xi32, #tpu.memory_space<hbm>> -> memref<1x1x1x80xi32, #tpu.memory_space<hbm>>
      %dma_wait3A_346 = tpu.memref_squeeze %dma_wait3A_345 : memref<1x1x1x80xi32, #tpu.memory_space<hbm>> -> memref<1x80xi32, #tpu.memory_space<hbm>>
      %dma_wait3A_347 = arith.constant 0 : i32
      %dma_wait3A_348 = arith.constant 0 : i32
      %dma_wait3A_349 = tpu.memref_slice %arg3[%dma_wait3A_341, %dma_wait3A_342, %dma_wait3A_347, %dma_wait3A_348] : memref<32x125x1x80xi32, #tpu.memory_space<hbm>> -> memref<1x1x1x80xi32, #tpu.memory_space<hbm>>
      %dma_wait3A_350 = tpu.memref_squeeze %dma_wait3A_349 : memref<1x1x1x80xi32, #tpu.memory_space<hbm>> -> memref<1x80xi32, #tpu.memory_space<hbm>>
      tpu.wait_dma2 semaphore(%arg21 : memref<!tpu.dma_semaphore, #tpu.memory_space<semaphore_mem>>) src(%dma_wait3A_350 : memref<1x80xi32, #tpu.memory_space<hbm>>) dst(%arg8 : memref<1x80xi32, #tpu.memory_space<vmem>>)
      %dma_start3A_351 = arith.constant 0 : i32
      %dma_start3A_352 = arith.constant 0 : i32
      %dma_start3A_353 = tpu.memref_slice %arg8[%dma_start3A_351, %dma_start3A_352] : memref<1x80xi32, #tpu.memory_space<vmem>> -> memref<1x80xi32, #tpu.memory_space<vmem>>
      %dma_start3A_354 = tpu.memref_squeeze %dma_start3A_353 : memref<1x80xi32, #tpu.memory_space<vmem>> -> memref<80xi32, #tpu.memory_space<vmem>>
      %dma_start3A_355 = arith.constant 0 : i32
      %dma_start3A_356 = arith.constant 0 : i32
      %dma_start3A_357 = tpu.memref_slice %arg13[%dma_start3A_355, %dma_start3A_356] : memref<10240x128xf32, #tpu.memory_space<vmem_shared>> -> memref<10240x128xf32, #tpu.memory_space<vmem_shared>>
      tpu.enqueue_indirect_dma source(%arg11 : memref<80x128xf32, #tpu.memory_space<vmem>>) target(%dma_start3A_357 : memref<10240x128xf32, #tpu.memory_space<vmem_shared>>) offsets(%dma_start3A_354 : memref<80xi32, #tpu.memory_space<vmem>>) semaphore(%arg18 : memref<!tpu.dma_semaphore, #tpu.memory_space<semaphore_mem>>) {add = true}
      %dma_wait3A_358 = arith.constant 0 : i32
      %dma_wait3A_359 = arith.constant 0 : i32
      %dma_wait3A_360 = tpu.memref_slice %arg13[%dma_wait3A_358, %dma_wait3A_359] : memref<10240x128xf32, #tpu.memory_space<vmem_shared>> -> memref<80x128xf32, #tpu.memory_space<vmem_shared>>
      %dma_wait3A_361 = arith.constant 0 : i32
      %dma_wait3A_362 = arith.constant 0 : i32
      %dma_wait3A_363 = tpu.memref_slice %arg13[%dma_wait3A_361, %dma_wait3A_362] : memref<10240x128xf32, #tpu.memory_space<vmem_shared>> -> memref<80x128xf32, #tpu.memory_space<vmem_shared>>
      tpu.wait_dma2 semaphore(%arg17 : memref<!tpu.dma_semaphore, #tpu.memory_space<semaphore_mem>>) src(%arg10 : memref<80x128xf32, #tpu.memory_space<vmem>>) dst(%dma_wait3A_363 : memref<80x128xf32, #tpu.memory_space<vmem_shared>>)
      %add3A_364 = arith.constant 2 : i32
      %add3A_365 = arith.addi %add3A_334, %add3A_364 : i32
      %dma_start3A_366 = arith.constant 0 : i32
      %dma_start3A_367 = arith.constant 0 : i32
      %dma_start3A_368 = tpu.memref_slice %arg3[%add3A, %add3A_365, %dma_start3A_366, %dma_start3A_367] : memref<32x125x1x80xi32, #tpu.memory_space<hbm>> -> memref<1x1x1x80xi32, #tpu.memory_space<hbm>>
      %dma_start3A_369 = tpu.memref_squeeze %dma_start3A_368 : memref<1x1x1x80xi32, #tpu.memory_space<hbm>> -> memref<1x80xi32, #tpu.memory_space<hbm>>
      %dma_start3A_370 = arith.constant 0 : i32
      %dma_start3A_371 = arith.constant 0 : i32
      %dma_start3A_372 = tpu.memref_slice %arg3[%add3A, %add3A_365, %dma_start3A_370, %dma_start3A_371] : memref<32x125x1x80xi32, #tpu.memory_space<hbm>> -> memref<1x1x1x80xi32, #tpu.memory_space<hbm>>
      %dma_start3A_373 = tpu.memref_squeeze %dma_start3A_372 : memref<1x1x1x80xi32, #tpu.memory_space<hbm>> -> memref<1x80xi32, #tpu.memory_space<hbm>>
      tpu.enqueue_dma source(%dma_start3A_373 : memref<1x80xi32, #tpu.memory_space<hbm>>) target(%arg7 : memref<1x80xi32, #tpu.memory_space<vmem>>) target_semaphore(%arg20 : memref<!tpu.dma_semaphore, #tpu.memory_space<semaphore_mem>>)
      %add3A_374 = arith.constant 2 : i32
      %add3A_375 = arith.addi %add3A_334, %add3A_374 : i32
      %mul3A_376 = arith.constant 80 : i32
      %mul3A_377 = arith.muli %add3A_375, %mul3A_376 : i32
      %dma_start3A_378 = tpu.memref_slice %arg6[%mul3A_377] : memref<10000xi32, #tpu.memory_space<vmem>> -> memref<80xi32, #tpu.memory_space<vmem>>
      %dma_start3A_379 = arith.constant 0 : i32
      %dma_start3A_380 = arith.constant 0 : i32
      %dma_start3A_381 = tpu.memref_slice %arg4[%dma_start3A_379, %dma_start3A_380] : memref<10000x128xf32, #tpu.memory_space<hbm>> -> memref<10000x128xf32, #tpu.memory_space<hbm>>
      tpu.enqueue_indirect_dma source(%dma_start3A_381 : memref<10000x128xf32, #tpu.memory_space<hbm>>) target(%arg10 : memref<80x128xf32, #tpu.memory_space<vmem>>) offsets(%dma_start3A_378 : memref<80xi32, #tpu.memory_space<vmem>>) semaphore(%arg14 : memref<!tpu.dma_semaphore, #tpu.memory_space<semaphore_mem>>)
      %mul3A_382 = arith.constant 3 : i32
      %mul3A_383 = arith.muli %mul3A_382, %scan3A_275 : i32
      %add3A_384 = arith.constant 3 : i32
      %add3A_385 = arith.addi %add3A_384, %mul3A_383 : i32
      %add3A_386 = arith.constant 2 : i32
      %add3A_387 = arith.addi %add3A_385, %add3A_386 : i32
      %dma_wait3A_388 = arith.constant 0 : i32
      %dma_wait3A_389 = arith.constant 0 : i32
      %dma_wait3A_390 = tpu.memref_slice %arg4[%dma_wait3A_388, %dma_wait3A_389] : memref<10000x128xf32, #tpu.memory_space<hbm>> -> memref<80x128xf32, #tpu.memory_space<hbm>>
      %dma_wait3A_391 = arith.constant 0 : i32
      %dma_wait3A_392 = arith.constant 0 : i32
      %dma_wait3A_393 = tpu.memref_slice %arg4[%dma_wait3A_391, %dma_wait3A_392] : memref<10000x128xf32, #tpu.memory_space<hbm>> -> memref<80x128xf32, #tpu.memory_space<hbm>>
      tpu.wait_dma2 semaphore(%arg16 : memref<!tpu.dma_semaphore, #tpu.memory_space<semaphore_mem>>) src(%dma_wait3A_393 : memref<80x128xf32, #tpu.memory_space<hbm>>) dst(%arg12 : memref<80x128xf32, #tpu.memory_space<vmem>>)
      %dma_wait3A_394 = arith.constant 0 : i32
      %dma_wait3A_395 = arith.constant 0 : i32
      %dma_wait3A_396 = arith.constant 0 : i32
      %dma_wait3A_397 = arith.constant 0 : i32
      %dma_wait3A_398 = tpu.memref_slice %arg3[%dma_wait3A_394, %dma_wait3A_395, %dma_wait3A_396, %dma_wait3A_397] : memref<32x125x1x80xi32, #tpu.memory_space<hbm>> -> memref<1x1x1x80xi32, #tpu.memory_space<hbm>>
      %dma_wait3A_399 = tpu.memref_squeeze %dma_wait3A_398 : memref<1x1x1x80xi32, #tpu.memory_space<hbm>> -> memref<1x80xi32, #tpu.memory_space<hbm>>
      %dma_wait3A_400 = arith.constant 0 : i32
      %dma_wait3A_401 = arith.constant 0 : i32
      %dma_wait3A_402 = tpu.memref_slice %arg3[%dma_wait3A_394, %dma_wait3A_395, %dma_wait3A_400, %dma_wait3A_401] : memref<32x125x1x80xi32, #tpu.memory_space<hbm>> -> memref<1x1x1x80xi32, #tpu.memory_space<hbm>>
      %dma_wait3A_403 = tpu.memref_squeeze %dma_wait3A_402 : memref<1x1x1x80xi32, #tpu.memory_space<hbm>> -> memref<1x80xi32, #tpu.memory_space<hbm>>
      tpu.wait_dma2 semaphore(%arg22 : memref<!tpu.dma_semaphore, #tpu.memory_space<semaphore_mem>>) src(%dma_wait3A_403 : memref<1x80xi32, #tpu.memory_space<hbm>>) dst(%arg9 : memref<1x80xi32, #tpu.memory_space<vmem>>)
      %dma_start3A_404 = arith.constant 0 : i32
      %dma_start3A_405 = arith.constant 0 : i32
      %dma_start3A_406 = tpu.memref_slice %arg9[%dma_start3A_404, %dma_start3A_405] : memref<1x80xi32, #tpu.memory_space<vmem>> -> memref<1x80xi32, #tpu.memory_space<vmem>>
      %dma_start3A_407 = tpu.memref_squeeze %dma_start3A_406 : memref<1x80xi32, #tpu.memory_space<vmem>> -> memref<80xi32, #tpu.memory_space<vmem>>
      %dma_start3A_408 = arith.constant 0 : i32
      %dma_start3A_409 = arith.constant 0 : i32
      %dma_start3A_410 = tpu.memref_slice %arg13[%dma_start3A_408, %dma_start3A_409] : memref<10240x128xf32, #tpu.memory_space<vmem_shared>> -> memref<10240x128xf32, #tpu.memory_space<vmem_shared>>
      tpu.enqueue_indirect_dma source(%arg12 : memref<80x128xf32, #tpu.memory_space<vmem>>) target(%dma_start3A_410 : memref<10240x128xf32, #tpu.memory_space<vmem_shared>>) offsets(%dma_start3A_407 : memref<80xi32, #tpu.memory_space<vmem>>) semaphore(%arg19 : memref<!tpu.dma_semaphore, #tpu.memory_space<semaphore_mem>>) {add = true}
      %dma_wait3A_411 = arith.constant 0 : i32
      %dma_wait3A_412 = arith.constant 0 : i32
      %dma_wait3A_413 = tpu.memref_slice %arg13[%dma_wait3A_411, %dma_wait3A_412] : memref<10240x128xf32, #tpu.memory_space<vmem_shared>> -> memref<80x128xf32, #tpu.memory_space<vmem_shared>>
      %dma_wait3A_414 = arith.constant 0 : i32
      %dma_wait3A_415 = arith.constant 0 : i32
      %dma_wait3A_416 = tpu.memref_slice %arg13[%dma_wait3A_414, %dma_wait3A_415] : memref<10240x128xf32, #tpu.memory_space<vmem_shared>> -> memref<80x128xf32, #tpu.memory_space<vmem_shared>>
      tpu.wait_dma2 semaphore(%arg18 : memref<!tpu.dma_semaphore, #tpu.memory_space<semaphore_mem>>) src(%arg11 : memref<80x128xf32, #tpu.memory_space<vmem>>) dst(%dma_wait3A_416 : memref<80x128xf32, #tpu.memory_space<vmem_shared>>)
      %add3A_417 = arith.constant 2 : i32
      %add3A_418 = arith.addi %add3A_387, %add3A_417 : i32
      %dma_start3A_419 = arith.constant 0 : i32
      %dma_start3A_420 = arith.constant 0 : i32
      %dma_start3A_421 = tpu.memref_slice %arg3[%add3A, %add3A_418, %dma_start3A_419, %dma_start3A_420] : memref<32x125x1x80xi32, #tpu.memory_space<hbm>> -> memref<1x1x1x80xi32, #tpu.memory_space<hbm>>
      %dma_start3A_422 = tpu.memref_squeeze %dma_start3A_421 : memref<1x1x1x80xi32, #tpu.memory_space<hbm>> -> memref<1x80xi32, #tpu.memory_space<hbm>>
      %dma_start3A_423 = arith.constant 0 : i32
      %dma_start3A_424 = arith.constant 0 : i32
      %dma_start3A_425 = tpu.memref_slice %arg3[%add3A, %add3A_418, %dma_start3A_423, %dma_start3A_424] : memref<32x125x1x80xi32, #tpu.memory_space<hbm>> -> memref<1x1x1x80xi32, #tpu.memory_space<hbm>>
      %dma_start3A_426 = tpu.memref_squeeze %dma_start3A_425 : memref<1x1x1x80xi32, #tpu.memory_space<hbm>> -> memref<1x80xi32, #tpu.memory_space<hbm>>
      tpu.enqueue_dma source(%dma_start3A_426 : memref<1x80xi32, #tpu.memory_space<hbm>>) target(%arg8 : memref<1x80xi32, #tpu.memory_space<vmem>>) target_semaphore(%arg21 : memref<!tpu.dma_semaphore, #tpu.memory_space<semaphore_mem>>)
      %add3A_427 = arith.constant 2 : i32
      %add3A_428 = arith.addi %add3A_387, %add3A_427 : i32
      %mul3A_429 = arith.constant 80 : i32
      %mul3A_430 = arith.muli %add3A_428, %mul3A_429 : i32
      %dma_start3A_431 = tpu.memref_slice %arg6[%mul3A_430] : memref<10000xi32, #tpu.memory_space<vmem>> -> memref<80xi32, #tpu.memory_space<vmem>>
      %dma_start3A_432 = arith.constant 0 : i32
      %dma_start3A_433 = arith.constant 0 : i32
      %dma_start3A_434 = tpu.memref_slice %arg4[%dma_start3A_432, %dma_start3A_433] : memref<10000x128xf32, #tpu.memory_space<hbm>> -> memref<10000x128xf32, #tpu.memory_space<hbm>>
      tpu.enqueue_indirect_dma source(%dma_start3A_434 : memref<10000x128xf32, #tpu.memory_space<hbm>>) target(%arg11 : memref<80x128xf32, #tpu.memory_space<vmem>>) offsets(%dma_start3A_431 : memref<80xi32, #tpu.memory_space<vmem>>) semaphore(%arg15 : memref<!tpu.dma_semaphore, #tpu.memory_space<semaphore_mem>>)
    }
    %scan3A_205 = arith.constant 40 : i32
    %dma_wait3A_206 = arith.constant 0 : i32
    %dma_wait3A_207 = arith.constant 0 : i32
    %dma_wait3A_208 = tpu.memref_slice %arg4[%dma_wait3A_206, %dma_wait3A_207] : memref<10000x128xf32, #tpu.memory_space<hbm>> -> memref<80x128xf32, #tpu.memory_space<hbm>>
    %dma_wait3A_209 = arith.constant 0 : i32
    %dma_wait3A_210 = arith.constant 0 : i32
    %dma_wait3A_211 = tpu.memref_slice %arg4[%dma_wait3A_209, %dma_wait3A_210] : memref<10000x128xf32, #tpu.memory_space<hbm>> -> memref<80x128xf32, #tpu.memory_space<hbm>>
    tpu.wait_dma2 semaphore(%arg14 : memref<!tpu.dma_semaphore, #tpu.memory_space<semaphore_mem>>) src(%dma_wait3A_211 : memref<80x128xf32, #tpu.memory_space<hbm>>) dst(%arg10 : memref<80x128xf32, #tpu.memory_space<vmem>>)
    %dma_wait3A_212 = arith.constant 0 : i32
    %dma_wait3A_213 = arith.constant 0 : i32
    %dma_wait3A_214 = arith.constant 0 : i32
    %dma_wait3A_215 = arith.constant 0 : i32
    %dma_wait3A_216 = tpu.memref_slice %arg3[%dma_wait3A_212, %dma_wait3A_213, %dma_wait3A_214, %dma_wait3A_215] : memref<32x125x1x80xi32, #tpu.memory_space<hbm>> -> memref<1x1x1x80xi32, #tpu.memory_space<hbm>>
    %dma_wait3A_217 = tpu.memref_squeeze %dma_wait3A_216 : memref<1x1x1x80xi32, #tpu.memory_space<hbm>> -> memref<1x80xi32, #tpu.memory_space<hbm>>
    %dma_wait3A_218 = arith.constant 0 : i32
    %dma_wait3A_219 = arith.constant 0 : i32
    %dma_wait3A_220 = tpu.memref_slice %arg3[%dma_wait3A_212, %dma_wait3A_213, %dma_wait3A_218, %dma_wait3A_219] : memref<32x125x1x80xi32, #tpu.memory_space<hbm>> -> memref<1x1x1x80xi32, #tpu.memory_space<hbm>>
    %dma_wait3A_221 = tpu.memref_squeeze %dma_wait3A_220 : memref<1x1x1x80xi32, #tpu.memory_space<hbm>> -> memref<1x80xi32, #tpu.memory_space<hbm>>
    tpu.wait_dma2 semaphore(%arg20 : memref<!tpu.dma_semaphore, #tpu.memory_space<semaphore_mem>>) src(%dma_wait3A_221 : memref<1x80xi32, #tpu.memory_space<hbm>>) dst(%arg7 : memref<1x80xi32, #tpu.memory_space<vmem>>)
    %dma_start3A_222 = arith.constant 0 : i32
    %dma_start3A_223 = arith.constant 0 : i32
    %dma_start3A_224 = tpu.memref_slice %arg7[%dma_start3A_222, %dma_start3A_223] : memref<1x80xi32, #tpu.memory_space<vmem>> -> memref<1x80xi32, #tpu.memory_space<vmem>>
    %dma_start3A_225 = tpu.memref_squeeze %dma_start3A_224 : memref<1x80xi32, #tpu.memory_space<vmem>> -> memref<80xi32, #tpu.memory_space<vmem>>
    %dma_start3A_226 = arith.constant 0 : i32
    %dma_start3A_227 = arith.constant 0 : i32
    %dma_start3A_228 = tpu.memref_slice %arg13[%dma_start3A_226, %dma_start3A_227] : memref<10240x128xf32, #tpu.memory_space<vmem_shared>> -> memref<10240x128xf32, #tpu.memory_space<vmem_shared>>
    tpu.enqueue_indirect_dma source(%arg10 : memref<80x128xf32, #tpu.memory_space<vmem>>) target(%dma_start3A_228 : memref<10240x128xf32, #tpu.memory_space<vmem_shared>>) offsets(%dma_start3A_225 : memref<80xi32, #tpu.memory_space<vmem>>) semaphore(%arg17 : memref<!tpu.dma_semaphore, #tpu.memory_space<semaphore_mem>>) {add = true}
    %dma_wait3A_229 = arith.constant 0 : i32
    %dma_wait3A_230 = arith.constant 0 : i32
    %dma_wait3A_231 = tpu.memref_slice %arg4[%dma_wait3A_229, %dma_wait3A_230] : memref<10000x128xf32, #tpu.memory_space<hbm>> -> memref<80x128xf32, #tpu.memory_space<hbm>>
    %dma_wait3A_232 = arith.constant 0 : i32
    %dma_wait3A_233 = arith.constant 0 : i32
    %dma_wait3A_234 = tpu.memref_slice %arg4[%dma_wait3A_232, %dma_wait3A_233] : memref<10000x128xf32, #tpu.memory_space<hbm>> -> memref<80x128xf32, #tpu.memory_space<hbm>>
    tpu.wait_dma2 semaphore(%arg15 : memref<!tpu.dma_semaphore, #tpu.memory_space<semaphore_mem>>) src(%dma_wait3A_234 : memref<80x128xf32, #tpu.memory_space<hbm>>) dst(%arg11 : memref<80x128xf32, #tpu.memory_space<vmem>>)
    %dma_wait3A_235 = arith.constant 0 : i32
    %dma_wait3A_236 = arith.constant 0 : i32
    %dma_wait3A_237 = arith.constant 0 : i32
    %dma_wait3A_238 = arith.constant 0 : i32
    %dma_wait3A_239 = tpu.memref_slice %arg3[%dma_wait3A_235, %dma_wait3A_236, %dma_wait3A_237, %dma_wait3A_238] : memref<32x125x1x80xi32, #tpu.memory_space<hbm>> -> memref<1x1x1x80xi32, #tpu.memory_space<hbm>>
    %dma_wait3A_240 = tpu.memref_squeeze %dma_wait3A_239 : memref<1x1x1x80xi32, #tpu.memory_space<hbm>> -> memref<1x80xi32, #tpu.memory_space<hbm>>
    %dma_wait3A_241 = arith.constant 0 : i32
    %dma_wait3A_242 = arith.constant 0 : i32
    %dma_wait3A_243 = tpu.memref_slice %arg3[%dma_wait3A_235, %dma_wait3A_236, %dma_wait3A_241, %dma_wait3A_242] : memref<32x125x1x80xi32, #tpu.memory_space<hbm>> -> memref<1x1x1x80xi32, #tpu.memory_space<hbm>>
    %dma_wait3A_244 = tpu.memref_squeeze %dma_wait3A_243 : memref<1x1x1x80xi32, #tpu.memory_space<hbm>> -> memref<1x80xi32, #tpu.memory_space<hbm>>
    tpu.wait_dma2 semaphore(%arg21 : memref<!tpu.dma_semaphore, #tpu.memory_space<semaphore_mem>>) src(%dma_wait3A_244 : memref<1x80xi32, #tpu.memory_space<hbm>>) dst(%arg8 : memref<1x80xi32, #tpu.memory_space<vmem>>)
    %dma_start3A_245 = arith.constant 0 : i32
    %dma_start3A_246 = arith.constant 0 : i32
    %dma_start3A_247 = tpu.memref_slice %arg8[%dma_start3A_245, %dma_start3A_246] : memref<1x80xi32, #tpu.memory_space<vmem>> -> memref<1x80xi32, #tpu.memory_space<vmem>>
    %dma_start3A_248 = tpu.memref_squeeze %dma_start3A_247 : memref<1x80xi32, #tpu.memory_space<vmem>> -> memref<80xi32, #tpu.memory_space<vmem>>
    %dma_start3A_249 = arith.constant 0 : i32
    %dma_start3A_250 = arith.constant 0 : i32
    %dma_start3A_251 = tpu.memref_slice %arg13[%dma_start3A_249, %dma_start3A_250] : memref<10240x128xf32, #tpu.memory_space<vmem_shared>> -> memref<10240x128xf32, #tpu.memory_space<vmem_shared>>
    tpu.enqueue_indirect_dma source(%arg11 : memref<80x128xf32, #tpu.memory_space<vmem>>) target(%dma_start3A_251 : memref<10240x128xf32, #tpu.memory_space<vmem_shared>>) offsets(%dma_start3A_248 : memref<80xi32, #tpu.memory_space<vmem>>) semaphore(%arg18 : memref<!tpu.dma_semaphore, #tpu.memory_space<semaphore_mem>>) {add = true}
    %dma_wait3A_252 = arith.constant 0 : i32
    %dma_wait3A_253 = arith.constant 0 : i32
    %dma_wait3A_254 = tpu.memref_slice %arg13[%dma_wait3A_252, %dma_wait3A_253] : memref<10240x128xf32, #tpu.memory_space<vmem_shared>> -> memref<80x128xf32, #tpu.memory_space<vmem_shared>>
    %dma_wait3A_255 = arith.constant 0 : i32
    %dma_wait3A_256 = arith.constant 0 : i32
    %dma_wait3A_257 = tpu.memref_slice %arg13[%dma_wait3A_255, %dma_wait3A_256] : memref<10240x128xf32, #tpu.memory_space<vmem_shared>> -> memref<80x128xf32, #tpu.memory_space<vmem_shared>>
    tpu.wait_dma2 semaphore(%arg19 : memref<!tpu.dma_semaphore, #tpu.memory_space<semaphore_mem>>) src(%arg12 : memref<80x128xf32, #tpu.memory_space<vmem>>) dst(%dma_wait3A_257 : memref<80x128xf32, #tpu.memory_space<vmem_shared>>)
    %dma_wait3A_258 = arith.constant 0 : i32
    %dma_wait3A_259 = arith.constant 0 : i32
    %dma_wait3A_260 = tpu.memref_slice %arg13[%dma_wait3A_258, %dma_wait3A_259] : memref<10240x128xf32, #tpu.memory_space<vmem_shared>> -> memref<80x128xf32, #tpu.memory_space<vmem_shared>>
    %dma_wait3A_261 = arith.constant 0 : i32
    %dma_wait3A_262 = arith.constant 0 : i32
    %dma_wait3A_263 = tpu.memref_slice %arg13[%dma_wait3A_261, %dma_wait3A_262] : memref<10240x128xf32, #tpu.memory_space<vmem_shared>> -> memref<80x128xf32, #tpu.memory_space<vmem_shared>>
    tpu.wait_dma2 semaphore(%arg17 : memref<!tpu.dma_semaphore, #tpu.memory_space<semaphore_mem>>) src(%arg10 : memref<80x128xf32, #tpu.memory_space<vmem>>) dst(%dma_wait3A_263 : memref<80x128xf32, #tpu.memory_space<vmem_shared>>)
    %dma_wait3A_264 = arith.constant 0 : i32
    %dma_wait3A_265 = arith.constant 0 : i32
    %dma_wait3A_266 = tpu.memref_slice %arg13[%dma_wait3A_264, %dma_wait3A_265] : memref<10240x128xf32, #tpu.memory_space<vmem_shared>> -> memref<80x128xf32, #tpu.memory_space<vmem_shared>>
    %dma_wait3A_267 = arith.constant 0 : i32
    %dma_wait3A_268 = arith.constant 0 : i32
    %dma_wait3A_269 = tpu.memref_slice %arg13[%dma_wait3A_267, %dma_wait3A_268] : memref<10240x128xf32, #tpu.memory_space<vmem_shared>> -> memref<80x128xf32, #tpu.memory_space<vmem_shared>>
    tpu.wait_dma2 semaphore(%arg18 : memref<!tpu.dma_semaphore, #tpu.memory_space<semaphore_mem>>) src(%arg11 : memref<80x128xf32, #tpu.memory_space<vmem>>) dst(%dma_wait3A_269 : memref<80x128xf32, #tpu.memory_space<vmem_shared>>)
    %barrier3A_270 = arith.constant 0 : index
    tpu.barrier barrier_id(%barrier3A_270)
    %mul3A_271 = arith.constant 640 : i32
    %mul3A_272 = arith.muli %arg1, %mul3A_271 : i32
    %mul3A_273 = arith.constant 640 : i32
    %mul3A_274 = arith.muli %arg1, %mul3A_273 : i32
    "tpu.region"() ({
      %run_scoped3A = tpu.sem_alloc : memref<!tpu.dma_semaphore, #tpu.memory_space<semaphore_mem>>
      %dma_start3A_275 = arith.constant 0 : i32
      %dma_start3A_276 = tpu.memref_slice %arg5[%arg0, %mul3A_274, %dma_start3A_275] : memref<2x10240x128xf32, #tpu.memory_space<hbm>> -> memref<1x640x128xf32, #tpu.memory_space<hbm>>
      %dma_start3A_277 = tpu.memref_squeeze %dma_start3A_276 : memref<1x640x128xf32, #tpu.memory_space<hbm>> -> memref<640x128xf32, #tpu.memory_space<hbm>>
      %dma_start3A_278 = arith.constant 0 : i32
      %dma_start3A_279 = tpu.memref_slice %arg13[%mul3A_272, %dma_start3A_278] : memref<10240x128xf32, #tpu.memory_space<vmem_shared>> -> memref<640x128xf32, #tpu.memory_space<vmem_shared>>
      tpu.enqueue_dma source(%dma_start3A_279 : memref<640x128xf32, #tpu.memory_space<vmem_shared>>) target(%dma_start3A_277 : memref<640x128xf32, #tpu.memory_space<hbm>>) target_semaphore(%run_scoped3A : memref<!tpu.dma_semaphore, #tpu.memory_space<semaphore_mem>>)
      %dma_wait3A_280 = arith.constant 0 : i32
      %dma_wait3A_281 = tpu.memref_slice %arg5[%arg0, %mul3A_274, %dma_wait3A_280] : memref<2x10240x128xf32, #tpu.memory_space<hbm>> -> memref<1x640x128xf32, #tpu.memory_space<hbm>>
      %dma_wait3A_282 = tpu.memref_squeeze %dma_wait3A_281 : memref<1x640x128xf32, #tpu.memory_space<hbm>> -> memref<640x128xf32, #tpu.memory_space<hbm>>
      %dma_wait3A_283 = arith.constant 0 : i32
      %dma_wait3A_284 = tpu.memref_slice %arg13[%mul3A_272, %dma_wait3A_283] : memref<10240x128xf32, #tpu.memory_space<vmem_shared>> -> memref<640x128xf32, #tpu.memory_space<vmem_shared>>
      tpu.wait_dma2 semaphore(%run_scoped3A : memref<!tpu.dma_semaphore, #tpu.memory_space<semaphore_mem>>) src(%dma_wait3A_284 : memref<640x128xf32, #tpu.memory_space<vmem_shared>>) dst(%dma_wait3A_282 : memref<640x128xf32, #tpu.memory_space<hbm>>)
      tpu.yield
    }) : () -> ()
    return
  }
}

module attributes {stable_mosaic.version = 14 : i64} {
  func.func @_tc_prep_body(%arg0: memref<2x10240x16xf32, #tpu.memory_space<vmem>>, %arg1: memref<10000x128xf32, #tpu.memory_space<vmem>>, %arg2: memref<128x128xf32, #tpu.memory_space<vmem>>, %arg3: memref<10000x128xf32, #tpu.memory_space<vmem>>, %arg4: memref<10000x1xf32, #tpu.memory_space<vmem>>) attributes {dimension_semantics = [], scalar_prefetch = 0 : i64, scratch_operands = 0 : i64, tpu.core_type = #tpu.core_type<tc>} {
    %get3A = arith.constant 0 : index
    %get3A_0 = arith.constant 0 : index
    %get3A_1 = arith.constant 0 : index
    %get3A_2 = vector.load %arg0[%get3A, %get3A_0, %get3A_1] : memref<2x10240x16xf32, #tpu.memory_space<vmem>>, vector<1x10000x1xf32>
    %get3A_3 = vector.shape_cast %get3A_2 : vector<1x10000x1xf32> to vector<10000x1xf32>
    %add3A = arith.constant 1.000000e+00 : f32
    %add3A_4 = vector.broadcast %add3A : f32 to vector<10000x1xf32>
    %add3A_5 = arith.addf %add3A_4, %get3A_3 : vector<10000x1xf32>
    %get3A_6 = arith.constant 1 : index
    %get3A_7 = arith.constant 0 : index
    %get3A_8 = arith.constant 0 : index
    %get3A_9 = vector.load %arg0[%get3A_6, %get3A_7, %get3A_8] : memref<2x10240x16xf32, #tpu.memory_space<vmem>>, vector<1x10000x1xf32>
    %get3A_10 = vector.shape_cast %get3A_9 : vector<1x10000x1xf32> to vector<10000x1xf32>
    %add3A_11 = arith.addf %add3A_5, %get3A_10 : vector<10000x1xf32>
    %rsqrt3A = math.rsqrt %add3A_11 : vector<10000x1xf32>
    %get3A_12 = arith.constant 0 : index
    %get3A_13 = arith.constant 0 : index
    %get3A_14 = vector.load %arg1[%get3A_12, %get3A_13] : memref<10000x128xf32, #tpu.memory_space<vmem>>, vector<10000x128xf32>
    %get3A_15 = arith.constant 0 : index
    %get3A_16 = arith.constant 0 : index
    %get3A_17 = vector.load %arg2[%get3A_15, %get3A_16] : memref<128x128xf32, #tpu.memory_space<vmem>>, vector<128x128xf32>
    %dot_general3A = arith.constant dense<0.000000e+00> : vector<10000x128xf32>
    %dot_general3A_18 = tpu.matmul %get3A_14, %get3A_17, %dot_general3A {dimension_numbers = #tpu.dot_dimension_numbers<[1], [0], [0], [1], [0, 0, 1, 1], [], []>, transpose_lhs_hint = false} : vector<10000x128xf32>, vector<128x128xf32>, vector<10000x128xf32> -> vector<10000x128xf32>
    %mul3A = vector.broadcast %rsqrt3A : vector<10000x1xf32> to vector<10000x128xf32>
    %mul3A_19 = arith.mulf %mul3A, %dot_general3A_18 : vector<10000x128xf32>
    %swap3A = arith.constant 0 : index
    %swap3A_20 = arith.constant 0 : index
    %swap3A_21 = vector.load %arg3[%swap3A, %swap3A_20] : memref<10000x128xf32, #tpu.memory_space<vmem>>, vector<10000x128xf32>
    tpu.vector_store %arg3[%swap3A, %swap3A_20], %mul3A_19 {strides = array<i32>} : memref<10000x128xf32, #tpu.memory_space<vmem>>, vector<10000x128xf32>,
    %swap3A_22 = arith.constant 0 : index
    %swap3A_23 = arith.constant 0 : index
    %swap3A_24 = vector.load %arg4[%swap3A_22, %swap3A_23] : memref<10000x1xf32, #tpu.memory_space<vmem>>, vector<10000x1xf32>
    tpu.vector_store %arg4[%swap3A_22, %swap3A_23], %rsqrt3A {strides = array<i32>} : memref<10000x1xf32, #tpu.memory_space<vmem>>, vector<10000x1xf32>,
    return
  }
}

module attributes {stable_mosaic.version = 14 : i64} {
  func.func @_tc_mid_body(%arg0: memref<2x10240x128xf32, #tpu.memory_space<vmem>>, %arg1: memref<10000x128xf32, #tpu.memory_space<vmem>>, %arg2: memref<10000x1xf32, #tpu.memory_space<vmem>>, %arg3: memref<1x128xf32, #tpu.memory_space<vmem>>, %arg4: memref<128x128xf32, #tpu.memory_space<vmem>>, %arg5: memref<10000x128xf32, #tpu.memory_space<vmem>>) attributes {dimension_semantics = [], scalar_prefetch = 0 : i64, scratch_operands = 0 : i64, tpu.core_type = #tpu.core_type<tc>} {
    %get3A = arith.constant 0 : index
    %get3A_0 = arith.constant 0 : index
    %get3A_1 = vector.load %arg2[%get3A, %get3A_0] : memref<10000x1xf32, #tpu.memory_space<vmem>>, vector<10000x1xf32>
    %get3A_2 = arith.constant 0 : index
    %get3A_3 = arith.constant 0 : index
    %get3A_4 = arith.constant 0 : index
    %get3A_5 = vector.load %arg0[%get3A_2, %get3A_3, %get3A_4] : memref<2x10240x128xf32, #tpu.memory_space<vmem>>, vector<1x10000x128xf32>
    %get3A_6 = vector.shape_cast %get3A_5 : vector<1x10000x128xf32> to vector<10000x128xf32>
    %get3A_7 = arith.constant 1 : index
    %get3A_8 = arith.constant 0 : index
    %get3A_9 = arith.constant 0 : index
    %get3A_10 = vector.load %arg0[%get3A_7, %get3A_8, %get3A_9] : memref<2x10240x128xf32, #tpu.memory_space<vmem>>, vector<1x10000x128xf32>
    %get3A_11 = vector.shape_cast %get3A_10 : vector<1x10000x128xf32> to vector<10000x128xf32>
    %add3A = arith.addf %get3A_6, %get3A_11 : vector<10000x128xf32>
    %get3A_12 = arith.constant 0 : index
    %get3A_13 = arith.constant 0 : index
    %get3A_14 = vector.load %arg1[%get3A_12, %get3A_13] : memref<10000x128xf32, #tpu.memory_space<vmem>>, vector<10000x128xf32>
    %add3A_15 = arith.addf %add3A, %get3A_14 : vector<10000x128xf32>
    %mul3A = vector.broadcast %get3A_1 : vector<10000x1xf32> to vector<10000x128xf32>
    %mul3A_16 = arith.mulf %mul3A, %add3A_15 : vector<10000x128xf32>
    %get3A_17 = arith.constant 0 : index
    %get3A_18 = arith.constant 0 : index
    %get3A_19 = vector.load %arg3[%get3A_17, %get3A_18] : memref<1x128xf32, #tpu.memory_space<vmem>>, vector<1x128xf32>
    %add3A_20 = vector.broadcast %get3A_19 : vector<1x128xf32> to vector<10000x128xf32>
    %add3A_21 = arith.addf %mul3A_16, %add3A_20 : vector<10000x128xf32>
    %max3A = arith.constant 0.000000e+00 : f32
    %max3A_22 = vector.broadcast %max3A : f32 to vector<10000x128xf32>
    %max3A_23 = arith.maximumf %add3A_21, %max3A_22 : vector<10000x128xf32>
    %get3A_24 = arith.constant 0 : index
    %get3A_25 = arith.constant 0 : index
    %get3A_26 = vector.load %arg4[%get3A_24, %get3A_25] : memref<128x128xf32, #tpu.memory_space<vmem>>, vector<128x128xf32>
    %dot_general3A = arith.constant dense<0.000000e+00> : vector<10000x128xf32>
    %dot_general3A_27 = tpu.matmul %max3A_23, %get3A_26, %dot_general3A {dimension_numbers = #tpu.dot_dimension_numbers<[1], [0], [0], [1], [0, 0, 1, 1], [], []>, transpose_lhs_hint = false} : vector<10000x128xf32>, vector<128x128xf32>, vector<10000x128xf32> -> vector<10000x128xf32>
    %mul3A_28 = vector.broadcast %get3A_1 : vector<10000x1xf32> to vector<10000x128xf32>
    %mul3A_29 = arith.mulf %mul3A_28, %dot_general3A_27 : vector<10000x128xf32>
    %swap3A = arith.constant 0 : index
    %swap3A_30 = arith.constant 0 : index
    %swap3A_31 = vector.load %arg5[%swap3A, %swap3A_30] : memref<10000x128xf32, #tpu.memory_space<vmem>>, vector<10000x128xf32>
    tpu.vector_store %arg5[%swap3A, %swap3A_30], %mul3A_29 {strides = array<i32>} : memref<10000x128xf32, #tpu.memory_space<vmem>>, vector<10000x128xf32>,
    return
  }
}

module attributes {stable_mosaic.version = 14 : i64} {
  func.func @_tc_final_body(%arg0: memref<2x10240x128xf32, #tpu.memory_space<vmem>>, %arg1: memref<10000x128xf32, #tpu.memory_space<vmem>>, %arg2: memref<10000x1xf32, #tpu.memory_space<vmem>>, %arg3: memref<1x128xf32, #tpu.memory_space<vmem>>, %arg4: memref<1x10000xi32, #tpu.memory_space<vmem>>, %arg5: memref<128x10xf32, #tpu.memory_space<vmem>>, %arg6: memref<1x10xf32, #tpu.memory_space<vmem>>, %arg7: memref<64x10xf32, #tpu.memory_space<vmem>>) attributes {dimension_semantics = [], scalar_prefetch = 0 : i64, scratch_operands = 0 : i64, tpu.core_type = #tpu.core_type<tc>} {
    %get3A = arith.constant 0 : index
    %get3A_0 = arith.constant 0 : index
    %get3A_1 = vector.load %arg2[%get3A, %get3A_0] : memref<10000x1xf32, #tpu.memory_space<vmem>>, vector<10000x1xf32>
    %get3A_2 = arith.constant 0 : index
    %get3A_3 = arith.constant 0 : index
    %get3A_4 = arith.constant 0 : index
    %get3A_5 = vector.load %arg0[%get3A_2, %get3A_3, %get3A_4] : memref<2x10240x128xf32, #tpu.memory_space<vmem>>, vector<1x10000x128xf32>
    %get3A_6 = vector.shape_cast %get3A_5 : vector<1x10000x128xf32> to vector<10000x128xf32>
    %get3A_7 = arith.constant 1 : index
    %get3A_8 = arith.constant 0 : index
    %get3A_9 = arith.constant 0 : index
    %get3A_10 = vector.load %arg0[%get3A_7, %get3A_8, %get3A_9] : memref<2x10240x128xf32, #tpu.memory_space<vmem>>, vector<1x10000x128xf32>
    %get3A_11 = vector.shape_cast %get3A_10 : vector<1x10000x128xf32> to vector<10000x128xf32>
    %add3A = arith.addf %get3A_6, %get3A_11 : vector<10000x128xf32>
    %get3A_12 = arith.constant 0 : index
    %get3A_13 = arith.constant 0 : index
    %get3A_14 = vector.load %arg1[%get3A_12, %get3A_13] : memref<10000x128xf32, #tpu.memory_space<vmem>>, vector<10000x128xf32>
    %add3A_15 = arith.addf %add3A, %get3A_14 : vector<10000x128xf32>
    %mul3A = vector.broadcast %get3A_1 : vector<10000x1xf32> to vector<10000x128xf32>
    %mul3A_16 = arith.mulf %mul3A, %add3A_15 : vector<10000x128xf32>
    %get3A_17 = arith.constant 0 : index
    %get3A_18 = arith.constant 0 : index
    %get3A_19 = vector.load %arg3[%get3A_17, %get3A_18] : memref<1x128xf32, #tpu.memory_space<vmem>>, vector<1x128xf32>
    %add3A_20 = vector.broadcast %get3A_19 : vector<1x128xf32> to vector<10000x128xf32>
    %add3A_21 = arith.addf %mul3A_16, %add3A_20 : vector<10000x128xf32>
    %iota3A = tpu.iota {dimensions = array<i32: 0>} : vector<64x10000xi32>
    %get3A_22 = arith.constant 0 : index
    %get3A_23 = arith.constant 0 : index
    %get3A_24 = vector.load %arg4[%get3A_22, %get3A_23] : memref<1x10000xi32, #tpu.memory_space<vmem>>, vector<1x10000xi32>
    %eq3A = vector.broadcast %get3A_24 : vector<1x10000xi32> to vector<64x10000xi32>
    %eq3A_25 = arith.cmpi eq, %eq3A, %iota3A : vector<64x10000xi32>
    %convert_element_type3A = arith.extui %eq3A_25 : vector<64x10000xi1> to vector<64x10000xi32>
    %convert_element_type3A_26 = arith.sitofp %convert_element_type3A : vector<64x10000xi32> to vector<64x10000xf32>
    %dot_general3A = arith.constant dense<0.000000e+00> : vector<64x128xf32>
    %dot_general3A_27 = tpu.matmul %convert_element_type3A_26, %add3A_21, %dot_general3A {dimension_numbers = #tpu.dot_dimension_numbers<[1], [0], [0], [1], [0, 0, 1, 1], [], []>, transpose_lhs_hint = false} : vector<64x10000xf32>, vector<10000x128xf32>, vector<64x128xf32> -> vector<64x128xf32>
    %reduce_sum3A = arith.constant dense<0.000000e+00> : vector<64xf32>
    %reduce_sum3A_28 = vector.multi_reduction <add>, %convert_element_type3A_26, %reduce_sum3A [1] : vector<64x10000xf32> to vector<64xf32>
    %broadcast_in_dim3A = vector.shape_cast %reduce_sum3A_28 : vector<64xf32> to vector<64x1xf32>
    %max3A = arith.constant 1.000000e+00 : f32
    %max3A_29 = vector.broadcast %max3A : f32 to vector<64x1xf32>
    %max3A_30 = arith.maximumf %broadcast_in_dim3A, %max3A_29 : vector<64x1xf32>
    %div3A = vector.broadcast %max3A_30 : vector<64x1xf32> to vector<64x128xf32>
    %div3A_31 = arith.divf %dot_general3A_27, %div3A : vector<64x128xf32>
    %get3A_32 = arith.constant 0 : index
    %get3A_33 = arith.constant 0 : index
    %get3A_34 = vector.load %arg5[%get3A_32, %get3A_33] : memref<128x10xf32, #tpu.memory_space<vmem>>, vector<128x10xf32>
    %dot_general3A_35 = arith.constant dense<0.000000e+00> : vector<64x10xf32>
    %dot_general3A_36 = tpu.matmul %div3A_31, %get3A_34, %dot_general3A_35 {dimension_numbers = #tpu.dot_dimension_numbers<[1], [0], [0], [1], [0, 0, 1, 1], [], []>, transpose_lhs_hint = false} : vector<64x128xf32>, vector<128x10xf32>, vector<64x10xf32> -> vector<64x10xf32>
    %get3A_37 = arith.constant 0 : index
    %get3A_38 = arith.constant 0 : index
    %get3A_39 = vector.load %arg6[%get3A_37, %get3A_38] : memref<1x10xf32, #tpu.memory_space<vmem>>, vector<1x10xf32>
    %add3A_40 = vector.broadcast %get3A_39 : vector<1x10xf32> to vector<64x10xf32>
    %add3A_41 = arith.addf %dot_general3A_36, %add3A_40 : vector<64x10xf32>
    %swap3A = arith.constant 0 : index
    %swap3A_42 = arith.constant 0 : index
    %swap3A_43 = vector.load %arg7[%swap3A, %swap3A_42] : memref<64x10xf32, #tpu.memory_space<vmem>>, vector<64x10xf32>
    tpu.vector_store %arg7[%swap3A, %swap3A_42], %add3A_41 {strides = array<i32>} : memref<64x10xf32, #tpu.memory_space<vmem>>, vector<64x10xf32>,
    return
  }
}

</mosaic_0001>

<sc_bundles>
// kernel: kernel.11.cloned.1.call-start
scs
__scs_entry_jumppad:
0x0: {  	(pc) =	sbr.rel $0x88, $3  }
0x1: {  	(tag) =	ssettag $0x0;
	lr =	simm.s32 $0x1  }
0x2: {  	[smem:$0x3F98] =	sst lr;
	_ =	strace $0xD0000000  }
0x3: {  	_ = 	snop  }
0x4: {  	_ = 	snop  }
0x5: {  	_ = 	snop  }
0x6: {  	_ = 	snop  }
0x7: {  	_ = 	snop  }
__scs_overlays_trampoline_lowered:
0x8: {  	[smem:$0x3FA7] =	sst s0  }
0x9: {  	[smem:$0x3FA8] =	sst s1  }
0xa: {  	[smem:$0x3FA9] =	sst s2  }
0xb: {  	[smem:$0x3FAA] =	sst s3  }
0xc: {  	[smem:$0x3FAB] =	sst s4  }
0xd: {  	[smem:$0x3FAC] =	sst s5  }
0xe: {  	[smem:$0x3FAD] =	sst s6  }
0xf: {  	[smem:$0x3FAE] =	sst s7  }
0x10: {  	[smem:$0x3FAF] =	sst s8  }
0x11: {  	[smem:$0x3FB0] =	sst s9;
	s0 =	simm.s32 @!p0 $0x0  }
0x12: {  	s1 =	sld [smem:$0x3F96];
	s0 =	simm.s32 @p0 $0x1  }
0x13: {  	[smem:$0x3FB1] =	sst s0;
	s0 =	simm.s32 @!p1 $0x0  }
0x14: {  	s2 =	sld [smem:$0x3F95];
	s0 =	simm.s32 @p1 $0x1  }
0x15: {  	[smem:$0x3FB2] =	sst s0;
	s0 =	simm.s32 @!p2 $0x0  }
0x16: {  	s3 =	sld [smem:$0x3FDB];
	s0 =	simm.s32 @p2 $0x1  }
0x17: {  	s4 =	simm.s32 $0x1BF5;
	[smem:$0x3FB4] =	sst s0  }
0x18: {  	s0 =	sld [smem:$0x3F97];
	_ =	swait.ge [sflag:s4], $0x0  }
0x19: {  	s7 =	sld [smem:$0x3F98]  }
0x1a: {  	s8 =	sadd.s32 $0xFFFFE003, lr  }
0x1b: {  	s9 =	sadd.s32 $0xFFFFFEF7, lr;
	s5 =	simm.s32 $0xFFFFFFFF;
	p2 =	slt.u32 s8, $0xFFFFF086  }
0x1c: {  	p1 =	slt.u32 s9, $0xF7A;
	s5 =	simm.s32 @!p2 $0x0  }
0x1d: {  	s5 =	simm.s32 @p1 $0x1;
	p0 =	seq.s32 s7, s2  }
0x1e: {  	s7 =	smul.u32 @!p0 $0xF7A, s2;
	p2 =	seq.s32 @!p0 s5, $0x0  }
0x1f: {  	s9 =	smul.u32 $0xF7A, s1;
	s8 =	simm.s32 @!p0 $0x1BF5;
	p2 =	por !p2, p0  }
0x20: {  	[sflag:s8] =	ssyncset.s32 @!p0 $0xFFFFF086;
	s6 =	sadd.s32 @!p0 s3, s7;
	s7 =	simm.s32 @!p0 $0x108  }
0x21: {  	s3 =	sadd.s32 s3, s9;
	s6 =	sadd.s32 @!p0 $0x88, s6;
	s7 =	simm.s32 @p2 $0x1082  }
0x22: {  	[simem:s7], [sflag:s8] =	dma.local @!p0 [hbm:s6], $0xF7A  }
0x23: {  	s9 =	sor.u32 $0xD0000000, s2;
	s6 =	simm.s32 $0x108;
	_ =	swait.ge @!p0 [sflag:s8], $0x0  }
0x24: {  	s3 =	sadd.s32 $0x88, s3;
	s6 =	simm.s32 @!p1 $0x1082;
	[sflag:s4] =	ssyncset.s32 $0xFFFFF086  }
0x25: {  	[simem:s6], [sflag:s4] =	dma.local [hbm:s3], $0xF7A  }
0x26: {  	[smem:$0x3F98] =	sst s1;
	(tag) =	ssettag s2;
	_ =	strace s9  }
0x27: {  	s1 =	sld [smem:$0x3FA8]  }
0x28: {  	s2 =	sld [smem:$0x3FA9]  }
0x29: {  	s4 =	sld [smem:$0x3FAB]  }
0x2a: {  	p0 =	seq.s32 s5, $0x0;
	s5 =	sld [smem:$0x3FAC]  }
0x2b: {  	s6 =	sld [smem:$0x3FAD]  }
0x2c: {  	s7 =	sld [smem:$0x3FAE]  }
0x2d: {  	s3 =	simm.s32 $0x108;
	s8 =	sld [smem:$0x3FAF]  }
0x2e: {  	s3 =	simm.s32 @!p0 $0x1082;
	s9 =	sld [smem:$0x3FB0]  }
0x2f: {  	lr =	sadd.s32 s0, s3;
	s0 =	sld [smem:$0x3FA7]  }
0x30: {  	s3 =	sld [smem:$0x3FAA]  }
0x31: {  	[smem:$0x3FB3] =	sst s10  }
0x32: {  	s10 =	sld [smem:$0x3FB1];
	_ =	sdelay $0x3  }
0x33: {  	p0 =	seq.s32 s10, $0x1;
	s10 =	sld [smem:$0x3FB3];
	_ =	sdelay $0x3  }
0x34: {  	[smem:$0x3FB3] =	sst s10  }
0x35: {  	s10 =	sld [smem:$0x3FB2];
	_ =	sdelay $0x3  }
0x36: {  	p1 =	seq.s32 s10, $0x1;
	s10 =	sld [smem:$0x3FB3];
	_ =	sdelay $0x3  }
0x37: {  	[smem:$0x3FB3] =	sst s10  }
0x38: {  	s10 =	sld [smem:$0x3FB4]  }
0x39: {  	_ = 	snop;
	(pc) =	sbr.ind lr, $3  }
0x3a: {  	_ = 	snop  }
0x3b: {  	_ = 	snop  }
0x3c: {  	p2 =	seq.s32 s10, $0x1;
	s10 =	sld [smem:$0x3FB3]  }
0x3d: {  	_ =	shalt  }
0x3e: {  	_ =	shalt  }
0x3f: {  	_ =	shalt  }
0x40: {  	_ =	shalt  }
0x41: {  	_ =	shalt  }
0x42: {  	_ =	shalt  }
0x43: {  	_ =	shalt  }
0x44: {  	_ =	shalt  }
0x45: {  	_ =	shalt  }
0x46: {  	_ =	shalt  }
0x47: {  	_ =	shalt  }
0x48: {  	_ =	shalt  }
0x49: {  	_ =	shalt  }
0x4a: {  	_ =	shalt  }
0x4b: {  	_ =	shalt  }
0x4c: {  	_ =	shalt  }
0x4d: {  	_ =	shalt  }
0x4e: {  	_ =	shalt  }
0x4f: {  	_ =	shalt  }
0x50: {  	_ =	shalt  }
0x51: {  	_ =	shalt  }
0x52: {  	_ =	shalt  }
0x53: {  	_ =	shalt  }
0x54: {  	_ =	shalt  }
0x55: {  	_ =	shalt  }
0x56: {  	_ =	shalt  }
0x57: {  	_ =	shalt  }
0x58: {  	_ =	shalt  }
0x59: {  	_ =	shalt  }
0x5a: {  	_ =	shalt  }
0x5b: {  	_ =	shalt  }
0x5c: {  	_ =	shalt  }
0x5d: {  	_ =	shalt  }
0x5e: {  	_ =	shalt  }
0x5f: {  	_ =	shalt  }
0x60: {  	_ =	shalt  }
0x61: {  	_ =	shalt  }
0x62: {  	_ =	shalt  }
0x63: {  	_ =	shalt  }
0x64: {  	_ =	shalt  }
0x65: {  	_ =	shalt  }
0x66: {  	_ =	shalt  }
0x67: {  	_ =	shalt  }
0x68: {  	_ =	shalt  }
0x69: {  	_ =	shalt  }
0x6a: {  	_ =	shalt  }
0x6b: {  	_ =	shalt  }
0x6c: {  	_ =	shalt  }
0x6d: {  	_ =	shalt  }
0x6e: {  	_ =	shalt  }
0x6f: {  	_ =	shalt  }
0x70: {  	_ =	shalt  }
0x71: {  	_ =	shalt  }
0x72: {  	_ =	shalt  }
0x73: {  	_ =	shalt  }
0x74: {  	_ =	shalt  }
0x75: {  	_ =	shalt  }
0x76: {  	_ =	shalt  }
0x77: {  	_ =	shalt  }
0x78: {  	_ =	shalt  }
0x79: {  	_ =	shalt  }
0x7a: {  	_ =	shalt  }
0x7b: {  	_ =	shalt  }
0x7c: {  	_ =	shalt  }
0x7d: {  	_ =	shalt  }
0x7e: {  	_ =	shalt  }
0x7f: {  	_ =	shalt  }
0x80: {  	_ =	shalt  }
0x81: {  	_ =	shalt  }
0x82: {  	_ =	shalt  }
0x83: {  	_ =	shalt  }
0x84: {  	_ =	shalt  }
0x85: {  	_ =	shalt  }
0x86: {  	_ =	shalt  }
0x87: {  	_ =	shalt  }
.Lfunc_end0:
.L_simem_size_0:
called_computation.1_lowered:
.L_overlay_start_0:
0x88: {  	s2 =	sld [smem:$0x3FD9]  }
0x89: {  	s3 =	sld [smem:$0x3FFE];
	_ =	sdelay $0x1  }
0x8a: {  	s1 =	srdreg.scid  }
0x8b: {  	s0 =	sand.u32 $0x1, s1  }
0x8c: {  	s16 =	sshll.u32 s0, $0xA;
	s2 =	sadd.s32 s3, s2  }
0x8d: {  	s2 =	sadd.s32 s2, s16  }
0x8e: {  	[smem:$0x3FBF] =	sst s2  }
0x8f: {  	_ = 	snop  }
0x90: {  	(tm) =	ssettm $0x1  }
0x91: {  	s17 =	sld [smem:$0x3FFB];
	_ =	sdelay $0x3  }
0x92: {  	_ =	strace s17  }
0x93: {  	s2 =	sld [smem:$0x3FFC];
	_ =	sdelay $0x3  }
0x94: {  	_ =	strace s2  }
0x95: {  	s2 =	sld [smem:$0x3FFD];
	_ =	sdelay $0x3  }
0x96: {  	_ =	strace s2  }
0x97: {  	_ =	strace $0x8FFFFFFF  }
0x98: {  	s18 =	sld [smem:$0x3FDB];
	_ =	sdelay $0x1  }
0x99: {  	s19 =	simm.s32 $_scs_section_size  }
0x9a: {  	s4 =	simm.s32 $_size__tile_overlayer_lowered;
	s5 =	simm.s32 $_tile_overlayer_lowered  }
0x9b: {  	s22 =	simm.s32 $0x1BFF;
	s21 =	sshll.u32 s5, $0x1;
	s2 =	sadd.s32 s19, s18  }
0x9c: {  	s6 =	simm.s32 $0x0;
	s20 =	sshll.u32 s4, $0x1;
	s4 =	sadd.s32 s21, s2  }
0x9d: {  	[timem:s6], [sflag:s22] =	dma.local [hbm:s4], s20  }
0x9e: {  	_ =	swait.ge [sflag:s22], s20  }
0x9f: {  	s3 =	ssub.s32 $0x0, s20;
	[sflag:s22] =	ssyncset.done $0x0  }
0xa0: {  	[sflag:s22] =	ssyncadd.s32 s3;
	_ =	sdelay $0x1  }
0xa1: {  	s23 =	simm.s32 $0x1B8B  }
0xa2: {  	_ =	swait.ge [sflag:s23], $0x1  }
0xa3: {  	[sflag:s23] =	ssyncset.done $0x0  }
0xa4: {  	s25 =	simm.s32 $0x1B8E;
	s24 =	sld [smem:$0x3FFE];
	[sflag:s23] =	ssyncadd.s32 $0xFFFFFFFF  }
0xa5: {  	s26 =	simm.s32 $execute0_lowered;
	[smem:$0x3FD2] =	sst s25  }
0xa6: {  	s4 =	sshll.u32 s26, $0x1;
	_ =	strace $0x80000049;
	[dreg:$0x1] =	wrdreg $0xFFFFFFFF  }
0xa7: {  	s28 =	simm.s32 $_size_execute0_lowered;
	s2 =	sadd.s32 s2, s4;
	[dreg:$0x0] =	wrdreg $0x0  }
0xa8: {  	s4 =	sshll.u32 s28, $0x1;
	[dreg:$0x2] =	wrdreg s2  }
0xa9: {  	[dreg:$0x3] =	wrdreg s4  }
0xaa: {  	[dreg:$0x4] =	wrdreg $0xC0  }
0xab: {  	_ =	task [dreg:s6], $0x5FFFF  }
0xac: {  	[dreg:$0x1] =	wrdreg $0xFFFFFFFF  }
0xad: {  	[dreg:$0x0] =	wrdreg $0x60  }
0xae: {  	[dreg:$0x2] =	wrdreg s24  }
0xaf: {  	[dreg:$0x3] =	wrdreg $0xA1000  }
0xb0: {  	[dreg:$0x4] =	wrdreg $0x9  }
0xb1: {  	_ =	task.clear_ibuf [dreg:s6], $0x5FFFF;
	_ =	strace $0x90000049  }
0xb2: {  	s29 =	simm.s32 $0x9;
	_ =	strace $0x8000004B  }
0xb3: {  	_ =	swait.ge [sflag:s29], $0x1  }
0xb4: {  	[sflag:s29] =	ssyncadd.s32 $0xFFFFFFFF  }
0xb5: {  	_ =	strace $0x9000004B  }
0xb6: {  	_ =	sfence  }
0xb7: {  	s30 =	sld [smem:$0x0];
	_ =	sdelay $0x2  }
0xb8: {  	s31 =	sshll.u32 s1, $0xD;
	s1 =	sshrl.u32 s1, $0x2  }
0xb9: {  	s3 =	sand.u32 $0x4000, s31;
	s1 =	sadd.s32 s1, s30  }
0xba: {  	s0 =	sor.u32 s3, s0;
	s1 =	sshll.u32 s1, $0x11  }
0xbb: {  	s0 =	sor.u32 s1, s0  }
0xbc: {  	s0 =	sadd.s32 $0x8F2B, s0  }
0xbd: {  	[sflag:s0] =	ssyncadd.remote.s32 $0x1  }
0xbe: {  	_ =	sfence.sel $0xFFFF  }
0xbf: {  	[dreg:$0x0] =	wrdreg $0xFFFFFFFF;
	(pc) =	sbr.abs _section_cstart, $3  }
0xc0: {  	[dreg:$0x1] =	wrdreg $0xFFFFFFFF  }
0xc1: {  	_ =	task.clear_ibuf [dreg:s6], $0x2FFFF;
	_ =	strace $0x9FFFFFFF  }
0xc2: {  	(tm) =	ssettm $0x7FFFFFFF  }
0xc3: {  	_ =	shalt  }
tec
execute0_lowered:
.L_overlay_start_1:
0x0: {  	(tag) =	ssettag $0x1  }
0x1: {  	s0 =	srdreg.scid  }
0x2: {  	s12 =	stileid.u32;
	s5 =	rddreg [dreg:$0x0]  }
0x3: {  	s2 =	rddreg [dreg:$0x1];
	s28 =	simm.s32 $0xB;
	s29 =	simm.s32 $0xA  }
0x4: {  	s30 =	simm.s32 $0x2780;
	s31 =	simm.s32 $0x50;
	s7 =	smul.u32 $0x14000, s12  }
0x5: {  	s0 =	sand.u32 $0x1, s0;
	s1 =	sshll.u32 s12, $0x1;
	s10 =	smul.u32 $0x50000, s12  }
0x6: {  	s3 =	sshrl.u32 s12, $0x2;
	s9 =	sadd.s32 $0x16C00, s5;
	s20 =	smul.u32 $0x7D00, s12  }
0x7: {  	s12 =	simm.s32 $0x9;
	s1 =	sor.u32 s0, s1;
	s4 =	smul.u32 $0x13C00, s3  }
0x8: {  	s3 =	simm.s32 $0x0;
	s25 =	smul.u32 $0x140000, s0;
	s26 =	ssub.s32 $0x2, s0  }
0x9: {  	s0 =	smul.u32 $0x3E80, s0;
	s24 =	sshll.u32 s1, $0x7;
	[smem:$0x7FF] =	sst s3  }
0xa: {  	s11 =	sshrl.u32 s26, $0x1;
	s1 =	smul.u32 $0x3E80, s1;
	s6 =	sand.u32 $0x380, s24  }
0xb: {  	_ =	strace $0x8000004A;
	s0 =	sadd.s32 s0, s20;
	s4 =	sor.u32 s4, s6  }
0xc: {  	s6 =	sadd.s32 s7, s25;
	s7 =	ssub.s32 s26, s11;
	s11 =	sshrl.u32 s10, $0x2  }
0xd: {  	s1 =	sshrl.u32 s1, $0x3;
	s26 =	sadd.s32 $0x300, s0;
	s10 =	simm.s32 $0x4  }
0xe: {  	s4 =	sshrl.u32 s4, $0x3;
	s6 =	sshrl.u32 s6, $0x3;
	s19 =	sadd.s32 s9, s1  }
0xf: {  	s25 =	smax.u32 s7, $0x1;
	s1 =	sadd.s32 $0x380, s0;
	[dreg:$0xa] =	wrdreg s19  }
0x10: {  	s8 =	sadd.s32 s4, s5;
	s22 =	sadd.s32 $0x10, s19;
	[dreg:$0x11] =	wrdreg s25  }
0x11: {  	s4 =	sadd.s32 $0x30400, s5;
	s23 =	sadd.s32 $0x20, s19;
	[dreg:$0xc] =	wrdreg s22  }
0x12: {  	s5 =	sadd.s32 s6, s5;
	s24 =	sadd.s32 $0x30, s19;
	[dreg:$0xd] =	wrdreg s23  }
0x13: {  	s6 =	sadd.s32 s11, s2;
	s8 =	sadd.s32 $0x26600, s8;
	[dreg:$0xe] =	wrdreg s24  }
0x14: {  	s0 =	sadd.s32 $0x280, s0;
	s13 =	sadd.s32 $0x2800, s6;
	[dreg:$0x3] =	wrdreg s8  }
0x15: {  	s7 =	simm.s32 $0x7;
	s14 =	sadd.s32 $0x5000, s6;
	[dreg:$0x4] =	wrdreg s13  }
0x16: {  	s1 =	sshrl.u32 s1, $0x3;
	s15 =	sadd.s32 $0x7800, s6;
	[dreg:$0x5] =	wrdreg s14  }
0x17: {  	s0 =	sshrl.u32 s0, $0x3;
	s16 =	sadd.s32 $0xA000, s6;
	[dreg:$0x6] =	wrdreg s15  }
0x18: {  	s25 =	simm.s32 $0x7900;
	s17 =	sadd.s32 $0xC800, s6;
	[dreg:$0x7] =	wrdreg s16  }
0x19: {  	s11 =	simm.s32 $0x3;
	s18 =	sadd.s32 $0xF000, s6;
	[dreg:$0x8] =	wrdreg s17  }
0x1a: {  	s21 =	sadd.s32 $0x11800, s6;
	s5 =	sadd.s32 $0x57600, s5;
	[dreg:$0x9] =	wrdreg s18  }
0x1b: {  	s23 =	sadd.s32 s0, s9;
	s0 =	simm.s32 $0x5100;
	[dreg:$0xb] =	wrdreg s21  }
0x1c: {  	s24 =	simm.s32 $0x2880;
	s8 =	sadd.s32 $0x40, s19;
	[dreg:$0x10] =	wrdreg s5  }
0x1d: {  	s5 =	sshrl.u32 s26, $0x3;
	s21 =	sadd.s32 s1, s9;
	s26 =	simm.s32 $0x2900  }
0x1e: {  	s1 =	simm.s32 $0x2800;
	s14 =	simm.s32 $0x5;
	s15 =	simm.s32 $0x6  }
0x1f: {  	s16 =	simm.s32 $0x0;
	[dreg:$0xf] =	wrdreg s8;
	s22 =	sadd.s32 s5, s9  }
0x20: {  	v0 =	vimm.f32 $0.0e+00;
	s5 =	simm.s32 $0x1;
	s8 =	simm.s32 $0x2;
	s9 =	simm.s32 $0x8  }
.LBB2_1:
0x21: {  	s13 =	rddreg [dreg:$0x3];
	s17 =	simm.s32 $0x80;
	s18 =	simm.s32 $0x400  }
0x22: {  	[tilespmem:s3], [sflag:$0xA] =	stream.strided.gather [hbm4b:s13+s17], $0x2780, s18, s17, $0x38;
	[tilespmem:$0x1E100] =	vst v63  }
0x23: {  	s17 =	simm.s32 $0x0;
	s18 =	simm.s32 $0x200  }
.LBB2_2:
0x24: {  	p0 =	sne.s32 s18, $0x9E00;
	[tilespmem:s17+$0x2970] =	vst v0  }
0x25: {  	[tilespmem:s17+$0x2900] =	vst v0  }
0x26: {  	[tilespmem:s17+$0x2910] =	vst v0  }
.Ltmp0:
0x27: {  	[tilespmem:s17+$0x2920] =	vst v0;
	(pc) =	sbr.rel @p0 .LBB2_2-.Ltmp0, $4  }
0x28: {  	[tilespmem:s17+$0x2930] =	vst v0  }
0x29: {  	[tilespmem:s17+$0x2940] =	vst v0  }
0x2a: {  	[tilespmem:s17+$0x2950] =	vst v0  }
0x2b: {  	[tilespmem:s17+$0x2960] =	vst v0;
	s17 =	sshra.s32 s18, $0x2;
	s18 =	sadd.s32 $0x200, s18  }
0x2c: {  	[tilespmem:s17+$0x2970] =	vst v0  }
0x2d: {  	[tilespmem:s17+$0x2900] =	vst v0  }
0x2e: {  	[tilespmem:s17+$0x2910] =	vst v0  }
0x2f: {  	[tilespmem:s17+$0x2920] =	vst v0  }
0x30: {  	[tilespmem:s17+$0x2930] =	vst v0  }
0x31: {  	[tilespmem:s17+$0x2940] =	vst v0  }
0x32: {  	[tilespmem:s17+$0x2950] =	vst v0  }
0x33: {  	[tilespmem:s17+$0x2960] =	vst v0  }
0x34: {  	[spmem:s6] =	stream.linear.scatter [tilespmem:s26], [sflag:$0xB], $0x2800, $0x38;
	[tilespmem:$0x1E100] =	vst v63  }
0x35: {  	_ =	swait.ge [sflag:s28], $0x2800  }
0x36: {  	[sflag:s28] =	ssyncset.done $0x0  }
0x37: {  	s13 =	rddreg [dreg:$0x4];
	[sflag:s28] =	ssyncadd.s32 $0xFFFFD800  }
0x38: {  	[spmem:s13] =	stream.linear.scatter [tilespmem:s26], [sflag:$0xB], $0x2800, $0x38;
	[tilespmem:$0x1E100] =	vst v63  }
0x39: {  	_ =	swait.ge [sflag:s28], $0x2800  }
0x3a: {  	[sflag:s28] =	ssyncset.done $0x0  }
0x3b: {  	s20 =	rddreg [dreg:$0x5];
	[sflag:s28] =	ssyncadd.s32 $0xFFFFD800  }
0x3c: {  	[spmem:s20] =	stream.linear.scatter [tilespmem:s26], [sflag:$0xB], $0x2800, $0x38;
	[tilespmem:$0x1E100] =	vst v63  }
0x3d: {  	_ =	swait.ge [sflag:s28], $0x2800  }
0x3e: {  	[sflag:s28] =	ssyncset.done $0x0  }
0x3f: {  	s17 =	rddreg [dreg:$0x6];
	[sflag:s28] =	ssyncadd.s32 $0xFFFFD800  }
0x40: {  	[spmem:s17] =	stream.linear.scatter [tilespmem:s26], [sflag:$0xB], $0x2800, $0x38;
	[tilespmem:$0x1E100] =	vst v63  }
0x41: {  	_ =	swait.ge [sflag:s28], $0x2800  }
0x42: {  	[sflag:s28] =	ssyncset.done $0x0  }
0x43: {  	s18 =	rddreg [dreg:$0x7];
	[sflag:s28] =	ssyncadd.s32 $0xFFFFD800  }
0x44: {  	[spmem:s18] =	stream.linear.scatter [tilespmem:s26], [sflag:$0xB], $0x2800, $0x38;
	[tilespmem:$0x1E100] =	vst v63  }
0x45: {  	_ =	swait.ge [sflag:s28], $0x2800  }
0x46: {  	[sflag:s28] =	ssyncset.done $0x0  }
0x47: {  	s19 =	rddreg [dreg:$0x8];
	[sflag:s28] =	ssyncadd.s32 $0xFFFFD800  }
0x48: {  	[spmem:s19] =	stream.linear.scatter [tilespmem:s26], [sflag:$0xB], $0x2800, $0x38;
	[tilespmem:$0x1E100] =	vst v63  }
0x49: {  	_ =	swait.ge [sflag:s28], $0x2800  }
0x4a: {  	[sflag:s28] =	ssyncset.done $0x0  }
0x4b: {  	s20 =	rddreg [dreg:$0x9];
	[sflag:s28] =	ssyncadd.s32 $0xFFFFD800  }
0x4c: {  	[spmem:s20] =	stream.linear.scatter [tilespmem:s26], [sflag:$0xB], $0x2800, $0x38;
	[tilespmem:$0x1E100] =	vst v63  }
0x4d: {  	_ =	swait.ge [sflag:s28], $0x2800  }
0x4e: {  	[sflag:s28] =	ssyncset.done $0x0  }
0x4f: {  	s17 =	rddreg [dreg:$0xb];
	[sflag:s28] =	ssyncadd.s32 $0xFFFFD800  }
0x50: {  	[spmem:s17] =	stream.linear.scatter [tilespmem:s26], [sflag:$0xB], $0x2800, $0x38;
	[tilespmem:$0x1E100] =	vst v63  }
0x51: {  	_ =	swait.ge [sflag:s28], $0x2800  }
0x52: {  	[sflag:s28] =	ssyncset.done $0x0  }
0x53: {  	[sflag:s28] =	ssyncadd.s32 $0xFFFFD800  }
0x54: {  	[bflag:$0x0] =	sbarrier.arrive $0xFFFF  }
0x55: {  	_ =	swait.ge [sflag:s29], $0x2780  }
0x56: {  	[sflag:s29] =	ssyncset.done $0x0  }
0x57: {  	s17 =	simm.s32 $0x0;
	s18 =	rddreg [dreg:$0xa];
	[sflag:s29] =	ssyncadd.s32 $0xFFFFD880  }
0x58: {  	[tilespmem:s30], [sflag:$0x7] =	stream.linear.gather [hbm4b:s18+s17], $0x80, $0x38;
	[tilespmem:$0x1E100] =	vst v63  }
0x59: {  	_ = 	snop  }
0x5a: {  	[tilespmem:s26], [sflag:$0x1] =	stream.indirect.gather [hbm4b:s4+s31], $0x80, s17, s31, $0xb8;
	[tilespmem:$0x1E100] =	vst v63  }
0x5b: {  	s19 =	rddreg [dreg:$0xc]  }
0x5c: {  	[tilespmem:s1], [sflag:$0x8] =	stream.linear.gather [hbm4b:s19+s17], $0x80, $0x38;
	[tilespmem:$0x1E100] =	vst v63  }
0x5d: {  	_ = 	snop  }
0x5e: {  	[tilespmem:s0], [sflag:$0x2] =	stream.indirect.gather [hbm4b:s4+s31], $0x80, s31, s31, $0xb8;
	[tilespmem:$0x1E100] =	vst v63  }
0x5f: {  	s20 =	rddreg [dreg:$0xd]  }
0x60: {  	[tilespmem:s24], [sflag:$0x9] =	stream.linear.gather [hbm4b:s20+s17], $0x80, $0x38;
	[tilespmem:$0x1E100] =	vst v63  }
0x61: {  	s18 =	simm.s32 $0xA0  }
0x62: {  	[tilespmem:s25], [sflag:$0x3] =	stream.indirect.gather [hbm4b:s4+s31], $0x80, s18, s31, $0xb8;
	[tilespmem:$0x1E100] =	vst v63  }
0x63: {  	_ =	swait.ge [sflag:s5], $0x2800  }
0x64: {  	[sflag:s5] =	ssyncset.done $0x0  }
0x65: {  	[sflag:s5] =	ssyncadd.s32 $0xFFFFD800  }
0x66: {  	_ =	swait.ge [sflag:s7], $0x80  }
0x67: {  	[sflag:s7] =	ssyncset.done $0x0  }
0x68: {  	[sflag:s7] =	ssyncadd.s32 $0xFFFFFF80  }
0x69: {  	[spmem:s2] =	stream.indirect.scatter.add.f32 [tilespmem:s26], [sflag:$0x4], $0x80, s30, s31, $0xb8;
	[tilespmem:$0x1E100] =	vst v63  }
0x6a: {  	_ =	swait.ge [sflag:s8], $0x2800  }
0x6b: {  	[sflag:s8] =	ssyncset.done $0x0  }
0x6c: {  	[sflag:s8] =	ssyncadd.s32 $0xFFFFD800  }
0x6d: {  	_ =	swait.ge [sflag:s9], $0x80  }
0x6e: {  	[sflag:s9] =	ssyncset.done $0x0  }
0x6f: {  	[sflag:s9] =	ssyncadd.s32 $0xFFFFFF80  }
0x70: {  	[spmem:s2] =	stream.indirect.scatter.add.f32 [tilespmem:s0], [sflag:$0x5], $0x80, s1, s31, $0xb8;
	[tilespmem:$0x1E100] =	vst v63  }
0x71: {  	_ =	swait.ge [sflag:s10], $0x2800  }
0x72: {  	[sflag:s10] =	ssyncset.done $0x0  }
0x73: {  	s19 =	rddreg [dreg:$0xe];
	[sflag:s10] =	ssyncadd.s32 $0xFFFFD800  }
0x74: {  	[tilespmem:s30], [sflag:$0x7] =	stream.linear.gather [hbm4b:s19+s17], $0x80, $0x38;
	[tilespmem:$0x1E100] =	vst v63  }
0x75: {  	s20 =	simm.s32 $0xF0  }
0x76: {  	[tilespmem:s26], [sflag:$0x1] =	stream.indirect.gather [hbm4b:s4+s31], $0x80, s20, s31, $0xb8;
	[tilespmem:$0x1E100] =	vst v63  }
0x77: {  	_ =	swait.ge [sflag:s11], $0x2800  }
0x78: {  	[sflag:s11] =	ssyncset.done $0x0  }
0x79: {  	[sflag:s11] =	ssyncadd.s32 $0xFFFFD800  }
0x7a: {  	_ =	swait.ge [sflag:s12], $0x80  }
0x7b: {  	[sflag:s12] =	ssyncset.done $0x0  }
0x7c: {  	[sflag:s12] =	ssyncadd.s32 $0xFFFFFF80  }
0x7d: {  	[spmem:s2] =	stream.indirect.scatter.add.f32 [tilespmem:s25], [sflag:$0x6], $0x80, s24, s31, $0xb8;
	[tilespmem:$0x1E100] =	vst v63  }
0x7e: {  	_ =	swait.ge [sflag:s14], $0x2800  }
0x7f: {  	[sflag:s14] =	ssyncset.done $0x0  }
0x80: {  	s18 =	rddreg [dreg:$0xf];
	[sflag:s14] =	ssyncadd.s32 $0xFFFFD800  }
0x81: {  	[tilespmem:s1], [sflag:$0x8] =	stream.linear.gather [hbm4b:s18+s17], $0x80, $0x38;
	[tilespmem:$0x1E100] =	vst v63  }
0x82: {  	s19 =	simm.s32 $0x140  }
0x83: {  	[tilespmem:s0], [sflag:$0x2] =	stream.indirect.gather [hbm4b:s4+s31], $0x80, s19, s31, $0xb8;
	[tilespmem:$0x1E100] =	vst v63  }
0x84: {  	_ =	swait.ge [sflag:s5], $0x2800  }
0x85: {  	[sflag:s5] =	ssyncset.done $0x0  }
0x86: {  	[sflag:s5] =	ssyncadd.s32 $0xFFFFD800  }
0x87: {  	_ =	swait.ge [sflag:s7], $0x80  }
0x88: {  	[sflag:s7] =	ssyncset.done $0x0  }
0x89: {  	[sflag:s7] =	ssyncadd.s32 $0xFFFFFF80  }
0x8a: {  	[spmem:s2] =	stream.indirect.scatter.add.f32 [tilespmem:s26], [sflag:$0x4], $0x80, s30, s31, $0xb8;
	[tilespmem:$0x1E100] =	vst v63  }
0x8b: {  	_ =	swait.ge [sflag:s15], $0x2800  }
0x8c: {  	[sflag:s15] =	ssyncset.done $0x0  }
0x8d: {  	s20 =	sadd.s32 $0x0, s23;
	[sflag:s15] =	ssyncadd.s32 $0xFFFFD800  }
0x8e: {  	[tilespmem:s24], [sflag:$0x9] =	stream.linear.gather [hbm4b:s20+s3], $0x80, $0x38;
	[tilespmem:$0x1E100] =	vst v63  }
0x8f: {  	s13 =	simm.s32 $0x190  }
0x90: {  	[tilespmem:s25], [sflag:$0x3] =	stream.indirect.gather [hbm4b:s4+s31], $0x80, s13, s31, $0xb8;
	[tilespmem:$0x1E100] =	vst v63  }
0x91: {  	_ =	swait.ge [sflag:s8], $0x2800  }
0x92: {  	[sflag:s8] =	ssyncset.done $0x0  }
0x93: {  	[sflag:s8] =	ssyncadd.s32 $0xFFFFD800  }
0x94: {  	_ =	swait.ge [sflag:s9], $0x80  }
0x95: {  	[sflag:s9] =	ssyncset.done $0x0  }
0x96: {  	[sflag:s9] =	ssyncadd.s32 $0xFFFFFF80  }
0x97: {  	[spmem:s2] =	stream.indirect.scatter.add.f32 [tilespmem:s0], [sflag:$0x5], $0x80, s1, s31, $0xb8;
	[tilespmem:$0x1E100] =	vst v63  }
0x98: {  	_ =	swait.ge [sflag:s10], $0x2800  }
0x99: {  	[sflag:s10] =	ssyncset.done $0x0  }
0x9a: {  	s18 =	sadd.s32 $0x0, s22;
	[sflag:s10] =	ssyncadd.s32 $0xFFFFD800  }
0x9b: {  	[tilespmem:s30], [sflag:$0x7] =	stream.linear.gather [hbm4b:s18+s3], $0x80, $0x38;
	[tilespmem:$0x1E100] =	vst v63  }
0x9c: {  	s19 =	simm.s32 $0x1E0  }
0x9d: {  	[tilespmem:s26], [sflag:$0x1] =	stream.indirect.gather [hbm4b:s4+s31], $0x80, s19, s31, $0xb8;
	[tilespmem:$0x1E100] =	vst v63  }
0x9e: {  	_ =	swait.ge [sflag:s11], $0x2800  }
0x9f: {  	[sflag:s11] =	ssyncset.done $0x0  }
0xa0: {  	[sflag:s11] =	ssyncadd.s32 $0xFFFFD800  }
0xa1: {  	_ =	swait.ge [sflag:s12], $0x80  }
0xa2: {  	[sflag:s12] =	ssyncset.done $0x0  }
0xa3: {  	[sflag:s12] =	ssyncadd.s32 $0xFFFFFF80  }
0xa4: {  	[spmem:s2] =	stream.indirect.scatter.add.f32 [tilespmem:s25], [sflag:$0x6], $0x80, s24, s31, $0xb8;
	[tilespmem:$0x1E100] =	vst v63  }
0xa5: {  	_ =	swait.ge [sflag:s14], $0x2800  }
0xa6: {  	s17 =	simm.s32 $0x230;
	s20 =	sadd.s32 $0x0, s21;
	[sflag:s14] =	ssyncset.done $0x0  }
0xa7: {  	s18 =	simm.s32 $0x30;
	s19 =	simm.s32 $0x320;
	[sflag:s14] =	ssyncadd.s32 $0xFFFFD800  }
0xa8: {  	[tilespmem:s1], [sflag:$0x8] =	stream.linear.gather [hbm4b:s20+s3], $0x80, $0x38;
	[tilespmem:$0x1E100] =	vst v63  }
.LBB2_4:
0xa9: {  	[tilespmem:s0], [sflag:$0x2] =	stream.indirect.gather [hbm4b:s4+s31], $0x80, s17, s31, $0xb8;
	[tilespmem:$0x1E100] =	vst v63  }
0xaa: {  	s20 =	smov.u32 s18;
	s17 =	smov.u32 s19  }
0xab: {  	p0 =	sne.s32 s18, $0x750;
	s18 =	sadd.s32 $0x30, s18;
	_ =	swait.ge [sflag:s5], $0x2800  }
0xac: {  	[sflag:s5] =	ssyncset.done $0x0  }
0xad: {  	[sflag:s5] =	ssyncadd.s32 $0xFFFFD800  }
0xae: {  	_ =	swait.ge [sflag:s7], $0x80  }
0xaf: {  	[sflag:s7] =	ssyncset.done $0x0  }
0xb0: {  	[sflag:s7] =	ssyncadd.s32 $0xFFFFFF80  }
0xb1: {  	[spmem:s2] =	stream.indirect.scatter.add.f32 [tilespmem:s26], [sflag:$0x4], $0x80, s30, s31, $0xb8;
	[tilespmem:$0x1E100] =	vst v63  }
0xb2: {  	_ =	swait.ge [sflag:s15], $0x2800  }
0xb3: {  	[sflag:s15] =	ssyncset.done $0x0  }
0xb4: {  	s13 =	sadd.s32 s20, s23;
	[sflag:s15] =	ssyncadd.s32 $0xFFFFD800  }
0xb5: {  	[tilespmem:s24], [sflag:$0x9] =	stream.linear.gather [hbm4b:s13+s3], $0x80, $0x38;
	[tilespmem:$0x1E100] =	vst v63  }
0xb6: {  	s13 =	sadd.s32 $0xFFFFFF60, s19  }
0xb7: {  	[tilespmem:s25], [sflag:$0x3] =	stream.indirect.gather [hbm4b:s4+s31], $0x80, s13, s31, $0xb8;
	[tilespmem:$0x1E100] =	vst v63  }
0xb8: {  	_ =	swait.ge [sflag:s8], $0x2800  }
0xb9: {  	[sflag:s8] =	ssyncset.done $0x0  }
0xba: {  	[sflag:s8] =	ssyncadd.s32 $0xFFFFD800  }
0xbb: {  	_ =	swait.ge [sflag:s9], $0x80  }
0xbc: {  	[sflag:s9] =	ssyncset.done $0x0  }
0xbd: {  	[sflag:s9] =	ssyncadd.s32 $0xFFFFFF80  }
0xbe: {  	[spmem:s2] =	stream.indirect.scatter.add.f32 [tilespmem:s0], [sflag:$0x5], $0x80, s1, s31, $0xb8;
	[tilespmem:$0x1E100] =	vst v63  }
0xbf: {  	_ =	swait.ge [sflag:s10], $0x2800  }
0xc0: {  	[sflag:s10] =	ssyncset.done $0x0  }
0xc1: {  	s13 =	sadd.s32 s20, s22;
	[sflag:s10] =	ssyncadd.s32 $0xFFFFD800  }
0xc2: {  	[tilespmem:s30], [sflag:$0x7] =	stream.linear.gather [hbm4b:s13+s3], $0x80, $0x38;
	[tilespmem:$0x1E100] =	vst v63  }
0xc3: {  	s13 =	sadd.s32 $0xFFFFFFB0, s19  }
0xc4: {  	[tilespmem:s26], [sflag:$0x1] =	stream.indirect.gather [hbm4b:s4+s31], $0x80, s13, s31, $0xb8;
	[tilespmem:$0x1E100] =	vst v63  }
0xc5: {  	_ =	swait.ge [sflag:s11], $0x2800  }
0xc6: {  	[sflag:s11] =	ssyncset.done $0x0  }
0xc7: {  	[sflag:s11] =	ssyncadd.s32 $0xFFFFD800  }
0xc8: {  	_ =	swait.ge [sflag:s12], $0x80  }
0xc9: {  	[sflag:s12] =	ssyncset.done $0x0  }
0xca: {  	[sflag:s12] =	ssyncadd.s32 $0xFFFFFF80  }
0xcb: {  	[spmem:s2] =	stream.indirect.scatter.add.f32 [tilespmem:s25], [sflag:$0x6], $0x80, s24, s31, $0xb8;
	[tilespmem:$0x1E100] =	vst v63  }
.Ltmp1:
0xcc: {  	_ =	swait.ge [sflag:s14], $0x2800;
	(pc) =	sbr.rel @p0 .LBB2_4-.Ltmp1, $4  }
0xcd: {  	[sflag:s14] =	ssyncset.done $0x0  }
0xce: {  	s13 =	sadd.s32 s20, s21;
	[sflag:s14] =	ssyncadd.s32 $0xFFFFD800  }
0xcf: {  	[tilespmem:s1], [sflag:$0x8] =	stream.linear.gather [hbm4b:s13+s3], $0x80, $0x38;
	[tilespmem:$0x1E100] =	vst v63  }
0xd0: {  	s19 =	sadd.s32 $0xF0, s19  }
0xd1: {  	[tilespmem:s0], [sflag:$0x2] =	stream.indirect.gather [hbm4b:s4+s31], $0x80, s17, s31, $0xb8;
	[tilespmem:$0x1E100] =	vst v63  }
0xd2: {  	_ =	swait.ge [sflag:s5], $0x2800  }
0xd3: {  	[sflag:s5] =	ssyncset.done $0x0  }
0xd4: {  	[sflag:s5] =	ssyncadd.s32 $0xFFFFD800  }
0xd5: {  	_ =	swait.ge [sflag:s7], $0x80  }
0xd6: {  	[sflag:s7] =	ssyncset.done $0x0  }
0xd7: {  	[sflag:s7] =	ssyncadd.s32 $0xFFFFFF80  }
0xd8: {  	[spmem:s2] =	stream.indirect.scatter.add.f32 [tilespmem:s26], [sflag:$0x4], $0x80, s30, s31, $0xb8;
	[tilespmem:$0x1E100] =	vst v63  }
0xd9: {  	_ =	swait.ge [sflag:s8], $0x2800  }
0xda: {  	[sflag:s8] =	ssyncset.done $0x0  }
0xdb: {  	[sflag:s8] =	ssyncadd.s32 $0xFFFFD800  }
0xdc: {  	_ =	swait.ge [sflag:s9], $0x80  }
0xdd: {  	[sflag:s9] =	ssyncset.done $0x0  }
0xde: {  	[sflag:s9] =	ssyncadd.s32 $0xFFFFFF80  }
0xdf: {  	[spmem:s2] =	stream.indirect.scatter.add.f32 [tilespmem:s0], [sflag:$0x5], $0x80, s1, s31, $0xb8;
	[tilespmem:$0x1E100] =	vst v63  }
0xe0: {  	_ =	swait.ge [sflag:s15], $0x2800  }
0xe1: {  	[sflag:s15] =	ssyncset.done $0x0  }
0xe2: {  	[sflag:s15] =	ssyncadd.s32 $0xFFFFD800  }
0xe3: {  	_ =	swait.ge [sflag:s10], $0x2800  }
0xe4: {  	[sflag:s10] =	ssyncset.done $0x0  }
0xe5: {  	[sflag:s10] =	ssyncadd.s32 $0xFFFFD800  }
0xe6: {  	_ =	swait.ge [sflag:s14], $0x2800  }
0xe7: {  	[sflag:s14] =	ssyncset.done $0x0  }
0xe8: {  	s13 =	stileid.u32;
	[sflag:s14] =	ssyncadd.s32 $0xFFFFD800  }
0xe9: {  	s13 =	sshll.u32 s13, $0x6;
	[bflag:$0x0] =	sbarrier.arrive $0xFFFF  }
0xea: {  	s19 =	sshrl.u32 s6, $0x3;
	s13 =	sor.u32 $0x1C0B, s13;
	s18 =	rddreg [dreg:$0x10]  }
0xeb: {  	[hbm:s18], [sflag:s13] =	dma.local [spmem:s19], $0x2800  }
0xec: {  	_ =	swait.ge [sflag:s28], $0x2800  }
0xed: {  	s16 =	sadd.s32 $0x1, s16;
	s20 =	rddreg [dreg:$0x11]  }
0xee: {  	p0 =	sne.s32 s16, s20  }
.Ltmp2:
0xef: {  	_ = 	snop;
	(pc) =	sbr.rel @p0 .LBB2_1-.Ltmp2, $3  }
0xf0: {  	_ =	sdelay $0x1  }
0xf1: {  	[sflag:s28] =	ssyncset.done $0x0  }
0xf2: {  	[sflag:s28] =	ssyncadd.s32 $0xFFFFD800  }
0xf3: {  	_ =	sfence.sel $0x180000  }
0xf4: {  	[bflag:$0x0] =	sbarrier.arrive $0xFFFF  }
0xf5: {  	_ =	strace $0x9000004A  }
0xf6: {  	s0 =	stileid.u32;
	[bflag:$0x2] =	sbarrier.arrive $0xFFFF  }
0xf7: {  	p0 =	sne.s32 s0, $0x0;
	s0 =	rddreg [dreg:$0x2]  }
0xf8: {  	s0 =	sadd.s32 @!p0 $0x100000, s0  }
0xf9: {  	[sflag:s0] =	ssyncadd.tile.s32 @!p0 $0x1;
	_ =	shalt  }
.Lfunc_end2:
_tile_overlayer_lowered:
.L_overlay_start_2:
0xfa: {  	(tag) =	ssettag $0x2  }
0xfb: {  	s0 =	rddreg [dreg:$0x0];
	s2 =	stileid.u32  }
0xfc: {  	s1 =	rddreg [dreg:$0x1];
	p0 =	sne.s32 s2, $0x0  }
0xfd: {  	s3 =	rddreg [dreg:$0x2];
	[bflag:$0x3] =	sbarrier.arrive $0xFFFF;
	s2 =	simm.s32 @!p0 $0x1C0B  }
0xfe: {  	[timem:s3], [sflag:s2] =	dma.local @!p0 [hbm:s0], s1  }
0xff: {  	s0 =	simm.s32 @!p0 $0xB  }
0x100: {  	_ =	swait.ge @!p0 [sflag:s0], s1  }
0x101: {  	s1 =	ssub.s32 @!p0 $0x0, s1;
	[sflag:s0] =	ssyncset.done @!p0 $0x0  }
0x102: {  	[sflag:s0] =	ssyncadd.s32 @!p0 s1  }
0x103: {  	[bflag:$0x3] =	sbarrier.arrive $0xFFFF  }
0x104: {  	_ =	shalt  }

// kernel: kernel.14.cloned.1.call-start
scs
__scs_entry_jumppad:
0x0: {  	(pc) =	sbr.rel $0x88, $3  }
0x1: {  	(tag) =	ssettag $0x0;
	lr =	simm.s32 $0x1  }
0x2: {  	[smem:$0x3F98] =	sst lr;
	_ =	strace $0xD0000000  }
0x3: {  	_ = 	snop  }
0x4: {  	_ = 	snop  }
0x5: {  	_ = 	snop  }
0x6: {  	_ = 	snop  }
0x7: {  	_ = 	snop  }
__scs_overlays_trampoline_lowered:
0x8: {  	[smem:$0x3FA7] =	sst s0  }
0x9: {  	[smem:$0x3FA8] =	sst s1  }
0xa: {  	[smem:$0x3FA9] =	sst s2  }
0xb: {  	[smem:$0x3FAA] =	sst s3  }
0xc: {  	[smem:$0x3FAB] =	sst s4  }
0xd: {  	[smem:$0x3FAC] =	sst s5  }
0xe: {  	[smem:$0x3FAD] =	sst s6  }
0xf: {  	[smem:$0x3FAE] =	sst s7  }
0x10: {  	[smem:$0x3FAF] =	sst s8  }
0x11: {  	[smem:$0x3FB0] =	sst s9;
	s0 =	simm.s32 @!p0 $0x0  }
0x12: {  	s1 =	sld [smem:$0x3F96];
	s0 =	simm.s32 @p0 $0x1  }
0x13: {  	[smem:$0x3FB1] =	sst s0;
	s0 =	simm.s32 @!p1 $0x0  }
0x14: {  	s2 =	sld [smem:$0x3F95];
	s0 =	simm.s32 @p1 $0x1  }
0x15: {  	[smem:$0x3FB2] =	sst s0;
	s0 =	simm.s32 @!p2 $0x0  }
0x16: {  	s3 =	sld [smem:$0x3FDB];
	s0 =	simm.s32 @p2 $0x1  }
0x17: {  	s4 =	simm.s32 $0x1BF5;
	[smem:$0x3FB4] =	sst s0  }
0x18: {  	s0 =	sld [smem:$0x3F97];
	_ =	swait.ge [sflag:s4], $0x0  }
0x19: {  	s7 =	sld [smem:$0x3F98]  }
0x1a: {  	s8 =	sadd.s32 $0xFFFFE003, lr  }
0x1b: {  	s9 =	sadd.s32 $0xFFFFFEF7, lr;
	s5 =	simm.s32 $0xFFFFFFFF;
	p2 =	slt.u32 s8, $0xFFFFF086  }
0x1c: {  	p1 =	slt.u32 s9, $0xF7A;
	s5 =	simm.s32 @!p2 $0x0  }
0x1d: {  	s5 =	simm.s32 @p1 $0x1;
	p0 =	seq.s32 s7, s2  }
0x1e: {  	s7 =	smul.u32 @!p0 $0xF7A, s2;
	p2 =	seq.s32 @!p0 s5, $0x0  }
0x1f: {  	s9 =	smul.u32 $0xF7A, s1;
	s8 =	simm.s32 @!p0 $0x1BF5;
	p2 =	por !p2, p0  }
0x20: {  	[sflag:s8] =	ssyncset.s32 @!p0 $0xFFFFF086;
	s6 =	sadd.s32 @!p0 s3, s7;
	s7 =	simm.s32 @!p0 $0x108  }
0x21: {  	s3 =	sadd.s32 s3, s9;
	s6 =	sadd.s32 @!p0 $0x88, s6;
	s7 =	simm.s32 @p2 $0x1082  }
0x22: {  	[simem:s7], [sflag:s8] =	dma.local @!p0 [hbm:s6], $0xF7A  }
0x23: {  	s9 =	sor.u32 $0xD0000000, s2;
	s6 =	simm.s32 $0x108;
	_ =	swait.ge @!p0 [sflag:s8], $0x0  }
0x24: {  	s3 =	sadd.s32 $0x88, s3;
	s6 =	simm.s32 @!p1 $0x1082;
	[sflag:s4] =	ssyncset.s32 $0xFFFFF086  }
0x25: {  	[simem:s6], [sflag:s4] =	dma.local [hbm:s3], $0xF7A  }
0x26: {  	[smem:$0x3F98] =	sst s1;
	(tag) =	ssettag s2;
	_ =	strace s9  }
0x27: {  	s1 =	sld [smem:$0x3FA8]  }
0x28: {  	s2 =	sld [smem:$0x3FA9]  }
0x29: {  	s4 =	sld [smem:$0x3FAB]  }
0x2a: {  	p0 =	seq.s32 s5, $0x0;
	s5 =	sld [smem:$0x3FAC]  }
0x2b: {  	s6 =	sld [smem:$0x3FAD]  }
0x2c: {  	s7 =	sld [smem:$0x3FAE]  }
0x2d: {  	s3 =	simm.s32 $0x108;
	s8 =	sld [smem:$0x3FAF]  }
0x2e: {  	s3 =	simm.s32 @!p0 $0x1082;
	s9 =	sld [smem:$0x3FB0]  }
0x2f: {  	lr =	sadd.s32 s0, s3;
	s0 =	sld [smem:$0x3FA7]  }
0x30: {  	s3 =	sld [smem:$0x3FAA]  }
0x31: {  	[smem:$0x3FB3] =	sst s10  }
0x32: {  	s10 =	sld [smem:$0x3FB1];
	_ =	sdelay $0x3  }
0x33: {  	p0 =	seq.s32 s10, $0x1;
	s10 =	sld [smem:$0x3FB3];
	_ =	sdelay $0x3  }
0x34: {  	[smem:$0x3FB3] =	sst s10  }
0x35: {  	s10 =	sld [smem:$0x3FB2];
	_ =	sdelay $0x3  }
0x36: {  	p1 =	seq.s32 s10, $0x1;
	s10 =	sld [smem:$0x3FB3];
	_ =	sdelay $0x3  }
0x37: {  	[smem:$0x3FB3] =	sst s10  }
0x38: {  	s10 =	sld [smem:$0x3FB4]  }
0x39: {  	_ = 	snop;
	(pc) =	sbr.ind lr, $3  }
0x3a: {  	_ = 	snop  }
0x3b: {  	_ = 	snop  }
0x3c: {  	p2 =	seq.s32 s10, $0x1;
	s10 =	sld [smem:$0x3FB3]  }
0x3d: {  	_ =	shalt  }
0x3e: {  	_ =	shalt  }
0x3f: {  	_ =	shalt  }
0x40: {  	_ =	shalt  }
0x41: {  	_ =	shalt  }
0x42: {  	_ =	shalt  }
0x43: {  	_ =	shalt  }
0x44: {  	_ =	shalt  }
0x45: {  	_ =	shalt  }
0x46: {  	_ =	shalt  }
0x47: {  	_ =	shalt  }
0x48: {  	_ =	shalt  }
0x49: {  	_ =	shalt  }
0x4a: {  	_ =	shalt  }
0x4b: {  	_ =	shalt  }
0x4c: {  	_ =	shalt  }
0x4d: {  	_ =	shalt  }
0x4e: {  	_ =	shalt  }
0x4f: {  	_ =	shalt  }
0x50: {  	_ =	shalt  }
0x51: {  	_ =	shalt  }
0x52: {  	_ =	shalt  }
0x53: {  	_ =	shalt  }
0x54: {  	_ =	shalt  }
0x55: {  	_ =	shalt  }
0x56: {  	_ =	shalt  }
0x57: {  	_ =	shalt  }
0x58: {  	_ =	shalt  }
0x59: {  	_ =	shalt  }
0x5a: {  	_ =	shalt  }
0x5b: {  	_ =	shalt  }
0x5c: {  	_ =	shalt  }
0x5d: {  	_ =	shalt  }
0x5e: {  	_ =	shalt  }
0x5f: {  	_ =	shalt  }
0x60: {  	_ =	shalt  }
0x61: {  	_ =	shalt  }
0x62: {  	_ =	shalt  }
0x63: {  	_ =	shalt  }
0x64: {  	_ =	shalt  }
0x65: {  	_ =	shalt  }
0x66: {  	_ =	shalt  }
0x67: {  	_ =	shalt  }
0x68: {  	_ =	shalt  }
0x69: {  	_ =	shalt  }
0x6a: {  	_ =	shalt  }
0x6b: {  	_ =	shalt  }
0x6c: {  	_ =	shalt  }
0x6d: {  	_ =	shalt  }
0x6e: {  	_ =	shalt  }
0x6f: {  	_ =	shalt  }
0x70: {  	_ =	shalt  }
0x71: {  	_ =	shalt  }
0x72: {  	_ =	shalt  }
0x73: {  	_ =	shalt  }
0x74: {  	_ =	shalt  }
0x75: {  	_ =	shalt  }
0x76: {  	_ =	shalt  }
0x77: {  	_ =	shalt  }
0x78: {  	_ =	shalt  }
0x79: {  	_ =	shalt  }
0x7a: {  	_ =	shalt  }
0x7b: {  	_ =	shalt  }
0x7c: {  	_ =	shalt  }
0x7d: {  	_ =	shalt  }
0x7e: {  	_ =	shalt  }
0x7f: {  	_ =	shalt  }
0x80: {  	_ =	shalt  }
0x81: {  	_ =	shalt  }
0x82: {  	_ =	shalt  }
0x83: {  	_ =	shalt  }
0x84: {  	_ =	shalt  }
0x85: {  	_ =	shalt  }
0x86: {  	_ =	shalt  }
0x87: {  	_ =	shalt  }
.Lfunc_end0:
.L_simem_size_0:
called_computation.2_lowered:
.L_overlay_start_0:
0x88: {  	s2 =	sld [smem:$0x3FD9]  }
0x89: {  	s3 =	sld [smem:$0x3FFE];
	_ =	sdelay $0x1  }
0x8a: {  	s1 =	srdreg.scid  }
0x8b: {  	s0 =	sand.u32 $0x1, s1  }
0x8c: {  	s16 =	sshll.u32 s0, $0xA;
	s2 =	sadd.s32 s3, s2  }
0x8d: {  	s2 =	sadd.s32 s2, s16  }
0x8e: {  	[smem:$0x3FBF] =	sst s2  }
0x8f: {  	_ = 	snop  }
0x90: {  	(tm) =	ssettm $0x1  }
0x91: {  	s17 =	sld [smem:$0x3FFB];
	_ =	sdelay $0x3  }
0x92: {  	_ =	strace s17  }
0x93: {  	s2 =	sld [smem:$0x3FFC];
	_ =	sdelay $0x3  }
0x94: {  	_ =	strace s2  }
0x95: {  	s2 =	sld [smem:$0x3FFD];
	_ =	sdelay $0x3  }
0x96: {  	_ =	strace s2  }
0x97: {  	_ =	strace $0x8FFFFFFF  }
0x98: {  	s18 =	sld [smem:$0x3FDB];
	_ =	sdelay $0x1  }
0x99: {  	s19 =	simm.s32 $_scs_section_size  }
0x9a: {  	s4 =	simm.s32 $_size__tile_overlayer_lowered;
	s5 =	simm.s32 $_tile_overlayer_lowered  }
0x9b: {  	s22 =	simm.s32 $0x1BFF;
	s21 =	sshll.u32 s5, $0x1;
	s2 =	sadd.s32 s19, s18  }
0x9c: {  	s6 =	simm.s32 $0x0;
	s20 =	sshll.u32 s4, $0x1;
	s4 =	sadd.s32 s21, s2  }
0x9d: {  	[timem:s6], [sflag:s22] =	dma.local [hbm:s4], s20  }
0x9e: {  	_ =	swait.ge [sflag:s22], s20  }
0x9f: {  	s3 =	ssub.s32 $0x0, s20;
	[sflag:s22] =	ssyncset.done $0x0  }
0xa0: {  	[sflag:s22] =	ssyncadd.s32 s3;
	_ =	sdelay $0x1  }
0xa1: {  	s23 =	simm.s32 $0x1B8B  }
0xa2: {  	_ =	swait.ge [sflag:s23], $0x1  }
0xa3: {  	[sflag:s23] =	ssyncset.done $0x0  }
0xa4: {  	s25 =	simm.s32 $0x1B8E;
	s24 =	sld [smem:$0x3FFE];
	[sflag:s23] =	ssyncadd.s32 $0xFFFFFFFF  }
0xa5: {  	s26 =	simm.s32 $execute0_lowered;
	[smem:$0x3FD2] =	sst s25  }
0xa6: {  	s4 =	sshll.u32 s26, $0x1;
	_ =	strace $0x8000004C;
	[dreg:$0x1] =	wrdreg $0xFFFFFFFF  }
0xa7: {  	s28 =	simm.s32 $_size_execute0_lowered;
	s2 =	sadd.s32 s2, s4;
	[dreg:$0x0] =	wrdreg $0x0  }
0xa8: {  	s4 =	sshll.u32 s28, $0x1;
	[dreg:$0x2] =	wrdreg s2  }
0xa9: {  	[dreg:$0x3] =	wrdreg s4  }
0xaa: {  	[dreg:$0x4] =	wrdreg $0xC0  }
0xab: {  	_ =	task [dreg:s6], $0x5FFFF  }
0xac: {  	[dreg:$0x1] =	wrdreg $0xFFFFFFFF  }
0xad: {  	[dreg:$0x0] =	wrdreg $0x60  }
0xae: {  	[dreg:$0x2] =	wrdreg s24  }
0xaf: {  	[dreg:$0x3] =	wrdreg $0xA1000  }
0xb0: {  	[dreg:$0x4] =	wrdreg $0x9  }
0xb1: {  	_ =	task.clear_ibuf [dreg:s6], $0x5FFFF;
	_ =	strace $0x9000004C  }
0xb2: {  	s29 =	simm.s32 $0x9;
	_ =	strace $0x8000004E  }
0xb3: {  	_ =	swait.ge [sflag:s29], $0x1  }
0xb4: {  	[sflag:s29] =	ssyncadd.s32 $0xFFFFFFFF  }
0xb5: {  	_ =	strace $0x9000004E  }
0xb6: {  	_ =	sfence  }
0xb7: {  	s30 =	sld [smem:$0x0];
	_ =	sdelay $0x2  }
0xb8: {  	s31 =	sshll.u32 s1, $0xD;
	s1 =	sshrl.u32 s1, $0x2  }
0xb9: {  	s3 =	sand.u32 $0x4000, s31;
	s1 =	sadd.s32 s1, s30  }
0xba: {  	s0 =	sor.u32 s3, s0;
	s1 =	sshll.u32 s1, $0x11  }
0xbb: {  	s0 =	sor.u32 s1, s0  }
0xbc: {  	s0 =	sadd.s32 $0x8F2B, s0  }
0xbd: {  	[sflag:s0] =	ssyncadd.remote.s32 $0x1  }
0xbe: {  	_ =	sfence.sel $0xFFFF  }
0xbf: {  	[dreg:$0x0] =	wrdreg $0xFFFFFFFF;
	(pc) =	sbr.abs _section_cstart, $3  }
0xc0: {  	[dreg:$0x1] =	wrdreg $0xFFFFFFFF  }
0xc1: {  	_ =	task.clear_ibuf [dreg:s6], $0x2FFFF;
	_ =	strace $0x9FFFFFFF  }
0xc2: {  	(tm) =	ssettm $0x7FFFFFFF  }
0xc3: {  	_ =	shalt  }
tec
execute0_lowered:
.L_overlay_start_1:
0x0: {  	(tag) =	ssettag $0x1  }
0x1: {  	s0 =	srdreg.scid  }
0x2: {  	s12 =	stileid.u32;
	s5 =	rddreg [dreg:$0x0]  }
0x3: {  	s2 =	rddreg [dreg:$0x1];
	s28 =	simm.s32 $0xB;
	s29 =	simm.s32 $0xA  }
0x4: {  	s30 =	simm.s32 $0x2780;
	s31 =	simm.s32 $0x50;
	s7 =	smul.u32 $0x14000, s12  }
0x5: {  	s0 =	sand.u32 $0x1, s0;
	s1 =	sshll.u32 s12, $0x1;
	s10 =	smul.u32 $0x50000, s12  }
0x6: {  	s3 =	sshrl.u32 s12, $0x2;
	s9 =	sadd.s32 $0x16C00, s5;
	s20 =	smul.u32 $0x7D00, s12  }
0x7: {  	s12 =	simm.s32 $0x9;
	s1 =	sor.u32 s0, s1;
	s4 =	smul.u32 $0x13C00, s3  }
0x8: {  	s3 =	simm.s32 $0x0;
	s25 =	smul.u32 $0x140000, s0;
	s26 =	ssub.s32 $0x2, s0  }
0x9: {  	s0 =	smul.u32 $0x3E80, s0;
	s24 =	sshll.u32 s1, $0x7;
	[smem:$0x7FF] =	sst s3  }
0xa: {  	s11 =	sshrl.u32 s26, $0x1;
	s1 =	smul.u32 $0x3E80, s1;
	s6 =	sand.u32 $0x380, s24  }
0xb: {  	_ =	strace $0x8000004D;
	s0 =	sadd.s32 s0, s20;
	s4 =	sor.u32 s4, s6  }
0xc: {  	s6 =	sadd.s32 s7, s25;
	s7 =	ssub.s32 s26, s11;
	s11 =	sshrl.u32 s10, $0x2  }
0xd: {  	s1 =	sshrl.u32 s1, $0x3;
	s26 =	sadd.s32 $0x300, s0;
	s10 =	simm.s32 $0x4  }
0xe: {  	s4 =	sshrl.u32 s4, $0x3;
	s6 =	sshrl.u32 s6, $0x3;
	s19 =	sadd.s32 s9, s1  }
0xf: {  	s25 =	smax.u32 s7, $0x1;
	s1 =	sadd.s32 $0x380, s0;
	[dreg:$0xa] =	wrdreg s19  }
0x10: {  	s8 =	sadd.s32 s4, s5;
	s22 =	sadd.s32 $0x10, s19;
	[dreg:$0x11] =	wrdreg s25  }
0x11: {  	s4 =	sadd.s32 $0x30400, s5;
	s23 =	sadd.s32 $0x20, s19;
	[dreg:$0xc] =	wrdreg s22  }
0x12: {  	s5 =	sadd.s32 s6, s5;
	s24 =	sadd.s32 $0x30, s19;
	[dreg:$0xd] =	wrdreg s23  }
0x13: {  	s6 =	sadd.s32 s11, s2;
	s8 =	sadd.s32 $0x26600, s8;
	[dreg:$0xe] =	wrdreg s24  }
0x14: {  	s0 =	sadd.s32 $0x280, s0;
	s13 =	sadd.s32 $0x2800, s6;
	[dreg:$0x3] =	wrdreg s8  }
0x15: {  	s7 =	simm.s32 $0x7;
	s14 =	sadd.s32 $0x5000, s6;
	[dreg:$0x4] =	wrdreg s13  }
0x16: {  	s1 =	sshrl.u32 s1, $0x3;
	s15 =	sadd.s32 $0x7800, s6;
	[dreg:$0x5] =	wrdreg s14  }
0x17: {  	s0 =	sshrl.u32 s0, $0x3;
	s16 =	sadd.s32 $0xA000, s6;
	[dreg:$0x6] =	wrdreg s15  }
0x18: {  	s25 =	simm.s32 $0x7900;
	s17 =	sadd.s32 $0xC800, s6;
	[dreg:$0x7] =	wrdreg s16  }
0x19: {  	s11 =	simm.s32 $0x3;
	s18 =	sadd.s32 $0xF000, s6;
	[dreg:$0x8] =	wrdreg s17  }
0x1a: {  	s21 =	sadd.s32 $0x11800, s6;
	s5 =	sadd.s32 $0x57600, s5;
	[dreg:$0x9] =	wrdreg s18  }
0x1b: {  	s23 =	sadd.s32 s0, s9;
	s0 =	simm.s32 $0x5100;
	[dreg:$0xb] =	wrdreg s21  }
0x1c: {  	s24 =	simm.s32 $0x2880;
	s8 =	sadd.s32 $0x40, s19;
	[dreg:$0x10] =	wrdreg s5  }
0x1d: {  	s5 =	sshrl.u32 s26, $0x3;
	s21 =	sadd.s32 s1, s9;
	s26 =	simm.s32 $0x2900  }
0x1e: {  	s1 =	simm.s32 $0x2800;
	s14 =	simm.s32 $0x5;
	s15 =	simm.s32 $0x6  }
0x1f: {  	s16 =	simm.s32 $0x0;
	[dreg:$0xf] =	wrdreg s8;
	s22 =	sadd.s32 s5, s9  }
0x20: {  	v0 =	vimm.f32 $0.0e+00;
	s5 =	simm.s32 $0x1;
	s8 =	simm.s32 $0x2;
	s9 =	simm.s32 $0x8  }
.LBB2_1:
0x21: {  	s13 =	rddreg [dreg:$0x3];
	s17 =	simm.s32 $0x80;
	s18 =	simm.s32 $0x400  }
0x22: {  	[tilespmem:s3], [sflag:$0xA] =	stream.strided.gather [hbm4b:s13+s17], $0x2780, s18, s17, $0x38;
	[tilespmem:$0x1E100] =	vst v63  }
0x23: {  	s17 =	simm.s32 $0x0;
	s18 =	simm.s32 $0x200  }
.LBB2_2:
0x24: {  	p0 =	sne.s32 s18, $0x9E00;
	[tilespmem:s17+$0x2970] =	vst v0  }
0x25: {  	[tilespmem:s17+$0x2900] =	vst v0  }
0x26: {  	[tilespmem:s17+$0x2910] =	vst v0  }
.Ltmp0:
0x27: {  	[tilespmem:s17+$0x2920] =	vst v0;
	(pc) =	sbr.rel @p0 .LBB2_2-.Ltmp0, $4  }
0x28: {  	[tilespmem:s17+$0x2930] =	vst v0  }
0x29: {  	[tilespmem:s17+$0x2940] =	vst v0  }
0x2a: {  	[tilespmem:s17+$0x2950] =	vst v0  }
0x2b: {  	[tilespmem:s17+$0x2960] =	vst v0;
	s17 =	sshra.s32 s18, $0x2;
	s18 =	sadd.s32 $0x200, s18  }
0x2c: {  	[tilespmem:s17+$0x2970] =	vst v0  }
0x2d: {  	[tilespmem:s17+$0x2900] =	vst v0  }
0x2e: {  	[tilespmem:s17+$0x2910] =	vst v0  }
0x2f: {  	[tilespmem:s17+$0x2920] =	vst v0  }
0x30: {  	[tilespmem:s17+$0x2930] =	vst v0  }
0x31: {  	[tilespmem:s17+$0x2940] =	vst v0  }
0x32: {  	[tilespmem:s17+$0x2950] =	vst v0  }
0x33: {  	[tilespmem:s17+$0x2960] =	vst v0  }
0x34: {  	[spmem:s6] =	stream.linear.scatter [tilespmem:s26], [sflag:$0xB], $0x2800, $0x38;
	[tilespmem:$0x1E100] =	vst v63  }
0x35: {  	_ =	swait.ge [sflag:s28], $0x2800  }
0x36: {  	[sflag:s28] =	ssyncset.done $0x0  }
0x37: {  	s13 =	rddreg [dreg:$0x4];
	[sflag:s28] =	ssyncadd.s32 $0xFFFFD800  }
0x38: {  	[spmem:s13] =	stream.linear.scatter [tilespmem:s26], [sflag:$0xB], $0x2800, $0x38;
	[tilespmem:$0x1E100] =	vst v63  }
0x39: {  	_ =	swait.ge [sflag:s28], $0x2800  }
0x3a: {  	[sflag:s28] =	ssyncset.done $0x0  }
0x3b: {  	s20 =	rddreg [dreg:$0x5];
	[sflag:s28] =	ssyncadd.s32 $0xFFFFD800  }
0x3c: {  	[spmem:s20] =	stream.linear.scatter [tilespmem:s26], [sflag:$0xB], $0x2800, $0x38;
	[tilespmem:$0x1E100] =	vst v63  }
0x3d: {  	_ =	swait.ge [sflag:s28], $0x2800  }
0x3e: {  	[sflag:s28] =	ssyncset.done $0x0  }
0x3f: {  	s17 =	rddreg [dreg:$0x6];
	[sflag:s28] =	ssyncadd.s32 $0xFFFFD800  }
0x40: {  	[spmem:s17] =	stream.linear.scatter [tilespmem:s26], [sflag:$0xB], $0x2800, $0x38;
	[tilespmem:$0x1E100] =	vst v63  }
0x41: {  	_ =	swait.ge [sflag:s28], $0x2800  }
0x42: {  	[sflag:s28] =	ssyncset.done $0x0  }
0x43: {  	s18 =	rddreg [dreg:$0x7];
	[sflag:s28] =	ssyncadd.s32 $0xFFFFD800  }
0x44: {  	[spmem:s18] =	stream.linear.scatter [tilespmem:s26], [sflag:$0xB], $0x2800, $0x38;
	[tilespmem:$0x1E100] =	vst v63  }
0x45: {  	_ =	swait.ge [sflag:s28], $0x2800  }
0x46: {  	[sflag:s28] =	ssyncset.done $0x0  }
0x47: {  	s19 =	rddreg [dreg:$0x8];
	[sflag:s28] =	ssyncadd.s32 $0xFFFFD800  }
0x48: {  	[spmem:s19] =	stream.linear.scatter [tilespmem:s26], [sflag:$0xB], $0x2800, $0x38;
	[tilespmem:$0x1E100] =	vst v63  }
0x49: {  	_ =	swait.ge [sflag:s28], $0x2800  }
0x4a: {  	[sflag:s28] =	ssyncset.done $0x0  }
0x4b: {  	s20 =	rddreg [dreg:$0x9];
	[sflag:s28] =	ssyncadd.s32 $0xFFFFD800  }
0x4c: {  	[spmem:s20] =	stream.linear.scatter [tilespmem:s26], [sflag:$0xB], $0x2800, $0x38;
	[tilespmem:$0x1E100] =	vst v63  }
0x4d: {  	_ =	swait.ge [sflag:s28], $0x2800  }
0x4e: {  	[sflag:s28] =	ssyncset.done $0x0  }
0x4f: {  	s17 =	rddreg [dreg:$0xb];
	[sflag:s28] =	ssyncadd.s32 $0xFFFFD800  }
0x50: {  	[spmem:s17] =	stream.linear.scatter [tilespmem:s26], [sflag:$0xB], $0x2800, $0x38;
	[tilespmem:$0x1E100] =	vst v63  }
0x51: {  	_ =	swait.ge [sflag:s28], $0x2800  }
0x52: {  	[sflag:s28] =	ssyncset.done $0x0  }
0x53: {  	[sflag:s28] =	ssyncadd.s32 $0xFFFFD800  }
0x54: {  	[bflag:$0x0] =	sbarrier.arrive $0xFFFF  }
0x55: {  	_ =	swait.ge [sflag:s29], $0x2780  }
0x56: {  	[sflag:s29] =	ssyncset.done $0x0  }
0x57: {  	s17 =	simm.s32 $0x0;
	s18 =	rddreg [dreg:$0xa];
	[sflag:s29] =	ssyncadd.s32 $0xFFFFD880  }
0x58: {  	[tilespmem:s30], [sflag:$0x7] =	stream.linear.gather [hbm4b:s18+s17], $0x80, $0x38;
	[tilespmem:$0x1E100] =	vst v63  }
0x59: {  	_ = 	snop  }
0x5a: {  	[tilespmem:s26], [sflag:$0x1] =	stream.indirect.gather [hbm4b:s4+s31], $0x80, s17, s31, $0xb8;
	[tilespmem:$0x1E100] =	vst v63  }
0x5b: {  	s19 =	rddreg [dreg:$0xc]  }
0x5c: {  	[tilespmem:s1], [sflag:$0x8] =	stream.linear.gather [hbm4b:s19+s17], $0x80, $0x38;
	[tilespmem:$0x1E100] =	vst v63  }
0x5d: {  	_ = 	snop  }
0x5e: {  	[tilespmem:s0], [sflag:$0x2] =	stream.indirect.gather [hbm4b:s4+s31], $0x80, s31, s31, $0xb8;
	[tilespmem:$0x1E100] =	vst v63  }
0x5f: {  	s20 =	rddreg [dreg:$0xd]  }
0x60: {  	[tilespmem:s24], [sflag:$0x9] =	stream.linear.gather [hbm4b:s20+s17], $0x80, $0x38;
	[tilespmem:$0x1E100] =	vst v63  }
0x61: {  	s18 =	simm.s32 $0xA0  }
0x62: {  	[tilespmem:s25], [sflag:$0x3] =	stream.indirect.gather [hbm4b:s4+s31], $0x80, s18, s31, $0xb8;
	[tilespmem:$0x1E100] =	vst v63  }
0x63: {  	_ =	swait.ge [sflag:s5], $0x2800  }
0x64: {  	[sflag:s5] =	ssyncset.done $0x0  }
0x65: {  	[sflag:s5] =	ssyncadd.s32 $0xFFFFD800  }
0x66: {  	_ =	swait.ge [sflag:s7], $0x80  }
0x67: {  	[sflag:s7] =	ssyncset.done $0x0  }
0x68: {  	[sflag:s7] =	ssyncadd.s32 $0xFFFFFF80  }
0x69: {  	[spmem:s2] =	stream.indirect.scatter.add.f32 [tilespmem:s26], [sflag:$0x4], $0x80, s30, s31, $0xb8;
	[tilespmem:$0x1E100] =	vst v63  }
0x6a: {  	_ =	swait.ge [sflag:s8], $0x2800  }
0x6b: {  	[sflag:s8] =	ssyncset.done $0x0  }
0x6c: {  	[sflag:s8] =	ssyncadd.s32 $0xFFFFD800  }
0x6d: {  	_ =	swait.ge [sflag:s9], $0x80  }
0x6e: {  	[sflag:s9] =	ssyncset.done $0x0  }
0x6f: {  	[sflag:s9] =	ssyncadd.s32 $0xFFFFFF80  }
0x70: {  	[spmem:s2] =	stream.indirect.scatter.add.f32 [tilespmem:s0], [sflag:$0x5], $0x80, s1, s31, $0xb8;
	[tilespmem:$0x1E100] =	vst v63  }
0x71: {  	_ =	swait.ge [sflag:s10], $0x2800  }
0x72: {  	[sflag:s10] =	ssyncset.done $0x0  }
0x73: {  	s19 =	rddreg [dreg:$0xe];
	[sflag:s10] =	ssyncadd.s32 $0xFFFFD800  }
0x74: {  	[tilespmem:s30], [sflag:$0x7] =	stream.linear.gather [hbm4b:s19+s17], $0x80, $0x38;
	[tilespmem:$0x1E100] =	vst v63  }
0x75: {  	s20 =	simm.s32 $0xF0  }
0x76: {  	[tilespmem:s26], [sflag:$0x1] =	stream.indirect.gather [hbm4b:s4+s31], $0x80, s20, s31, $0xb8;
	[tilespmem:$0x1E100] =	vst v63  }
0x77: {  	_ =	swait.ge [sflag:s11], $0x2800  }
0x78: {  	[sflag:s11] =	ssyncset.done $0x0  }
0x79: {  	[sflag:s11] =	ssyncadd.s32 $0xFFFFD800  }
0x7a: {  	_ =	swait.ge [sflag:s12], $0x80  }
0x7b: {  	[sflag:s12] =	ssyncset.done $0x0  }
0x7c: {  	[sflag:s12] =	ssyncadd.s32 $0xFFFFFF80  }
0x7d: {  	[spmem:s2] =	stream.indirect.scatter.add.f32 [tilespmem:s25], [sflag:$0x6], $0x80, s24, s31, $0xb8;
	[tilespmem:$0x1E100] =	vst v63  }
0x7e: {  	_ =	swait.ge [sflag:s14], $0x2800  }
0x7f: {  	[sflag:s14] =	ssyncset.done $0x0  }
0x80: {  	s18 =	rddreg [dreg:$0xf];
	[sflag:s14] =	ssyncadd.s32 $0xFFFFD800  }
0x81: {  	[tilespmem:s1], [sflag:$0x8] =	stream.linear.gather [hbm4b:s18+s17], $0x80, $0x38;
	[tilespmem:$0x1E100] =	vst v63  }
0x82: {  	s19 =	simm.s32 $0x140  }
0x83: {  	[tilespmem:s0], [sflag:$0x2] =	stream.indirect.gather [hbm4b:s4+s31], $0x80, s19, s31, $0xb8;
	[tilespmem:$0x1E100] =	vst v63  }
0x84: {  	_ =	swait.ge [sflag:s5], $0x2800  }
0x85: {  	[sflag:s5] =	ssyncset.done $0x0  }
0x86: {  	[sflag:s5] =	ssyncadd.s32 $0xFFFFD800  }
0x87: {  	_ =	swait.ge [sflag:s7], $0x80  }
0x88: {  	[sflag:s7] =	ssyncset.done $0x0  }
0x89: {  	[sflag:s7] =	ssyncadd.s32 $0xFFFFFF80  }
0x8a: {  	[spmem:s2] =	stream.indirect.scatter.add.f32 [tilespmem:s26], [sflag:$0x4], $0x80, s30, s31, $0xb8;
	[tilespmem:$0x1E100] =	vst v63  }
0x8b: {  	_ =	swait.ge [sflag:s15], $0x2800  }
0x8c: {  	[sflag:s15] =	ssyncset.done $0x0  }
0x8d: {  	s20 =	sadd.s32 $0x0, s23;
	[sflag:s15] =	ssyncadd.s32 $0xFFFFD800  }
0x8e: {  	[tilespmem:s24], [sflag:$0x9] =	stream.linear.gather [hbm4b:s20+s3], $0x80, $0x38;
	[tilespmem:$0x1E100] =	vst v63  }
0x8f: {  	s13 =	simm.s32 $0x190  }
0x90: {  	[tilespmem:s25], [sflag:$0x3] =	stream.indirect.gather [hbm4b:s4+s31], $0x80, s13, s31, $0xb8;
	[tilespmem:$0x1E100] =	vst v63  }
0x91: {  	_ =	swait.ge [sflag:s8], $0x2800  }
0x92: {  	[sflag:s8] =	ssyncset.done $0x0  }
0x93: {  	[sflag:s8] =	ssyncadd.s32 $0xFFFFD800  }
0x94: {  	_ =	swait.ge [sflag:s9], $0x80  }
0x95: {  	[sflag:s9] =	ssyncset.done $0x0  }
0x96: {  	[sflag:s9] =	ssyncadd.s32 $0xFFFFFF80  }
0x97: {  	[spmem:s2] =	stream.indirect.scatter.add.f32 [tilespmem:s0], [sflag:$0x5], $0x80, s1, s31, $0xb8;
	[tilespmem:$0x1E100] =	vst v63  }
0x98: {  	_ =	swait.ge [sflag:s10], $0x2800  }
0x99: {  	[sflag:s10] =	ssyncset.done $0x0  }
0x9a: {  	s18 =	sadd.s32 $0x0, s22;
	[sflag:s10] =	ssyncadd.s32 $0xFFFFD800  }
0x9b: {  	[tilespmem:s30], [sflag:$0x7] =	stream.linear.gather [hbm4b:s18+s3], $0x80, $0x38;
	[tilespmem:$0x1E100] =	vst v63  }
0x9c: {  	s19 =	simm.s32 $0x1E0  }
0x9d: {  	[tilespmem:s26], [sflag:$0x1] =	stream.indirect.gather [hbm4b:s4+s31], $0x80, s19, s31, $0xb8;
	[tilespmem:$0x1E100] =	vst v63  }
0x9e: {  	_ =	swait.ge [sflag:s11], $0x2800  }
0x9f: {  	[sflag:s11] =	ssyncset.done $0x0  }
0xa0: {  	[sflag:s11] =	ssyncadd.s32 $0xFFFFD800  }
0xa1: {  	_ =	swait.ge [sflag:s12], $0x80  }
0xa2: {  	[sflag:s12] =	ssyncset.done $0x0  }
0xa3: {  	[sflag:s12] =	ssyncadd.s32 $0xFFFFFF80  }
0xa4: {  	[spmem:s2] =	stream.indirect.scatter.add.f32 [tilespmem:s25], [sflag:$0x6], $0x80, s24, s31, $0xb8;
	[tilespmem:$0x1E100] =	vst v63  }
0xa5: {  	_ =	swait.ge [sflag:s14], $0x2800  }
0xa6: {  	s17 =	simm.s32 $0x230;
	s20 =	sadd.s32 $0x0, s21;
	[sflag:s14] =	ssyncset.done $0x0  }
0xa7: {  	s18 =	simm.s32 $0x30;
	s19 =	simm.s32 $0x320;
	[sflag:s14] =	ssyncadd.s32 $0xFFFFD800  }
0xa8: {  	[tilespmem:s1], [sflag:$0x8] =	stream.linear.gather [hbm4b:s20+s3], $0x80, $0x38;
	[tilespmem:$0x1E100] =	vst v63  }
.LBB2_4:
0xa9: {  	[tilespmem:s0], [sflag:$0x2] =	stream.indirect.gather [hbm4b:s4+s31], $0x80, s17, s31, $0xb8;
	[tilespmem:$0x1E100] =	vst v63  }
0xaa: {  	s20 =	smov.u32 s18;
	s17 =	smov.u32 s19  }
0xab: {  	p0 =	sne.s32 s18, $0x750;
	s18 =	sadd.s32 $0x30, s18;
	_ =	swait.ge [sflag:s5], $0x2800  }
0xac: {  	[sflag:s5] =	ssyncset.done $0x0  }
0xad: {  	[sflag:s5] =	ssyncadd.s32 $0xFFFFD800  }
0xae: {  	_ =	swait.ge [sflag:s7], $0x80  }
0xaf: {  	[sflag:s7] =	ssyncset.done $0x0  }
0xb0: {  	[sflag:s7] =	ssyncadd.s32 $0xFFFFFF80  }
0xb1: {  	[spmem:s2] =	stream.indirect.scatter.add.f32 [tilespmem:s26], [sflag:$0x4], $0x80, s30, s31, $0xb8;
	[tilespmem:$0x1E100] =	vst v63  }
0xb2: {  	_ =	swait.ge [sflag:s15], $0x2800  }
0xb3: {  	[sflag:s15] =	ssyncset.done $0x0  }
0xb4: {  	s13 =	sadd.s32 s20, s23;
	[sflag:s15] =	ssyncadd.s32 $0xFFFFD800  }
0xb5: {  	[tilespmem:s24], [sflag:$0x9] =	stream.linear.gather [hbm4b:s13+s3], $0x80, $0x38;
	[tilespmem:$0x1E100] =	vst v63  }
0xb6: {  	s13 =	sadd.s32 $0xFFFFFF60, s19  }
0xb7: {  	[tilespmem:s25], [sflag:$0x3] =	stream.indirect.gather [hbm4b:s4+s31], $0x80, s13, s31, $0xb8;
	[tilespmem:$0x1E100] =	vst v63  }
0xb8: {  	_ =	swait.ge [sflag:s8], $0x2800  }
0xb9: {  	[sflag:s8] =	ssyncset.done $0x0  }
0xba: {  	[sflag:s8] =	ssyncadd.s32 $0xFFFFD800  }
0xbb: {  	_ =	swait.ge [sflag:s9], $0x80  }
0xbc: {  	[sflag:s9] =	ssyncset.done $0x0  }
0xbd: {  	[sflag:s9] =	ssyncadd.s32 $0xFFFFFF80  }
0xbe: {  	[spmem:s2] =	stream.indirect.scatter.add.f32 [tilespmem:s0], [sflag:$0x5], $0x80, s1, s31, $0xb8;
	[tilespmem:$0x1E100] =	vst v63  }
0xbf: {  	_ =	swait.ge [sflag:s10], $0x2800  }
0xc0: {  	[sflag:s10] =	ssyncset.done $0x0  }
0xc1: {  	s13 =	sadd.s32 s20, s22;
	[sflag:s10] =	ssyncadd.s32 $0xFFFFD800  }
0xc2: {  	[tilespmem:s30], [sflag:$0x7] =	stream.linear.gather [hbm4b:s13+s3], $0x80, $0x38;
	[tilespmem:$0x1E100] =	vst v63  }
0xc3: {  	s13 =	sadd.s32 $0xFFFFFFB0, s19  }
0xc4: {  	[tilespmem:s26], [sflag:$0x1] =	stream.indirect.gather [hbm4b:s4+s31], $0x80, s13, s31, $0xb8;
	[tilespmem:$0x1E100] =	vst v63  }
0xc5: {  	_ =	swait.ge [sflag:s11], $0x2800  }
0xc6: {  	[sflag:s11] =	ssyncset.done $0x0  }
0xc7: {  	[sflag:s11] =	ssyncadd.s32 $0xFFFFD800  }
0xc8: {  	_ =	swait.ge [sflag:s12], $0x80  }
0xc9: {  	[sflag:s12] =	ssyncset.done $0x0  }
0xca: {  	[sflag:s12] =	ssyncadd.s32 $0xFFFFFF80  }
0xcb: {  	[spmem:s2] =	stream.indirect.scatter.add.f32 [tilespmem:s25], [sflag:$0x6], $0x80, s24, s31, $0xb8;
	[tilespmem:$0x1E100] =	vst v63  }
.Ltmp1:
0xcc: {  	_ =	swait.ge [sflag:s14], $0x2800;
	(pc) =	sbr.rel @p0 .LBB2_4-.Ltmp1, $4  }
0xcd: {  	[sflag:s14] =	ssyncset.done $0x0  }
0xce: {  	s13 =	sadd.s32 s20, s21;
	[sflag:s14] =	ssyncadd.s32 $0xFFFFD800  }
0xcf: {  	[tilespmem:s1], [sflag:$0x8] =	stream.linear.gather [hbm4b:s13+s3], $0x80, $0x38;
	[tilespmem:$0x1E100] =	vst v63  }
0xd0: {  	s19 =	sadd.s32 $0xF0, s19  }
0xd1: {  	[tilespmem:s0], [sflag:$0x2] =	stream.indirect.gather [hbm4b:s4+s31], $0x80, s17, s31, $0xb8;
	[tilespmem:$0x1E100] =	vst v63  }
0xd2: {  	_ =	swait.ge [sflag:s5], $0x2800  }
0xd3: {  	[sflag:s5] =	ssyncset.done $0x0  }
0xd4: {  	[sflag:s5] =	ssyncadd.s32 $0xFFFFD800  }
0xd5: {  	_ =	swait.ge [sflag:s7], $0x80  }
0xd6: {  	[sflag:s7] =	ssyncset.done $0x0  }
0xd7: {  	[sflag:s7] =	ssyncadd.s32 $0xFFFFFF80  }
0xd8: {  	[spmem:s2] =	stream.indirect.scatter.add.f32 [tilespmem:s26], [sflag:$0x4], $0x80, s30, s31, $0xb8;
	[tilespmem:$0x1E100] =	vst v63  }
0xd9: {  	_ =	swait.ge [sflag:s8], $0x2800  }
0xda: {  	[sflag:s8] =	ssyncset.done $0x0  }
0xdb: {  	[sflag:s8] =	ssyncadd.s32 $0xFFFFD800  }
0xdc: {  	_ =	swait.ge [sflag:s9], $0x80  }
0xdd: {  	[sflag:s9] =	ssyncset.done $0x0  }
0xde: {  	[sflag:s9] =	ssyncadd.s32 $0xFFFFFF80  }
0xdf: {  	[spmem:s2] =	stream.indirect.scatter.add.f32 [tilespmem:s0], [sflag:$0x5], $0x80, s1, s31, $0xb8;
	[tilespmem:$0x1E100] =	vst v63  }
0xe0: {  	_ =	swait.ge [sflag:s15], $0x2800  }
0xe1: {  	[sflag:s15] =	ssyncset.done $0x0  }
0xe2: {  	[sflag:s15] =	ssyncadd.s32 $0xFFFFD800  }
0xe3: {  	_ =	swait.ge [sflag:s10], $0x2800  }
0xe4: {  	[sflag:s10] =	ssyncset.done $0x0  }
0xe5: {  	[sflag:s10] =	ssyncadd.s32 $0xFFFFD800  }
0xe6: {  	_ =	swait.ge [sflag:s14], $0x2800  }
0xe7: {  	[sflag:s14] =	ssyncset.done $0x0  }
0xe8: {  	s13 =	stileid.u32;
	[sflag:s14] =	ssyncadd.s32 $0xFFFFD800  }
0xe9: {  	s13 =	sshll.u32 s13, $0x6;
	[bflag:$0x0] =	sbarrier.arrive $0xFFFF  }
0xea: {  	s19 =	sshrl.u32 s6, $0x3;
	s13 =	sor.u32 $0x1C0B, s13;
	s18 =	rddreg [dreg:$0x10]  }
0xeb: {  	[hbm:s18], [sflag:s13] =	dma.local [spmem:s19], $0x2800  }
0xec: {  	_ =	swait.ge [sflag:s28], $0x2800  }
0xed: {  	s16 =	sadd.s32 $0x1, s16;
	s20 =	rddreg [dreg:$0x11]  }
0xee: {  	p0 =	sne.s32 s16, s20  }
.Ltmp2:
0xef: {  	_ = 	snop;
	(pc) =	sbr.rel @p0 .LBB2_1-.Ltmp2, $3  }
0xf0: {  	_ =	sdelay $0x1  }
0xf1: {  	[sflag:s28] =	ssyncset.done $0x0  }
0xf2: {  	[sflag:s28] =	ssyncadd.s32 $0xFFFFD800  }
0xf3: {  	_ =	sfence.sel $0x180000  }
0xf4: {  	[bflag:$0x0] =	sbarrier.arrive $0xFFFF  }
0xf5: {  	_ =	strace $0x9000004D  }
0xf6: {  	s0 =	stileid.u32;
	[bflag:$0x2] =	sbarrier.arrive $0xFFFF  }
0xf7: {  	p0 =	sne.s32 s0, $0x0;
	s0 =	rddreg [dreg:$0x2]  }
0xf8: {  	s0 =	sadd.s32 @!p0 $0x100000, s0  }
0xf9: {  	[sflag:s0] =	ssyncadd.tile.s32 @!p0 $0x1;
	_ =	shalt  }
.Lfunc_end2:
_tile_overlayer_lowered:
.L_overlay_start_2:
0xfa: {  	(tag) =	ssettag $0x2  }
0xfb: {  	s0 =	rddreg [dreg:$0x0];
	s2 =	stileid.u32  }
0xfc: {  	s1 =	rddreg [dreg:$0x1];
	p0 =	sne.s32 s2, $0x0  }
0xfd: {  	s3 =	rddreg [dreg:$0x2];
	[bflag:$0x3] =	sbarrier.arrive $0xFFFF;
	s2 =	simm.s32 @!p0 $0x1C0B  }
0xfe: {  	[timem:s3], [sflag:s2] =	dma.local @!p0 [hbm:s0], s1  }
0xff: {  	s0 =	simm.s32 @!p0 $0xB  }
0x100: {  	_ =	swait.ge @!p0 [sflag:s0], s1  }
0x101: {  	s1 =	ssub.s32 @!p0 $0x0, s1;
	[sflag:s0] =	ssyncset.done @!p0 $0x0  }
0x102: {  	[sflag:s0] =	ssyncadd.s32 @!p0 s1  }
0x103: {  	[bflag:$0x3] =	sbarrier.arrive $0xFFFF  }
0x104: {  	_ =	shalt  }

// kernel: kernel.8.cloned.1.call-start
scs
__scs_entry_jumppad:
0x0: {  	(pc) =	sbr.rel $0x88, $3  }
0x1: {  	(tag) =	ssettag $0x0;
	lr =	simm.s32 $0x1  }
0x2: {  	[smem:$0x3F98] =	sst lr;
	_ =	strace $0xD0000000  }
0x3: {  	_ = 	snop  }
0x4: {  	_ = 	snop  }
0x5: {  	_ = 	snop  }
0x6: {  	_ = 	snop  }
0x7: {  	_ = 	snop  }
__scs_overlays_trampoline_lowered:
0x8: {  	[smem:$0x3FA7] =	sst s0  }
0x9: {  	[smem:$0x3FA8] =	sst s1  }
0xa: {  	[smem:$0x3FA9] =	sst s2  }
0xb: {  	[smem:$0x3FAA] =	sst s3  }
0xc: {  	[smem:$0x3FAB] =	sst s4  }
0xd: {  	[smem:$0x3FAC] =	sst s5  }
0xe: {  	[smem:$0x3FAD] =	sst s6  }
0xf: {  	[smem:$0x3FAE] =	sst s7  }
0x10: {  	[smem:$0x3FAF] =	sst s8  }
0x11: {  	[smem:$0x3FB0] =	sst s9;
	s0 =	simm.s32 @!p0 $0x0  }
0x12: {  	s1 =	sld [smem:$0x3F96];
	s0 =	simm.s32 @p0 $0x1  }
0x13: {  	[smem:$0x3FB1] =	sst s0;
	s0 =	simm.s32 @!p1 $0x0  }
0x14: {  	s2 =	sld [smem:$0x3F95];
	s0 =	simm.s32 @p1 $0x1  }
0x15: {  	[smem:$0x3FB2] =	sst s0;
	s0 =	simm.s32 @!p2 $0x0  }
0x16: {  	s3 =	sld [smem:$0x3FDB];
	s0 =	simm.s32 @p2 $0x1  }
0x17: {  	s4 =	simm.s32 $0x1BF5;
	[smem:$0x3FB4] =	sst s0  }
0x18: {  	s0 =	sld [smem:$0x3F97];
	_ =	swait.ge [sflag:s4], $0x0  }
0x19: {  	s7 =	sld [smem:$0x3F98]  }
0x1a: {  	s8 =	sadd.s32 $0xFFFFE003, lr  }
0x1b: {  	s9 =	sadd.s32 $0xFFFFFEF7, lr;
	s5 =	simm.s32 $0xFFFFFFFF;
	p2 =	slt.u32 s8, $0xFFFFF086  }
0x1c: {  	p1 =	slt.u32 s9, $0xF7A;
	s5 =	simm.s32 @!p2 $0x0  }
0x1d: {  	s5 =	simm.s32 @p1 $0x1;
	p0 =	seq.s32 s7, s2  }
0x1e: {  	s7 =	smul.u32 @!p0 $0xF7A, s2;
	p2 =	seq.s32 @!p0 s5, $0x0  }
0x1f: {  	s9 =	smul.u32 $0xF7A, s1;
	s8 =	simm.s32 @!p0 $0x1BF5;
	p2 =	por !p2, p0  }
0x20: {  	[sflag:s8] =	ssyncset.s32 @!p0 $0xFFFFF086;
	s6 =	sadd.s32 @!p0 s3, s7;
	s7 =	simm.s32 @!p0 $0x108  }
0x21: {  	s3 =	sadd.s32 s3, s9;
	s6 =	sadd.s32 @!p0 $0x88, s6;
	s7 =	simm.s32 @p2 $0x1082  }
0x22: {  	[simem:s7], [sflag:s8] =	dma.local @!p0 [hbm:s6], $0xF7A  }
0x23: {  	s9 =	sor.u32 $0xD0000000, s2;
	s6 =	simm.s32 $0x108;
	_ =	swait.ge @!p0 [sflag:s8], $0x0  }
0x24: {  	s3 =	sadd.s32 $0x88, s3;
	s6 =	simm.s32 @!p1 $0x1082;
	[sflag:s4] =	ssyncset.s32 $0xFFFFF086  }
0x25: {  	[simem:s6], [sflag:s4] =	dma.local [hbm:s3], $0xF7A  }
0x26: {  	[smem:$0x3F98] =	sst s1;
	(tag) =	ssettag s2;
	_ =	strace s9  }
0x27: {  	s1 =	sld [smem:$0x3FA8]  }
0x28: {  	s2 =	sld [smem:$0x3FA9]  }
0x29: {  	s4 =	sld [smem:$0x3FAB]  }
0x2a: {  	p0 =	seq.s32 s5, $0x0;
	s5 =	sld [smem:$0x3FAC]  }
0x2b: {  	s6 =	sld [smem:$0x3FAD]  }
0x2c: {  	s7 =	sld [smem:$0x3FAE]  }
0x2d: {  	s3 =	simm.s32 $0x108;
	s8 =	sld [smem:$0x3FAF]  }
0x2e: {  	s3 =	simm.s32 @!p0 $0x1082;
	s9 =	sld [smem:$0x3FB0]  }
0x2f: {  	lr =	sadd.s32 s0, s3;
	s0 =	sld [smem:$0x3FA7]  }
0x30: {  	s3 =	sld [smem:$0x3FAA]  }
0x31: {  	[smem:$0x3FB3] =	sst s10  }
0x32: {  	s10 =	sld [smem:$0x3FB1];
	_ =	sdelay $0x3  }
0x33: {  	p0 =	seq.s32 s10, $0x1;
	s10 =	sld [smem:$0x3FB3];
	_ =	sdelay $0x3  }
0x34: {  	[smem:$0x3FB3] =	sst s10  }
0x35: {  	s10 =	sld [smem:$0x3FB2];
	_ =	sdelay $0x3  }
0x36: {  	p1 =	seq.s32 s10, $0x1;
	s10 =	sld [smem:$0x3FB3];
	_ =	sdelay $0x3  }
0x37: {  	[smem:$0x3FB3] =	sst s10  }
0x38: {  	s10 =	sld [smem:$0x3FB4]  }
0x39: {  	_ = 	snop;
	(pc) =	sbr.ind lr, $3  }
0x3a: {  	_ = 	snop  }
0x3b: {  	_ = 	snop  }
0x3c: {  	p2 =	seq.s32 s10, $0x1;
	s10 =	sld [smem:$0x3FB3]  }
0x3d: {  	_ =	shalt  }
0x3e: {  	_ =	shalt  }
0x3f: {  	_ =	shalt  }
0x40: {  	_ =	shalt  }
0x41: {  	_ =	shalt  }
0x42: {  	_ =	shalt  }
0x43: {  	_ =	shalt  }
0x44: {  	_ =	shalt  }
0x45: {  	_ =	shalt  }
0x46: {  	_ =	shalt  }
0x47: {  	_ =	shalt  }
0x48: {  	_ =	shalt  }
0x49: {  	_ =	shalt  }
0x4a: {  	_ =	shalt  }
0x4b: {  	_ =	shalt  }
0x4c: {  	_ =	shalt  }
0x4d: {  	_ =	shalt  }
0x4e: {  	_ =	shalt  }
0x4f: {  	_ =	shalt  }
0x50: {  	_ =	shalt  }
0x51: {  	_ =	shalt  }
0x52: {  	_ =	shalt  }
0x53: {  	_ =	shalt  }
0x54: {  	_ =	shalt  }
0x55: {  	_ =	shalt  }
0x56: {  	_ =	shalt  }
0x57: {  	_ =	shalt  }
0x58: {  	_ =	shalt  }
0x59: {  	_ =	shalt  }
0x5a: {  	_ =	shalt  }
0x5b: {  	_ =	shalt  }
0x5c: {  	_ =	shalt  }
0x5d: {  	_ =	shalt  }
0x5e: {  	_ =	shalt  }
0x5f: {  	_ =	shalt  }
0x60: {  	_ =	shalt  }
0x61: {  	_ =	shalt  }
0x62: {  	_ =	shalt  }
0x63: {  	_ =	shalt  }
0x64: {  	_ =	shalt  }
0x65: {  	_ =	shalt  }
0x66: {  	_ =	shalt  }
0x67: {  	_ =	shalt  }
0x68: {  	_ =	shalt  }
0x69: {  	_ =	shalt  }
0x6a: {  	_ =	shalt  }
0x6b: {  	_ =	shalt  }
0x6c: {  	_ =	shalt  }
0x6d: {  	_ =	shalt  }
0x6e: {  	_ =	shalt  }
0x6f: {  	_ =	shalt  }
0x70: {  	_ =	shalt  }
0x71: {  	_ =	shalt  }
0x72: {  	_ =	shalt  }
0x73: {  	_ =	shalt  }
0x74: {  	_ =	shalt  }
0x75: {  	_ =	shalt  }
0x76: {  	_ =	shalt  }
0x77: {  	_ =	shalt  }
0x78: {  	_ =	shalt  }
0x79: {  	_ =	shalt  }
0x7a: {  	_ =	shalt  }
0x7b: {  	_ =	shalt  }
0x7c: {  	_ =	shalt  }
0x7d: {  	_ =	shalt  }
0x7e: {  	_ =	shalt  }
0x7f: {  	_ =	shalt  }
0x80: {  	_ =	shalt  }
0x81: {  	_ =	shalt  }
0x82: {  	_ =	shalt  }
0x83: {  	_ =	shalt  }
0x84: {  	_ =	shalt  }
0x85: {  	_ =	shalt  }
0x86: {  	_ =	shalt  }
0x87: {  	_ =	shalt  }
.Lfunc_end0:
.L_simem_size_0:
called_computation_lowered:
.L_overlay_start_0:
0x88: {  	s2 =	sld [smem:$0x3FD9]  }
0x89: {  	s3 =	sld [smem:$0x3FFE];
	_ =	sdelay $0x1  }
0x8a: {  	s1 =	srdreg.scid  }
0x8b: {  	s0 =	sand.u32 $0x1, s1  }
0x8c: {  	s16 =	sshll.u32 s0, $0xA;
	s2 =	sadd.s32 s3, s2  }
0x8d: {  	s2 =	sadd.s32 s2, s16  }
0x8e: {  	[smem:$0x3FBF] =	sst s2  }
0x8f: {  	_ = 	snop  }
0x90: {  	(tm) =	ssettm $0x1  }
0x91: {  	s17 =	sld [smem:$0x3FFB];
	_ =	sdelay $0x3  }
0x92: {  	_ =	strace s17  }
0x93: {  	s2 =	sld [smem:$0x3FFC];
	_ =	sdelay $0x3  }
0x94: {  	_ =	strace s2  }
0x95: {  	s2 =	sld [smem:$0x3FFD];
	_ =	sdelay $0x3  }
0x96: {  	_ =	strace s2  }
0x97: {  	_ =	strace $0x8FFFFFFF  }
0x98: {  	s18 =	sld [smem:$0x3FDB];
	_ =	sdelay $0x1  }
0x99: {  	s19 =	simm.s32 $_scs_section_size  }
0x9a: {  	s4 =	simm.s32 $_size__tile_overlayer_lowered;
	s5 =	simm.s32 $_tile_overlayer_lowered  }
0x9b: {  	s22 =	simm.s32 $0x1BFF;
	s21 =	sshll.u32 s5, $0x1;
	s2 =	sadd.s32 s19, s18  }
0x9c: {  	s6 =	simm.s32 $0x0;
	s20 =	sshll.u32 s4, $0x1;
	s4 =	sadd.s32 s21, s2  }
0x9d: {  	[timem:s6], [sflag:s22] =	dma.local [hbm:s4], s20  }
0x9e: {  	_ =	swait.ge [sflag:s22], s20  }
0x9f: {  	s3 =	ssub.s32 $0x0, s20;
	[sflag:s22] =	ssyncset.done $0x0  }
0xa0: {  	[sflag:s22] =	ssyncadd.s32 s3;
	_ =	sdelay $0x1  }
0xa1: {  	s23 =	simm.s32 $0x1B8B  }
0xa2: {  	_ =	swait.ge [sflag:s23], $0x1  }
0xa3: {  	[sflag:s23] =	ssyncset.done $0x0  }
0xa4: {  	s25 =	simm.s32 $0x1B8E;
	s24 =	sld [smem:$0x3FFE];
	[sflag:s23] =	ssyncadd.s32 $0xFFFFFFFF  }
0xa5: {  	s26 =	simm.s32 $execute0_lowered;
	[smem:$0x3FD2] =	sst s25  }
0xa6: {  	s4 =	sshll.u32 s26, $0x1;
	_ =	strace $0x80000046;
	[dreg:$0x1] =	wrdreg $0xFFFFFFFF  }
0xa7: {  	s28 =	simm.s32 $_size_execute0_lowered;
	s2 =	sadd.s32 s2, s4;
	[dreg:$0x0] =	wrdreg $0x0  }
0xa8: {  	s4 =	sshll.u32 s28, $0x1;
	[dreg:$0x2] =	wrdreg s2  }
0xa9: {  	[dreg:$0x3] =	wrdreg s4  }
0xaa: {  	[dreg:$0x4] =	wrdreg $0xC0  }
0xab: {  	_ =	task [dreg:s6], $0x5FFFF  }
0xac: {  	[dreg:$0x1] =	wrdreg $0xFFFFFFFF  }
0xad: {  	[dreg:$0x0] =	wrdreg $0x60  }
0xae: {  	[dreg:$0x2] =	wrdreg s24  }
0xaf: {  	[dreg:$0x3] =	wrdreg $0x54100  }
0xb0: {  	[dreg:$0x4] =	wrdreg $0x9  }
0xb1: {  	_ =	task.clear_ibuf [dreg:s6], $0x5FFFF;
	_ =	strace $0x90000046  }
0xb2: {  	s29 =	simm.s32 $0x9;
	_ =	strace $0x80000048  }
0xb3: {  	_ =	swait.ge [sflag:s29], $0x1  }
0xb4: {  	[sflag:s29] =	ssyncadd.s32 $0xFFFFFFFF  }
0xb5: {  	_ =	strace $0x90000048  }
0xb6: {  	_ =	sfence  }
0xb7: {  	s30 =	sld [smem:$0x0];
	_ =	sdelay $0x2  }
0xb8: {  	s31 =	sshll.u32 s1, $0xD;
	s1 =	sshrl.u32 s1, $0x2  }
0xb9: {  	s3 =	sand.u32 $0x4000, s31;
	s1 =	sadd.s32 s1, s30  }
0xba: {  	s0 =	sor.u32 s3, s0;
	s1 =	sshll.u32 s1, $0x11  }
0xbb: {  	s0 =	sor.u32 s1, s0  }
0xbc: {  	s0 =	sadd.s32 $0x8F2B, s0  }
0xbd: {  	[sflag:s0] =	ssyncadd.remote.s32 $0x1  }
0xbe: {  	_ =	sfence.sel $0xFFFF  }
0xbf: {  	[dreg:$0x0] =	wrdreg $0xFFFFFFFF;
	(pc) =	sbr.abs _section_cstart, $3  }
0xc0: {  	[dreg:$0x1] =	wrdreg $0xFFFFFFFF  }
0xc1: {  	_ =	task.clear_ibuf [dreg:s6], $0x2FFFF;
	_ =	strace $0x9FFFFFFF  }
0xc2: {  	(tm) =	ssettm $0x7FFFFFFF  }
0xc3: {  	_ =	shalt  }
tec
execute0_lowered:
.L_overlay_start_1:
0x0: {  	(tag) =	ssettag $0x1  }
0x1: {  	s4 =	rddreg [dreg:$0x0]  }
0x2: {  	s2 =	rddreg [dreg:$0x1]  }
0x3: {  	s0 =	rddreg [dreg:$0x2];
	s3 =	srdreg.scid  }
0x4: {  	s1 =	stileid.u32;
	s10 =	simm.s32 $0x2;
	s11 =	simm.s32 $0x50  }
0x5: {  	s12 =	simm.s32 $0x2710;
	s13 =	simm.s32 $0xA0;
	s14 =	simm.s32 $0xF0  }
0x6: {  	s15 =	simm.s32 $0x140;
	s16 =	simm.s32 $0x190;
	s17 =	simm.s32 $0x1E0  }
0x7: {  	s18 =	simm.s32 $0x230;
	s19 =	simm.s32 $0x1;
	s21 =	simm.s32 $0x0  }
0x8: {  	s5 =	sand.u32 $0x1, s3;
	s6 =	sshll.u32 s1, $0x1;
	s7 =	smul.u32 $0x2800, s1  }
0x9: {  	s3 =	simm.s32 $0x0;
	s20 =	sshll.u32 s1, $0x6;
	s6 =	sor.u32 s5, s6  }
0xa: {  	s8 =	smul.u32 $0x28000, s5;
	[smem:$0x7FF] =	sst s3;
	s5 =	ssub.s32 $0x2, s5  }
0xb: {  	s20 =	sor.u32 $0x1C03, s20;
	s6 =	smul.u32 $0x4E2, s6;
	s9 =	sshrl.u32 s5, $0x1  }
0xc: {  	_ =	strace $0x80000047;
	s8 =	sadd.s32 s7, s8;
	s9 =	ssub.s32 s5, s9  }
0xd: {  	s5 =	sadd.s32 s7, s2;
	s6 =	sadd.s32 s6, s4;
	s8 =	sshrl.u32 s8, $0x3  }
0xe: {  	s7 =	smax.u32 s9, $0x1;
	s9 =	simm.s32 $0x3;
	s8 =	sadd.s32 s8, s4  }
0xf: {  	v0 =	vimm.f32 $1.000000000e+00;
	v1 =	vimm.f32 $0.0e+00;
	s4 =	sadd.s32 $0x2E00, s6;
	s6 =	sadd.s32 $0xCC00, s8;
	s8 =	simm.s32 $0x2C10  }
.LBB2_1:
0x10: {  	[tilespmem:s3], [sflag:$0x2] =	stream.linear.gather [hbm4b:s4+s3], $0x2710, $0x38;
	[tilespmem:$0x7C10] =	vst v63  }
0x11: {  	s22 =	simm.s32 $0x0  }
.LBB2_2:
0x12: {  	p0 =	sne.s32 s22, $0x13C0  }
.Ltmp0:
0x13: {  	_ = 	snop;
	(pc) =	sbr.rel @p0 .LBB2_2-.Ltmp0, $3  }
0x14: {  	_ =	sdelay $0x1  }
0x15: {  	s23 =	sshra.s32 s22, $0x2  }
0x16: {  	s22 =	sadd.s32 $0x40, s22;
	[tilespmem:s23+$0x2710] =	vst v0  }
0x17: {  	s22 =	simm.s32 $0x40;
	s23 =	simm.s32 $0x0  }
.LBB2_4:
0x18: {  	p0 =	sne.s32 s22, $0x9FC0;
	[tilespmem:s23+$0x2C10] =	vst v1;
	s23 =	smov.u32 s22;
	s22 =	sadd.s32 $0x40, s22  }
.Ltmp1:
0x19: {  	(pc) =	sbr.rel @p0 .LBB2_4-.Ltmp1, $2  }
0x1a: {  	_ =	sdelay $0x2  }
0x1b: {  	s23 =	sshra.s32 s23, $0x2  }
0x1c: {  	[tilespmem:s23+$0x2C10] =	vst v1  }
0x1d: {  	[spmem:s5] =	stream.linear.scatter [tilespmem:s8], [sflag:$0x3], $0x2800, $0x38;
	[tilespmem:$0x7C10] =	vst v63  }
0x1e: {  	_ =	swait.ge [sflag:s9], $0x2800  }
0x1f: {  	[sflag:s9] =	ssyncset.done $0x0  }
0x20: {  	[sflag:s9] =	ssyncadd.s32 $0xFFFFD800  }
0x21: {  	[bflag:$0x0] =	sbarrier.arrive $0xFFFF  }
0x22: {  	_ =	swait.ge [sflag:s10], $0x2710  }
0x23: {  	[sflag:s10] =	ssyncset.done $0x0  }
0x24: {  	[sflag:s10] =	ssyncadd.s32 $0xFFFFD8F0  }
0x25: {  	[spmem:s2] =	stream.indirect.scatter.add.f32 [tilespmem:s12], [sflag:$0x1], $0x10, s3, s11, $0xb8;
	[tilespmem:$0x7C10] =	vst v63  }
0x26: {  	_ = 	snop  }
0x27: {  	[spmem:s2] =	stream.indirect.scatter.add.f32 [tilespmem:s12], [sflag:$0x1], $0x10, s11, s11, $0xb8;
	[tilespmem:$0x7C10] =	vst v63  }
0x28: {  	_ = 	snop  }
0x29: {  	[spmem:s2] =	stream.indirect.scatter.add.f32 [tilespmem:s12], [sflag:$0x1], $0x10, s13, s11, $0xb8;
	[tilespmem:$0x7C10] =	vst v63  }
0x2a: {  	_ = 	snop  }
0x2b: {  	[spmem:s2] =	stream.indirect.scatter.add.f32 [tilespmem:s12], [sflag:$0x1], $0x10, s14, s11, $0xb8;
	[tilespmem:$0x7C10] =	vst v63  }
0x2c: {  	_ = 	snop  }
0x2d: {  	[spmem:s2] =	stream.indirect.scatter.add.f32 [tilespmem:s12], [sflag:$0x1], $0x10, s15, s11, $0xb8;
	[tilespmem:$0x7C10] =	vst v63  }
0x2e: {  	_ = 	snop  }
0x2f: {  	[spmem:s2] =	stream.indirect.scatter.add.f32 [tilespmem:s12], [sflag:$0x1], $0x10, s16, s11, $0xb8;
	[tilespmem:$0x7C10] =	vst v63  }
0x30: {  	_ = 	snop  }
0x31: {  	[spmem:s2] =	stream.indirect.scatter.add.f32 [tilespmem:s12], [sflag:$0x1], $0x10, s17, s11, $0xb8;
	[tilespmem:$0x7C10] =	vst v63  }
0x32: {  	_ = 	snop  }
0x33: {  	[spmem:s2] =	stream.indirect.scatter.add.f32 [tilespmem:s12], [sflag:$0x1], $0x10, s18, s11, $0xb8;
	[tilespmem:$0x7C10] =	vst v63  }
0x34: {  	_ =	swait.ge [sflag:s19], $0x500  }
0x35: {  	[sflag:s19] =	ssyncset.done $0x0  }
0x36: {  	s22 =	simm.s32 $0xB40;
	s23 =	simm.s32 $0x280;
	[sflag:s19] =	ssyncadd.s32 $0xFFFFFB00  }
.LBB2_6:
0x37: {  	[spmem:s2] =	stream.indirect.scatter.add.f32 [tilespmem:s12], [sflag:$0x1], $0x10, s23, s11, $0xb8;
	[tilespmem:$0x7C10] =	vst v63  }
0x38: {  	s23 =	smov.u32 s22;
	p0 =	sne.s32 s22, $0x9B00  }
.Ltmp2:
0x39: {  	s22 =	sadd.s32 $0x140, s22;
	(pc) =	sbr.rel @p0 .LBB2_6-.Ltmp2, $4  }
0x3a: {  	_ = 	snop  }
0x3b: {  	_ =	swait.ge [sflag:s19], $0x500  }
0x3c: {  	[sflag:s19] =	ssyncset.done $0x0  }
0x3d: {  	s23 =	sshra.s32 s23, $0x2;
	[sflag:s19] =	ssyncadd.s32 $0xFFFFFB00  }
0x3e: {  	[spmem:s2] =	stream.indirect.scatter.add.f32 [tilespmem:s12], [sflag:$0x1], $0x10, s23, s11, $0xb8;
	[tilespmem:$0x7C10] =	vst v63  }
0x3f: {  	_ =	swait.ge [sflag:s19], $0x500  }
0x40: {  	[sflag:s19] =	ssyncset.done $0x0  }
0x41: {  	[sflag:s19] =	ssyncadd.s32 $0xFFFFFB00  }
0x42: {  	_ =	swait.ge [sflag:s19], $0x500  }
0x43: {  	[sflag:s19] =	ssyncset.done $0x0  }
0x44: {  	[sflag:s19] =	ssyncadd.s32 $0xFFFFFB00  }
0x45: {  	_ =	swait.ge [sflag:s19], $0x500  }
0x46: {  	[sflag:s19] =	ssyncset.done $0x0  }
0x47: {  	[sflag:s19] =	ssyncadd.s32 $0xFFFFFB00  }
0x48: {  	_ =	swait.ge [sflag:s19], $0x500  }
0x49: {  	[sflag:s19] =	ssyncset.done $0x0  }
0x4a: {  	[sflag:s19] =	ssyncadd.s32 $0xFFFFFB00  }
0x4b: {  	_ =	swait.ge [sflag:s19], $0x500  }
0x4c: {  	[sflag:s19] =	ssyncset.done $0x0  }
0x4d: {  	[sflag:s19] =	ssyncadd.s32 $0xFFFFFB00  }
0x4e: {  	_ =	swait.ge [sflag:s19], $0x500  }
0x4f: {  	[sflag:s19] =	ssyncset.done $0x0  }
0x50: {  	[sflag:s19] =	ssyncadd.s32 $0xFFFFFB00  }
0x51: {  	_ =	swait.ge [sflag:s19], $0x500  }
0x52: {  	[sflag:s19] =	ssyncset.done $0x0  }
0x53: {  	[sflag:s19] =	ssyncadd.s32 $0xFFFFFB00  }
0x54: {  	_ =	swait.ge [sflag:s19], $0x500  }
0x55: {  	s21 =	sadd.s32 $0x1, s21;
	[sflag:s19] =	ssyncset.done $0x0  }
0x56: {  	p0 =	sne.s32 s21, s7;
	[sflag:s19] =	ssyncadd.s32 $0xFFFFFB00  }
.Ltmp3:
0x57: {  	s22 =	sshrl.u32 s5, $0x3;
	[bflag:$0x0] =	sbarrier.arrive $0xFFFF;
	(pc) =	sbr.rel @p0 .LBB2_1-.Ltmp3, $4  }
0x58: {  	[hbm:s6], [sflag:s20] =	dma.local [spmem:s22], $0x500  }
0x59: {  	_ =	swait.ge [sflag:s9], $0x500  }
0x5a: {  	[sflag:s9] =	ssyncset.done $0x0  }
0x5b: {  	[sflag:s9] =	ssyncadd.s32 $0xFFFFFB00  }
0x5c: {  	_ =	sfence.sel $0x180000  }
0x5d: {  	[bflag:$0x0] =	sbarrier.arrive $0xFFFF  }
0x5e: {  	p0 =	sne.s32 s1, $0x0;
	_ =	strace $0x90000047  }
0x5f: {  	s0 =	sadd.s32 @!p0 $0x100000, s0;
	[bflag:$0x2] =	sbarrier.arrive $0xFFFF  }
0x60: {  	[sflag:s0] =	ssyncadd.tile.s32 @!p0 $0x1;
	_ =	shalt  }
.Lfunc_end2:
_tile_overlayer_lowered:
.L_overlay_start_2:
0x61: {  	(tag) =	ssettag $0x2  }
0x62: {  	s0 =	rddreg [dreg:$0x0];
	s2 =	stileid.u32  }
0x63: {  	s1 =	rddreg [dreg:$0x1];
	p0 =	sne.s32 s2, $0x0  }
0x64: {  	s3 =	rddreg [dreg:$0x2];
	[bflag:$0x3] =	sbarrier.arrive $0xFFFF;
	s2 =	simm.s32 @!p0 $0x1C03  }
0x65: {  	[timem:s3], [sflag:s2] =	dma.local @!p0 [hbm:s0], s1  }
0x66: {  	s0 =	simm.s32 @!p0 $0x3  }
0x67: {  	_ =	swait.ge @!p0 [sflag:s0], s1  }
0x68: {  	s1 =	ssub.s32 @!p0 $0x0, s1;
	[sflag:s0] =	ssyncset.done @!p0 $0x0  }
0x69: {  	[sflag:s0] =	ssyncadd.s32 @!p0 s1  }
0x6a: {  	[bflag:$0x3] =	sbarrier.arrive $0xFFFF  }
0x6b: {  	_ =	shalt  }

</sc_bundles>
